<compile_context>
chip_gen: v7x
topology: tpu7x:2x2x1
jax: 0.10.2.dev20260603
libtpu: 0.0.44.dev20260713+nightly
codegen_flags: <defaults>
</compile_context>

<pallas_src>
import functools

import jax
import jax.numpy as jnp
from jax import lax
from jax.experimental import pallas as pl
from jax.experimental.pallas import tpu as pltpu
from jax.experimental.pallas import tpu_sc as plsc

_NC = 2
_NS = 16
_NW = _NC * _NS


def _sc_degrees(src_r, dst_r, n_pad):
  _, nblk, K = src_r.shape
  zchunk = n_pad // _NS
  NBR = 5
  nround = nblk // NBR

  mesh = plsc.VectorSubcoreMesh(core_axis_name="c", subcore_axis_name="s")

  @functools.partial(
      pl.kernel,
      out_type=[
          jax.ShapeDtypeStruct((_NC, n_pad), jnp.float32),
          jax.ShapeDtypeStruct((_NC, n_pad), jnp.float32),
      ],
      mesh=mesh,
      scratch_types=[
          pltpu.VMEM((nblk, K), jnp.int32),
          pltpu.VMEM((nblk, K), jnp.int32),
          pltpu.VMEM((K,), jnp.float32),
          pltpu.VMEM((zchunk,), jnp.float32),
          pltpu.VMEM_SHARED((n_pad,), jnp.float32),
          pltpu.VMEM_SHARED((n_pad,), jnp.float32),
          [pltpu.SemaphoreType.DMA] * 4,
      ],
  )
  def k(src_h, dst_h, dego_h, degi_h, idx_o, idx_i, ones_v, zbuf,
        acco_s, acci_s, isem):
    c = lax.axis_index("c")
    s = lax.axis_index("s")
    wid = s * _NC + c

    @pl.loop(0, zchunk // 16)
    def _(i):
      zbuf[pl.ds(i * 16, 16)] = jnp.zeros((16,), jnp.float32)

    @pl.loop(0, K // 16)
    def _(i):
      ones_v[pl.ds(i * 16, 16)] = jnp.ones((16,), jnp.float32)

    pltpu.sync_copy(zbuf, acco_s.at[pl.ds(s * zchunk, zchunk)])
    pltpu.sync_copy(zbuf, acci_s.at[pl.ds(s * zchunk, zchunk)])
    pltpu.sync_copy(src_h.at[wid], idx_o)
    pltpu.sync_copy(dst_h.at[wid], idx_i)
    plsc.subcore_barrier()

    NB = 4
    nround = nblk // NB
    ntail = nblk - nround * NB

    def fire(j, b):
      pltpu.async_copy(ones_v, acco_s.at[idx_o.at[j]], isem[b], add=True)
      pltpu.async_copy(ones_v, acci_s.at[idx_i.at[j]], isem[b], add=True)

    def drain(b):
      pltpu.make_async_copy(ones_v, acco_s.at[idx_o.at[0]], isem[b]).wait()
      pltpu.make_async_copy(ones_v, acci_s.at[idx_i.at[0]], isem[b]).wait()

    for b in range(NB):
      fire(b, b)

    @pl.loop(0, nround - 1)
    def _(r):
      for b in range(NB):
        drain(b)
        fire((r + 1) * NB + b, b)

    for b in range(NB):
      drain(b)
    for t in range(ntail):
      fire(nround * NB + t, 0)
      drain(0)

    plsc.subcore_barrier()
    pltpu.sync_copy(acco_s.at[pl.ds(s * zchunk, zchunk)],
                    dego_h.at[c, pl.ds(s * zchunk, zchunk)])
    pltpu.sync_copy(acci_s.at[pl.ds(s * zchunk, zchunk)],
                    degi_h.at[c, pl.ds(s * zchunk, zchunk)])

  return k(src_r, dst_r)


def _sc_aggregate(h, src, dst, n_pad):
  E = src.shape[0]
  D = h.shape[1]
  per_w = (E - 3 * 80) // _NW
  K = 80
  nblk = per_w // K
  NB = 4
  nround = nblk // NB
  ntail = nblk - nround * NB
  npair = (nround - 1) // 2
  rchunk = n_pad // _NS

  mesh = plsc.VectorSubcoreMesh(core_axis_name="c", subcore_axis_name="s")

  @functools.partial(
      pl.kernel,
      out_type=jax.ShapeDtypeStruct((_NC, n_pad, D), jnp.float32),
      mesh=mesh,
      scratch_types=[
          [pltpu.VMEM((K,), jnp.int32)] * NB,
          [pltpu.VMEM((K,), jnp.int32)] * NB,
          [pltpu.VMEM((K, D), jnp.float32)] * NB,
          [pltpu.SemaphoreType.DMA] * NB,
          [pltpu.SemaphoreType.DMA] * NB,
          [pltpu.SemaphoreType.DMA] * NB,
          pltpu.VMEM_SHARED((n_pad, D), jnp.float32),
      ],
  )
  def k(h_h, src_h, dst_h, out_h, sidx, didx, rows, isem, gsem, ssem, acc_s):
    c = lax.axis_index("c")
    s = lax.axis_index("s")
    wid = s * _NC + c
    base = wid * per_w

    @pl.loop(0, K)
    def _(i):
      for j in range(D // 16):
        rows[0][i, pl.ds(j * 16, 16)] = jnp.zeros((16,), jnp.float32)

    @pl.loop(0, rchunk // K)
    def _(q):
      pltpu.sync_copy(rows[0], acc_s.at[pl.ds(s * rchunk + q * K, K)])

    plsc.subcore_barrier()

    def load_idx(j, b):
      pltpu.async_copy(src_h.at[pl.ds(base + j * K, K)], sidx[b], isem[b])
      pltpu.async_copy(dst_h.at[pl.ds(base + j * K, K)], didx[b], isem[b])

    def wait_idx(b):
      pltpu.make_async_copy(src_h.at[pl.ds(0, K)], sidx[b], isem[b]).wait()
      pltpu.make_async_copy(dst_h.at[pl.ds(0, K)], didx[b], isem[b]).wait()

    def gather(b):
      pltpu.async_copy(h_h.at[sidx[b]], rows[b], gsem[b])

    def wait_gather(b):
      pltpu.make_async_copy(h_h.at[sidx[b]], rows[b], gsem[b]).wait()

    def scatter(b):
      pltpu.async_copy(rows[b], acc_s.at[didx[b]], ssem[b], add=True)

    def wait_scatter(b):
      pltpu.make_async_copy(rows[b], acc_s.at[didx[b]], ssem[b]).wait()

    for b in range(NB):
      load_idx(b, b)
    for b in range(NB):
      wait_idx(b)
      gather(b)

    @pl.loop(0, nround - 1)
    def _(r):
      for b in range(NB):
        wait_gather(b)
        scatter(b)
      for b in range(NB):
        wait_scatter(b)
        load_idx((r + 1) * NB + b, b)
      for b in range(NB):
        wait_idx(b)
        gather(b)

    for b in range(NB):
      wait_gather(b)
      scatter(b)
    for b in range(NB):
      wait_scatter(b)

    for t in range(ntail):
      j = nround * NB + t
      load_idx(j, 0)
      wait_idx(0)
      gather(0)
      wait_gather(0)
      scatter(0)
      wait_scatter(0)

    plsc.subcore_barrier()
    pltpu.sync_copy(acc_s.at[pl.ds(s * rchunk, rchunk)],
                    out_h.at[c, pl.ds(s * rchunk, rchunk)])

  return k(h, src, dst)


def _norm_from_deg(deg_parts):
  d = deg_parts[0] + deg_parts[1]
  return jnp.where(d > 0, lax.rsqrt(jnp.maximum(d, 1.0)), 0.0)


def _tc_scale_matmul(x, W, dego, n_pad):
  B = 1024
  grid = n_pad // B
  D = x.shape[1]

  def body(x_ref, w_ref, dg_ref, o_ref):
    norm = _norm_from_deg(dg_ref[...])
    o_ref[...] = jnp.dot(x_ref[...] * norm, w_ref[...],
                         preferred_element_type=jnp.float32)

  return pl.pallas_call(
      body,
      grid=(grid,),
      in_specs=[
          pl.BlockSpec((B, D), lambda i: (i, 0)),
          pl.BlockSpec((D, D), lambda i: (0, 0)),
          pl.BlockSpec((_NC, B, 1), lambda i: (0, i, 0)),
      ],
      out_specs=pl.BlockSpec((B, D), lambda i: (i, 0)),
      out_shape=jax.ShapeDtypeStruct((n_pad, D), jnp.float32),
  )(x, W, dego)


def _tc_combine_relu_matmul(aggp, degi, dego, b, W, n_pad):
  B = 1024
  grid = n_pad // B
  D = aggp.shape[2]

  def body(p_ref, di_ref, do_ref, b_ref, w_ref, o_ref):
    a = p_ref[0] + p_ref[1]
    ni = _norm_from_deg(di_ref[...])
    o1 = jnp.maximum(a * ni + b_ref[...], 0.0)
    no = _norm_from_deg(do_ref[...])
    o_ref[...] = jnp.dot(o1 * no, w_ref[...],
                         preferred_element_type=jnp.float32)

  return pl.pallas_call(
      body,
      grid=(grid,),
      in_specs=[
          pl.BlockSpec((_NC, B, D), lambda i: (0, i, 0)),
          pl.BlockSpec((_NC, B, 1), lambda i: (0, i, 0)),
          pl.BlockSpec((_NC, B, 1), lambda i: (0, i, 0)),
          pl.BlockSpec((1, D), lambda i: (0, 0)),
          pl.BlockSpec((D, D), lambda i: (0, 0)),
      ],
      out_specs=pl.BlockSpec((B, D), lambda i: (i, 0)),
      out_shape=jax.ShapeDtypeStruct((n_pad, D), jnp.float32),
  )(aggp, degi, dego, b, W)


def _tc_combine_relu(aggp, degi, b, n_pad):
  B = 1024
  grid = n_pad // B
  D = aggp.shape[2]

  def body(p_ref, di_ref, b_ref, o_ref):
    a = p_ref[0] + p_ref[1]
    ni = _norm_from_deg(di_ref[...])
    o_ref[...] = jnp.maximum(a * ni + b_ref[...], 0.0)

  return pl.pallas_call(
      body,
      grid=(grid,),
      in_specs=[
          pl.BlockSpec((_NC, B, D), lambda i: (0, i, 0)),
          pl.BlockSpec((_NC, B, 1), lambda i: (0, i, 0)),
          pl.BlockSpec((1, D), lambda i: (0, 0)),
      ],
      out_specs=pl.BlockSpec((B, D), lambda i: (i, 0)),
      out_shape=jax.ShapeDtypeStruct((n_pad, D), jnp.float32),
  )(aggp, degi, b)


def kernel(x, edge_index, W1, b1, W2, b2):
  n, D = x.shape
  n_pad = 10240
  E = edge_index.shape[1]
  K = 80
  nblk = E // _NW // K
  src = edge_index[0]
  dst = edge_index[1]
  src_r = src.reshape(_NW, nblk, K)
  dst_r = dst.reshape(_NW, nblk, K)
  src_p = jnp.pad(src, (0, 3 * K))
  dst_p = jnp.pad(dst, (0, 3 * K))

  dego_p, degi_p = _sc_degrees(src_r, dst_r, n_pad)
  dego = dego_p.reshape(_NC, n_pad, 1)
  degi = degi_p.reshape(_NC, n_pad, 1)

  x_pad = jnp.pad(x, ((0, n_pad - n), (0, 0)))
  b1r = b1.reshape(1, D)
  b2r = b2.reshape(1, D)

  h1 = _tc_scale_matmul(x_pad, W1, dego, n_pad)
  agg1 = _sc_aggregate(h1, src_p, dst_p, n_pad)
  h2 = _tc_combine_relu_matmul(agg1, degi, dego, b1r, W2, n_pad)
  agg2 = _sc_aggregate(h2, src_p, dst_p, n_pad)
  out = _tc_combine_relu(agg2, degi, b2r, n_pad)
  return out[:n]

# --- scband reference (transcript-rebuilt; emitter-appended) ---
"""Pipeline reference for scband-gnnmodel-23003844838150 (READ-ONLY COPY).

The authoritative reference and input builder live on the scoring server;
editing this copy changes nothing except your own understanding.
"""

import jax, jax.numpy as jnp
import numpy as np

N = 10000
E = 320000
D_IN = 128
D_OUT = 128


def setup_inputs(seed: int = 0) -> dict:
    key = jax.random.key(seed)
    k1, k2, k3, k4, k5, k6 = jax.random.split(key, 6)
    x = jax.random.normal(k1, (N, D_IN), dtype=jnp.float32)
    edge_index = jax.random.randint(k2, (2, E), 0, N, dtype=jnp.int32)
    W1 = jax.random.normal(k3, (D_IN, D_OUT), dtype=jnp.float32) * (1.0 / np.sqrt(D_IN))
    b1 = jnp.zeros((D_OUT,), dtype=jnp.float32)
    W2 = jax.random.normal(k4, (D_OUT, D_OUT), dtype=jnp.float32) * (1.0 / np.sqrt(D_OUT))
    b2 = jnp.zeros((D_OUT,), dtype=jnp.float32)
    return {"x": x, "edge_index": edge_index, "W1": W1, "b1": b1, "W2": W2, "b2": b2}


def _graph_conv(x, src, dst, W, b):
    # DGL GraphConv with norm='both', allow_zero_in_degree=True
    ones = jnp.ones((src.shape[0],), dtype=x.dtype)
    deg_out = jax.ops.segment_sum(ones, src, num_segments=N)
    deg_in = jax.ops.segment_sum(ones, dst, num_segments=N)
    norm_src = jnp.where(deg_out > 0, jax.lax.rsqrt(jnp.maximum(deg_out, 1.0)), 0.0)
    norm_dst = jnp.where(deg_in > 0, jax.lax.rsqrt(jnp.maximum(deg_in, 1.0)), 0.0)
    h = x * norm_src[:, None]
    h = h @ W
    msgs = jnp.take(h, src, axis=0)
    agg = jax.ops.segment_sum(msgs, dst, num_segments=N)
    out = agg * norm_dst[:, None] + b
    return jax.nn.relu(out)


def reference(x, edge_index, W1, b1, W2, b2):
    src = edge_index[0]
    dst = edge_index[1]
    h = _graph_conv(x, src, dst, W1, b1)
    h = _graph_conv(h, src, dst, W2, b2)
    return h

if __name__ == "__main__":
    import jax
    _d = setup_inputs()
    print(jax.jit(kernel)(*tuple(_d.values())))

</pallas_src>

<mosaic_0001>
#map = affine_map<(d0, d1) -> (0, 0, 0)>
#map1 = affine_map<(d0, d1) -> (0, 0)>
module attributes {stable_mosaic.version = 14 : i64} {
  func.func @k(%arg0: i32, %arg1: i32, %arg2: memref<32x125x80xi32, #tpu.memory_space<hbm>>, %arg3: memref<32x125x80xi32, #tpu.memory_space<hbm>>, %arg4: memref<2x10240xf32, #tpu.memory_space<hbm>>, %arg5: memref<2x10240xf32, #tpu.memory_space<hbm>>, %arg6: memref<125x80xi32, #tpu.memory_space<vmem>>, %arg7: memref<125x80xi32, #tpu.memory_space<vmem>>, %arg8: memref<80xf32, #tpu.memory_space<vmem>>, %arg9: memref<640xf32, #tpu.memory_space<vmem>>, %arg10: memref<10240xf32, #tpu.memory_space<vmem_shared>>, %arg11: memref<10240xf32, #tpu.memory_space<vmem_shared>>, %arg12: memref<!tpu.dma_semaphore, #tpu.memory_space<semaphore_mem>>, %arg13: memref<!tpu.dma_semaphore, #tpu.memory_space<semaphore_mem>>, %arg14: memref<!tpu.dma_semaphore, #tpu.memory_space<semaphore_mem>>, %arg15: memref<!tpu.dma_semaphore, #tpu.memory_space<semaphore_mem>>) attributes {dimension_semantics = [#tpu.dimension_semantics<core_parallel>, #tpu.dimension_semantics<subcore_parallel>], iteration_bounds = array<i64: 2, 16>, scalar_prefetch = 0 : i64, scratch_operands = 10 : i64, tpu.core_type = #tpu.core_type<sc_vector_subcore>, window_params = [{transform_indices = #map}, {transform_indices = #map}, {transform_indices = #map1}, {transform_indices = #map1}]} {
    %mul3A = arith.constant 2 : i32
    %mul3A_0 = arith.muli %arg1, %mul3A : i32
    %add3A = arith.addi %mul3A_0, %arg0 : i32
    %scan3A = arith.constant 0 : i32
    %scan3A_1 = arith.constant 40 : i32
    %scan3A_2 = arith.addi %scan3A, %scan3A_1 : i32
    %scan3A_3 = arith.constant 1 : i32
    scf.for %scan3A_146 = %scan3A to %scan3A_2 step %scan3A_3  : i32 {
      %mul3A_147 = arith.constant 1 : i32
      %mul3A_148 = arith.muli %scan3A_146, %mul3A_147 : i32
      %add3A_149 = arith.constant 0 : i32
      %add3A_150 = arith.addi %add3A_149, %mul3A_148 : i32
      %broadcast_in_dim3A = arith.constant 0.000000e+00 : f32
      %broadcast_in_dim3A_151 = vector.broadcast %broadcast_in_dim3A : f32 to vector<16xf32>
      %mul3A_152 = arith.constant 16 : i32
      %mul3A_153 = arith.muli %add3A_150, %mul3A_152 : i32
      %swap3A = arith.index_cast %mul3A_153 : i32 to index
      %swap3A_154 = tpu.vector_load %arg9[%swap3A] {strides = array<i32>} : memref<640xf32, #tpu.memory_space<vmem>>, vector<16xf32>,
      %swap3A_155 = vector.shape_cast %swap3A_154 : vector<16xf32> to vector<16xf32>
      %swap3A_156 = vector.shape_cast %broadcast_in_dim3A_151 : vector<16xf32> to vector<16xf32>
      tpu.vector_store %arg9[%swap3A], %swap3A_156 {strides = array<i32>} : memref<640xf32, #tpu.memory_space<vmem>>, vector<16xf32>,
    }
    %scan3A_4 = arith.constant 40 : i32
    %scan3A_5 = arith.constant 0 : i32
    %scan3A_6 = arith.constant 5 : i32
    %scan3A_7 = arith.addi %scan3A_5, %scan3A_6 : i32
    %scan3A_8 = arith.constant 1 : i32
    scf.for %scan3A_146 = %scan3A_5 to %scan3A_7 step %scan3A_8  : i32 {
      %mul3A_147 = arith.constant 1 : i32
      %mul3A_148 = arith.muli %scan3A_146, %mul3A_147 : i32
      %add3A_149 = arith.constant 0 : i32
      %add3A_150 = arith.addi %add3A_149, %mul3A_148 : i32
      %broadcast_in_dim3A = arith.constant 1.000000e+00 : f32
      %broadcast_in_dim3A_151 = vector.broadcast %broadcast_in_dim3A : f32 to vector<16xf32>
      %mul3A_152 = arith.constant 16 : i32
      %mul3A_153 = arith.muli %add3A_150, %mul3A_152 : i32
      %swap3A = arith.index_cast %mul3A_153 : i32 to index
      %swap3A_154 = tpu.vector_load %arg8[%swap3A] {strides = array<i32>} : memref<80xf32, #tpu.memory_space<vmem>>, vector<16xf32>,
      %swap3A_155 = vector.shape_cast %swap3A_154 : vector<16xf32> to vector<16xf32>
      %swap3A_156 = vector.shape_cast %broadcast_in_dim3A_151 : vector<16xf32> to vector<16xf32>
      tpu.vector_store %arg8[%swap3A], %swap3A_156 {strides = array<i32>} : memref<80xf32, #tpu.memory_space<vmem>>, vector<16xf32>,
    }
    %scan3A_9 = arith.constant 5 : i32
    %mul3A_10 = arith.constant 640 : i32
    %mul3A_11 = arith.muli %arg1, %mul3A_10 : i32
    "tpu.region"() ({
      %run_scoped3A = tpu.sem_alloc : memref<!tpu.dma_semaphore, #tpu.memory_space<semaphore_mem>>
      %dma_start3A_146 = tpu.memref_slice %arg10[%mul3A_11] : memref<10240xf32, #tpu.memory_space<vmem_shared>> -> memref<640xf32, #tpu.memory_space<vmem_shared>>
      %dma_start3A_147 = tpu.memref_slice %arg10[%mul3A_11] : memref<10240xf32, #tpu.memory_space<vmem_shared>> -> memref<640xf32, #tpu.memory_space<vmem_shared>>
      tpu.enqueue_dma source(%arg9 : memref<640xf32, #tpu.memory_space<vmem>>) target(%dma_start3A_147 : memref<640xf32, #tpu.memory_space<vmem_shared>>) target_semaphore(%run_scoped3A : memref<!tpu.dma_semaphore, #tpu.memory_space<semaphore_mem>>)
      %dma_wait3A_148 = tpu.memref_slice %arg10[%mul3A_11] : memref<10240xf32, #tpu.memory_space<vmem_shared>> -> memref<640xf32, #tpu.memory_space<vmem_shared>>
      %dma_wait3A_149 = tpu.memref_slice %arg10[%mul3A_11] : memref<10240xf32, #tpu.memory_space<vmem_shared>> -> memref<640xf32, #tpu.memory_space<vmem_shared>>
      tpu.wait_dma2 semaphore(%run_scoped3A : memref<!tpu.dma_semaphore, #tpu.memory_space<semaphore_mem>>) src(%arg9 : memref<640xf32, #tpu.memory_space<vmem>>) dst(%dma_wait3A_149 : memref<640xf32, #tpu.memory_space<vmem_shared>>)
      tpu.yield
    }) : () -> ()
    %mul3A_12 = arith.constant 640 : i32
    %mul3A_13 = arith.muli %arg1, %mul3A_12 : i32
    "tpu.region"() ({
      %run_scoped3A = tpu.sem_alloc : memref<!tpu.dma_semaphore, #tpu.memory_space<semaphore_mem>>
      %dma_start3A_146 = tpu.memref_slice %arg11[%mul3A_13] : memref<10240xf32, #tpu.memory_space<vmem_shared>> -> memref<640xf32, #tpu.memory_space<vmem_shared>>
      %dma_start3A_147 = tpu.memref_slice %arg11[%mul3A_13] : memref<10240xf32, #tpu.memory_space<vmem_shared>> -> memref<640xf32, #tpu.memory_space<vmem_shared>>
      tpu.enqueue_dma source(%arg9 : memref<640xf32, #tpu.memory_space<vmem>>) target(%dma_start3A_147 : memref<640xf32, #tpu.memory_space<vmem_shared>>) target_semaphore(%run_scoped3A : memref<!tpu.dma_semaphore, #tpu.memory_space<semaphore_mem>>)
      %dma_wait3A_148 = tpu.memref_slice %arg11[%mul3A_13] : memref<10240xf32, #tpu.memory_space<vmem_shared>> -> memref<640xf32, #tpu.memory_space<vmem_shared>>
      %dma_wait3A_149 = tpu.memref_slice %arg11[%mul3A_13] : memref<10240xf32, #tpu.memory_space<vmem_shared>> -> memref<640xf32, #tpu.memory_space<vmem_shared>>
      tpu.wait_dma2 semaphore(%run_scoped3A : memref<!tpu.dma_semaphore, #tpu.memory_space<semaphore_mem>>) src(%arg9 : memref<640xf32, #tpu.memory_space<vmem>>) dst(%dma_wait3A_149 : memref<640xf32, #tpu.memory_space<vmem_shared>>)
      tpu.yield
    }) : () -> ()
    "tpu.region"() ({
      %run_scoped3A = tpu.sem_alloc : memref<!tpu.dma_semaphore, #tpu.memory_space<semaphore_mem>>
      %dma_start3A_146 = arith.constant 0 : i32
      %dma_start3A_147 = arith.constant 0 : i32
      %dma_start3A_148 = tpu.memref_slice %arg2[%add3A, %dma_start3A_146, %dma_start3A_147] : memref<32x125x80xi32, #tpu.memory_space<hbm>> -> memref<1x125x80xi32, #tpu.memory_space<hbm>>
      %dma_start3A_149 = tpu.memref_squeeze %dma_start3A_148 : memref<1x125x80xi32, #tpu.memory_space<hbm>> -> memref<125x80xi32, #tpu.memory_space<hbm>>
      %dma_start3A_150 = arith.constant 0 : i32
      %dma_start3A_151 = arith.constant 0 : i32
      %dma_start3A_152 = tpu.memref_slice %arg2[%add3A, %dma_start3A_150, %dma_start3A_151] : memref<32x125x80xi32, #tpu.memory_space<hbm>> -> memref<1x125x80xi32, #tpu.memory_space<hbm>>
      %dma_start3A_153 = tpu.memref_squeeze %dma_start3A_152 : memref<1x125x80xi32, #tpu.memory_space<hbm>> -> memref<125x80xi32, #tpu.memory_space<hbm>>
      tpu.enqueue_dma source(%dma_start3A_153 : memref<125x80xi32, #tpu.memory_space<hbm>>) target(%arg6 : memref<125x80xi32, #tpu.memory_space<vmem>>) target_semaphore(%run_scoped3A : memref<!tpu.dma_semaphore, #tpu.memory_space<semaphore_mem>>)
      %dma_wait3A_154 = arith.constant 0 : i32
      %dma_wait3A_155 = arith.constant 0 : i32
      %dma_wait3A_156 = tpu.memref_slice %arg2[%add3A, %dma_wait3A_154, %dma_wait3A_155] : memref<32x125x80xi32, #tpu.memory_space<hbm>> -> memref<1x125x80xi32, #tpu.memory_space<hbm>>
      %dma_wait3A_157 = tpu.memref_squeeze %dma_wait3A_156 : memref<1x125x80xi32, #tpu.memory_space<hbm>> -> memref<125x80xi32, #tpu.memory_space<hbm>>
      %dma_wait3A_158 = arith.constant 0 : i32
      %dma_wait3A_159 = arith.constant 0 : i32
      %dma_wait3A_160 = tpu.memref_slice %arg2[%add3A, %dma_wait3A_158, %dma_wait3A_159] : memref<32x125x80xi32, #tpu.memory_space<hbm>> -> memref<1x125x80xi32, #tpu.memory_space<hbm>>
      %dma_wait3A_161 = tpu.memref_squeeze %dma_wait3A_160 : memref<1x125x80xi32, #tpu.memory_space<hbm>> -> memref<125x80xi32, #tpu.memory_space<hbm>>
      tpu.wait_dma2 semaphore(%run_scoped3A : memref<!tpu.dma_semaphore, #tpu.memory_space<semaphore_mem>>) src(%dma_wait3A_161 : memref<125x80xi32, #tpu.memory_space<hbm>>) dst(%arg6 : memref<125x80xi32, #tpu.memory_space<vmem>>)
      tpu.yield
    }) : () -> ()
    "tpu.region"() ({
      %run_scoped3A = tpu.sem_alloc : memref<!tpu.dma_semaphore, #tpu.memory_space<semaphore_mem>>
      %dma_start3A_146 = arith.constant 0 : i32
      %dma_start3A_147 = arith.constant 0 : i32
      %dma_start3A_148 = tpu.memref_slice %arg3[%add3A, %dma_start3A_146, %dma_start3A_147] : memref<32x125x80xi32, #tpu.memory_space<hbm>> -> memref<1x125x80xi32, #tpu.memory_space<hbm>>
      %dma_start3A_149 = tpu.memref_squeeze %dma_start3A_148 : memref<1x125x80xi32, #tpu.memory_space<hbm>> -> memref<125x80xi32, #tpu.memory_space<hbm>>
      %dma_start3A_150 = arith.constant 0 : i32
      %dma_start3A_151 = arith.constant 0 : i32
      %dma_start3A_152 = tpu.memref_slice %arg3[%add3A, %dma_start3A_150, %dma_start3A_151] : memref<32x125x80xi32, #tpu.memory_space<hbm>> -> memref<1x125x80xi32, #tpu.memory_space<hbm>>
      %dma_start3A_153 = tpu.memref_squeeze %dma_start3A_152 : memref<1x125x80xi32, #tpu.memory_space<hbm>> -> memref<125x80xi32, #tpu.memory_space<hbm>>
      tpu.enqueue_dma source(%dma_start3A_153 : memref<125x80xi32, #tpu.memory_space<hbm>>) target(%arg7 : memref<125x80xi32, #tpu.memory_space<vmem>>) target_semaphore(%run_scoped3A : memref<!tpu.dma_semaphore, #tpu.memory_space<semaphore_mem>>)
      %dma_wait3A_154 = arith.constant 0 : i32
      %dma_wait3A_155 = arith.constant 0 : i32
      %dma_wait3A_156 = tpu.memref_slice %arg3[%add3A, %dma_wait3A_154, %dma_wait3A_155] : memref<32x125x80xi32, #tpu.memory_space<hbm>> -> memref<1x125x80xi32, #tpu.memory_space<hbm>>
      %dma_wait3A_157 = tpu.memref_squeeze %dma_wait3A_156 : memref<1x125x80xi32, #tpu.memory_space<hbm>> -> memref<125x80xi32, #tpu.memory_space<hbm>>
      %dma_wait3A_158 = arith.constant 0 : i32
      %dma_wait3A_159 = arith.constant 0 : i32
      %dma_wait3A_160 = tpu.memref_slice %arg3[%add3A, %dma_wait3A_158, %dma_wait3A_159] : memref<32x125x80xi32, #tpu.memory_space<hbm>> -> memref<1x125x80xi32, #tpu.memory_space<hbm>>
      %dma_wait3A_161 = tpu.memref_squeeze %dma_wait3A_160 : memref<1x125x80xi32, #tpu.memory_space<hbm>> -> memref<125x80xi32, #tpu.memory_space<hbm>>
      tpu.wait_dma2 semaphore(%run_scoped3A : memref<!tpu.dma_semaphore, #tpu.memory_space<semaphore_mem>>) src(%dma_wait3A_161 : memref<125x80xi32, #tpu.memory_space<hbm>>) dst(%arg7 : memref<125x80xi32, #tpu.memory_space<vmem>>)
      tpu.yield
    }) : () -> ()
    %barrier3A = arith.constant 0 : index
    tpu.barrier barrier_id(%barrier3A)
    %dma_start3A = arith.constant 0 : i32
    %dma_start3A_14 = arith.constant 0 : i32
    %dma_start3A_15 = tpu.memref_slice %arg6[%dma_start3A, %dma_start3A_14] : memref<125x80xi32, #tpu.memory_space<vmem>> -> memref<1x80xi32, #tpu.memory_space<vmem>>
    %dma_start3A_16 = tpu.memref_squeeze %dma_start3A_15 : memref<1x80xi32, #tpu.memory_space<vmem>> -> memref<80xi32, #tpu.memory_space<vmem>>
    %dma_start3A_17 = arith.constant 0 : i32
    %dma_start3A_18 = tpu.memref_slice %arg10[%dma_start3A_17] : memref<10240xf32, #tpu.memory_space<vmem_shared>> -> memref<10240xf32, #tpu.memory_space<vmem_shared>>
    tpu.enqueue_indirect_dma source(%arg8 : memref<80xf32, #tpu.memory_space<vmem>>) target(%dma_start3A_18 : memref<10240xf32, #tpu.memory_space<vmem_shared>>) offsets(%dma_start3A_16 : memref<80xi32, #tpu.memory_space<vmem>>) semaphore(%arg12 : memref<!tpu.dma_semaphore, #tpu.memory_space<semaphore_mem>>) {add = true}
    %dma_start3A_19 = arith.constant 0 : i32
    %dma_start3A_20 = arith.constant 0 : i32
    %dma_start3A_21 = tpu.memref_slice %arg7[%dma_start3A_19, %dma_start3A_20] : memref<125x80xi32, #tpu.memory_space<vmem>> -> memref<1x80xi32, #tpu.memory_space<vmem>>
    %dma_start3A_22 = tpu.memref_squeeze %dma_start3A_21 : memref<1x80xi32, #tpu.memory_space<vmem>> -> memref<80xi32, #tpu.memory_space<vmem>>
    %dma_start3A_23 = arith.constant 0 : i32
    %dma_start3A_24 = tpu.memref_slice %arg11[%dma_start3A_23] : memref<10240xf32, #tpu.memory_space<vmem_shared>> -> memref<10240xf32, #tpu.memory_space<vmem_shared>>
    tpu.enqueue_indirect_dma source(%arg8 : memref<80xf32, #tpu.memory_space<vmem>>) target(%dma_start3A_24 : memref<10240xf32, #tpu.memory_space<vmem_shared>>) offsets(%dma_start3A_22 : memref<80xi32, #tpu.memory_space<vmem>>) semaphore(%arg12 : memref<!tpu.dma_semaphore, #tpu.memory_space<semaphore_mem>>) {add = true}
    %dma_start3A_25 = arith.constant 1 : i32
    %dma_start3A_26 = arith.constant 0 : i32
    %dma_start3A_27 = tpu.memref_slice %arg6[%dma_start3A_25, %dma_start3A_26] : memref<125x80xi32, #tpu.memory_space<vmem>> -> memref<1x80xi32, #tpu.memory_space<vmem>>
    %dma_start3A_28 = tpu.memref_squeeze %dma_start3A_27 : memref<1x80xi32, #tpu.memory_space<vmem>> -> memref<80xi32, #tpu.memory_space<vmem>>
    %dma_start3A_29 = arith.constant 0 : i32
    %dma_start3A_30 = tpu.memref_slice %arg10[%dma_start3A_29] : memref<10240xf32, #tpu.memory_space<vmem_shared>> -> memref<10240xf32, #tpu.memory_space<vmem_shared>>
    tpu.enqueue_indirect_dma source(%arg8 : memref<80xf32, #tpu.memory_space<vmem>>) target(%dma_start3A_30 : memref<10240xf32, #tpu.memory_space<vmem_shared>>) offsets(%dma_start3A_28 : memref<80xi32, #tpu.memory_space<vmem>>) semaphore(%arg13 : memref<!tpu.dma_semaphore, #tpu.memory_space<semaphore_mem>>) {add = true}
    %dma_start3A_31 = arith.constant 1 : i32
    %dma_start3A_32 = arith.constant 0 : i32
    %dma_start3A_33 = tpu.memref_slice %arg7[%dma_start3A_31, %dma_start3A_32] : memref<125x80xi32, #tpu.memory_space<vmem>> -> memref<1x80xi32, #tpu.memory_space<vmem>>
    %dma_start3A_34 = tpu.memref_squeeze %dma_start3A_33 : memref<1x80xi32, #tpu.memory_space<vmem>> -> memref<80xi32, #tpu.memory_space<vmem>>
    %dma_start3A_35 = arith.constant 0 : i32
    %dma_start3A_36 = tpu.memref_slice %arg11[%dma_start3A_35] : memref<10240xf32, #tpu.memory_space<vmem_shared>> -> memref<10240xf32, #tpu.memory_space<vmem_shared>>
    tpu.enqueue_indirect_dma source(%arg8 : memref<80xf32, #tpu.memory_space<vmem>>) target(%dma_start3A_36 : memref<10240xf32, #tpu.memory_space<vmem_shared>>) offsets(%dma_start3A_34 : memref<80xi32, #tpu.memory_space<vmem>>) semaphore(%arg13 : memref<!tpu.dma_semaphore, #tpu.memory_space<semaphore_mem>>) {add = true}
    %dma_start3A_37 = arith.constant 2 : i32
    %dma_start3A_38 = arith.constant 0 : i32
    %dma_start3A_39 = tpu.memref_slice %arg6[%dma_start3A_37, %dma_start3A_38] : memref<125x80xi32, #tpu.memory_space<vmem>> -> memref<1x80xi32, #tpu.memory_space<vmem>>
    %dma_start3A_40 = tpu.memref_squeeze %dma_start3A_39 : memref<1x80xi32, #tpu.memory_space<vmem>> -> memref<80xi32, #tpu.memory_space<vmem>>
    %dma_start3A_41 = arith.constant 0 : i32
    %dma_start3A_42 = tpu.memref_slice %arg10[%dma_start3A_41] : memref<10240xf32, #tpu.memory_space<vmem_shared>> -> memref<10240xf32, #tpu.memory_space<vmem_shared>>
    tpu.enqueue_indirect_dma source(%arg8 : memref<80xf32, #tpu.memory_space<vmem>>) target(%dma_start3A_42 : memref<10240xf32, #tpu.memory_space<vmem_shared>>) offsets(%dma_start3A_40 : memref<80xi32, #tpu.memory_space<vmem>>) semaphore(%arg14 : memref<!tpu.dma_semaphore, #tpu.memory_space<semaphore_mem>>) {add = true}
    %dma_start3A_43 = arith.constant 2 : i32
    %dma_start3A_44 = arith.constant 0 : i32
    %dma_start3A_45 = tpu.memref_slice %arg7[%dma_start3A_43, %dma_start3A_44] : memref<125x80xi32, #tpu.memory_space<vmem>> -> memref<1x80xi32, #tpu.memory_space<vmem>>
    %dma_start3A_46 = tpu.memref_squeeze %dma_start3A_45 : memref<1x80xi32, #tpu.memory_space<vmem>> -> memref<80xi32, #tpu.memory_space<vmem>>
    %dma_start3A_47 = arith.constant 0 : i32
    %dma_start3A_48 = tpu.memref_slice %arg11[%dma_start3A_47] : memref<10240xf32, #tpu.memory_space<vmem_shared>> -> memref<10240xf32, #tpu.memory_space<vmem_shared>>
    tpu.enqueue_indirect_dma source(%arg8 : memref<80xf32, #tpu.memory_space<vmem>>) target(%dma_start3A_48 : memref<10240xf32, #tpu.memory_space<vmem_shared>>) offsets(%dma_start3A_46 : memref<80xi32, #tpu.memory_space<vmem>>) semaphore(%arg14 : memref<!tpu.dma_semaphore, #tpu.memory_space<semaphore_mem>>) {add = true}
    %dma_start3A_49 = arith.constant 3 : i32
    %dma_start3A_50 = arith.constant 0 : i32
    %dma_start3A_51 = tpu.memref_slice %arg6[%dma_start3A_49, %dma_start3A_50] : memref<125x80xi32, #tpu.memory_space<vmem>> -> memref<1x80xi32, #tpu.memory_space<vmem>>
    %dma_start3A_52 = tpu.memref_squeeze %dma_start3A_51 : memref<1x80xi32, #tpu.memory_space<vmem>> -> memref<80xi32, #tpu.memory_space<vmem>>
    %dma_start3A_53 = arith.constant 0 : i32
    %dma_start3A_54 = tpu.memref_slice %arg10[%dma_start3A_53] : memref<10240xf32, #tpu.memory_space<vmem_shared>> -> memref<10240xf32, #tpu.memory_space<vmem_shared>>
    tpu.enqueue_indirect_dma source(%arg8 : memref<80xf32, #tpu.memory_space<vmem>>) target(%dma_start3A_54 : memref<10240xf32, #tpu.memory_space<vmem_shared>>) offsets(%dma_start3A_52 : memref<80xi32, #tpu.memory_space<vmem>>) semaphore(%arg15 : memref<!tpu.dma_semaphore, #tpu.memory_space<semaphore_mem>>) {add = true}
    %dma_start3A_55 = arith.constant 3 : i32
    %dma_start3A_56 = arith.constant 0 : i32
    %dma_start3A_57 = tpu.memref_slice %arg7[%dma_start3A_55, %dma_start3A_56] : memref<125x80xi32, #tpu.memory_space<vmem>> -> memref<1x80xi32, #tpu.memory_space<vmem>>
    %dma_start3A_58 = tpu.memref_squeeze %dma_start3A_57 : memref<1x80xi32, #tpu.memory_space<vmem>> -> memref<80xi32, #tpu.memory_space<vmem>>
    %dma_start3A_59 = arith.constant 0 : i32
    %dma_start3A_60 = tpu.memref_slice %arg11[%dma_start3A_59] : memref<10240xf32, #tpu.memory_space<vmem_shared>> -> memref<10240xf32, #tpu.memory_space<vmem_shared>>
    tpu.enqueue_indirect_dma source(%arg8 : memref<80xf32, #tpu.memory_space<vmem>>) target(%dma_start3A_60 : memref<10240xf32, #tpu.memory_space<vmem_shared>>) offsets(%dma_start3A_58 : memref<80xi32, #tpu.memory_space<vmem>>) semaphore(%arg15 : memref<!tpu.dma_semaphore, #tpu.memory_space<semaphore_mem>>) {add = true}
    %scan3A_61 = arith.constant 0 : i32
    %scan3A_62 = arith.constant 30 : i32
    %scan3A_63 = arith.addi %scan3A_61, %scan3A_62 : i32
    %scan3A_64 = arith.constant 1 : i32
    scf.for %scan3A_146 = %scan3A_61 to %scan3A_63 step %scan3A_64  : i32 {
      %mul3A_147 = arith.constant 1 : i32
      %mul3A_148 = arith.muli %scan3A_146, %mul3A_147 : i32
      %add3A_149 = arith.constant 0 : i32
      %add3A_150 = arith.addi %add3A_149, %mul3A_148 : i32
      %dma_wait3A_151 = arith.constant 0 : i32
      %dma_wait3A_152 = arith.constant 0 : i32
      %dma_wait3A_153 = tpu.memref_slice %arg6[%dma_wait3A_151, %dma_wait3A_152] : memref<125x80xi32, #tpu.memory_space<vmem>> -> memref<1x80xi32, #tpu.memory_space<vmem>>
      %dma_wait3A_154 = tpu.memref_squeeze %dma_wait3A_153 : memref<1x80xi32, #tpu.memory_space<vmem>> -> memref<80xi32, #tpu.memory_space<vmem>>
      %dma_wait3A_155 = arith.constant 0 : i32
      %dma_wait3A_156 = tpu.memref_slice %arg10[%dma_wait3A_155] : memref<10240xf32, #tpu.memory_space<vmem_shared>> -> memref<10240xf32, #tpu.memory_space<vmem_shared>>
      tpu.wait_indirect_dma semaphore(%arg12 : memref<!tpu.dma_semaphore, #tpu.memory_space<semaphore_mem>>) src(%arg8 : memref<80xf32, #tpu.memory_space<vmem>>) dst(%dma_wait3A_156 : memref<10240xf32, #tpu.memory_space<vmem_shared>>)
      %dma_wait3A_157 = arith.constant 0 : i32
      %dma_wait3A_158 = arith.constant 0 : i32
      %dma_wait3A_159 = tpu.memref_slice %arg7[%dma_wait3A_157, %dma_wait3A_158] : memref<125x80xi32, #tpu.memory_space<vmem>> -> memref<1x80xi32, #tpu.memory_space<vmem>>
      %dma_wait3A_160 = tpu.memref_squeeze %dma_wait3A_159 : memref<1x80xi32, #tpu.memory_space<vmem>> -> memref<80xi32, #tpu.memory_space<vmem>>
      %dma_wait3A_161 = arith.constant 0 : i32
      %dma_wait3A_162 = tpu.memref_slice %arg11[%dma_wait3A_161] : memref<10240xf32, #tpu.memory_space<vmem_shared>> -> memref<10240xf32, #tpu.memory_space<vmem_shared>>
      tpu.wait_indirect_dma semaphore(%arg12 : memref<!tpu.dma_semaphore, #tpu.memory_space<semaphore_mem>>) src(%arg8 : memref<80xf32, #tpu.memory_space<vmem>>) dst(%dma_wait3A_162 : memref<10240xf32, #tpu.memory_space<vmem_shared>>)
      %add3A_163 = arith.constant 1 : i32
      %add3A_164 = arith.addi %add3A_150, %add3A_163 : i32
      %mul3A_165 = arith.constant 4 : i32
      %mul3A_166 = arith.muli %add3A_164, %mul3A_165 : i32
      %add3A_167 = arith.constant 0 : i32
      %add3A_168 = arith.addi %mul3A_166, %add3A_167 : i32
      %dma_start3A_169 = arith.constant 0 : i32
      %dma_start3A_170 = tpu.memref_slice %arg6[%add3A_168, %dma_start3A_169] : memref<125x80xi32, #tpu.memory_space<vmem>> -> memref<1x80xi32, #tpu.memory_space<vmem>>
      %dma_start3A_171 = tpu.memref_squeeze %dma_start3A_170 : memref<1x80xi32, #tpu.memory_space<vmem>> -> memref<80xi32, #tpu.memory_space<vmem>>
      %dma_start3A_172 = arith.constant 0 : i32
      %dma_start3A_173 = tpu.memref_slice %arg10[%dma_start3A_172] : memref<10240xf32, #tpu.memory_space<vmem_shared>> -> memref<10240xf32, #tpu.memory_space<vmem_shared>>
      tpu.enqueue_indirect_dma source(%arg8 : memref<80xf32, #tpu.memory_space<vmem>>) target(%dma_start3A_173 : memref<10240xf32, #tpu.memory_space<vmem_shared>>) offsets(%dma_start3A_171 : memref<80xi32, #tpu.memory_space<vmem>>) semaphore(%arg12 : memref<!tpu.dma_semaphore, #tpu.memory_space<semaphore_mem>>) {add = true}
      %dma_start3A_174 = arith.constant 0 : i32
      %dma_start3A_175 = tpu.memref_slice %arg7[%add3A_168, %dma_start3A_174] : memref<125x80xi32, #tpu.memory_space<vmem>> -> memref<1x80xi32, #tpu.memory_space<vmem>>
      %dma_start3A_176 = tpu.memref_squeeze %dma_start3A_175 : memref<1x80xi32, #tpu.memory_space<vmem>> -> memref<80xi32, #tpu.memory_space<vmem>>
      %dma_start3A_177 = arith.constant 0 : i32
      %dma_start3A_178 = tpu.memref_slice %arg11[%dma_start3A_177] : memref<10240xf32, #tpu.memory_space<vmem_shared>> -> memref<10240xf32, #tpu.memory_space<vmem_shared>>
      tpu.enqueue_indirect_dma source(%arg8 : memref<80xf32, #tpu.memory_space<vmem>>) target(%dma_start3A_178 : memref<10240xf32, #tpu.memory_space<vmem_shared>>) offsets(%dma_start3A_176 : memref<80xi32, #tpu.memory_space<vmem>>) semaphore(%arg12 : memref<!tpu.dma_semaphore, #tpu.memory_space<semaphore_mem>>) {add = true}
      %dma_wait3A_179 = arith.constant 0 : i32
      %dma_wait3A_180 = arith.constant 0 : i32
      %dma_wait3A_181 = tpu.memref_slice %arg6[%dma_wait3A_179, %dma_wait3A_180] : memref<125x80xi32, #tpu.memory_space<vmem>> -> memref<1x80xi32, #tpu.memory_space<vmem>>
      %dma_wait3A_182 = tpu.memref_squeeze %dma_wait3A_181 : memref<1x80xi32, #tpu.memory_space<vmem>> -> memref<80xi32, #tpu.memory_space<vmem>>
      %dma_wait3A_183 = arith.constant 0 : i32
      %dma_wait3A_184 = tpu.memref_slice %arg10[%dma_wait3A_183] : memref<10240xf32, #tpu.memory_space<vmem_shared>> -> memref<10240xf32, #tpu.memory_space<vmem_shared>>
      tpu.wait_indirect_dma semaphore(%arg13 : memref<!tpu.dma_semaphore, #tpu.memory_space<semaphore_mem>>) src(%arg8 : memref<80xf32, #tpu.memory_space<vmem>>) dst(%dma_wait3A_184 : memref<10240xf32, #tpu.memory_space<vmem_shared>>)
      %dma_wait3A_185 = arith.constant 0 : i32
      %dma_wait3A_186 = arith.constant 0 : i32
      %dma_wait3A_187 = tpu.memref_slice %arg7[%dma_wait3A_185, %dma_wait3A_186] : memref<125x80xi32, #tpu.memory_space<vmem>> -> memref<1x80xi32, #tpu.memory_space<vmem>>
      %dma_wait3A_188 = tpu.memref_squeeze %dma_wait3A_187 : memref<1x80xi32, #tpu.memory_space<vmem>> -> memref<80xi32, #tpu.memory_space<vmem>>
      %dma_wait3A_189 = arith.constant 0 : i32
      %dma_wait3A_190 = tpu.memref_slice %arg11[%dma_wait3A_189] : memref<10240xf32, #tpu.memory_space<vmem_shared>> -> memref<10240xf32, #tpu.memory_space<vmem_shared>>
      tpu.wait_indirect_dma semaphore(%arg13 : memref<!tpu.dma_semaphore, #tpu.memory_space<semaphore_mem>>) src(%arg8 : memref<80xf32, #tpu.memory_space<vmem>>) dst(%dma_wait3A_190 : memref<10240xf32, #tpu.memory_space<vmem_shared>>)
      %add3A_191 = arith.constant 1 : i32
      %add3A_192 = arith.addi %add3A_150, %add3A_191 : i32
      %mul3A_193 = arith.constant 4 : i32
      %mul3A_194 = arith.muli %add3A_192, %mul3A_193 : i32
      %add3A_195 = arith.constant 1 : i32
      %add3A_196 = arith.addi %mul3A_194, %add3A_195 : i32
      %dma_start3A_197 = arith.constant 0 : i32
      %dma_start3A_198 = tpu.memref_slice %arg6[%add3A_196, %dma_start3A_197] : memref<125x80xi32, #tpu.memory_space<vmem>> -> memref<1x80xi32, #tpu.memory_space<vmem>>
      %dma_start3A_199 = tpu.memref_squeeze %dma_start3A_198 : memref<1x80xi32, #tpu.memory_space<vmem>> -> memref<80xi32, #tpu.memory_space<vmem>>
      %dma_start3A_200 = arith.constant 0 : i32
      %dma_start3A_201 = tpu.memref_slice %arg10[%dma_start3A_200] : memref<10240xf32, #tpu.memory_space<vmem_shared>> -> memref<10240xf32, #tpu.memory_space<vmem_shared>>
      tpu.enqueue_indirect_dma source(%arg8 : memref<80xf32, #tpu.memory_space<vmem>>) target(%dma_start3A_201 : memref<10240xf32, #tpu.memory_space<vmem_shared>>) offsets(%dma_start3A_199 : memref<80xi32, #tpu.memory_space<vmem>>) semaphore(%arg13 : memref<!tpu.dma_semaphore, #tpu.memory_space<semaphore_mem>>) {add = true}
      %dma_start3A_202 = arith.constant 0 : i32
      %dma_start3A_203 = tpu.memref_slice %arg7[%add3A_196, %dma_start3A_202] : memref<125x80xi32, #tpu.memory_space<vmem>> -> memref<1x80xi32, #tpu.memory_space<vmem>>
      %dma_start3A_204 = tpu.memref_squeeze %dma_start3A_203 : memref<1x80xi32, #tpu.memory_space<vmem>> -> memref<80xi32, #tpu.memory_space<vmem>>
      %dma_start3A_205 = arith.constant 0 : i32
      %dma_start3A_206 = tpu.memref_slice %arg11[%dma_start3A_205] : memref<10240xf32, #tpu.memory_space<vmem_shared>> -> memref<10240xf32, #tpu.memory_space<vmem_shared>>
      tpu.enqueue_indirect_dma source(%arg8 : memref<80xf32, #tpu.memory_space<vmem>>) target(%dma_start3A_206 : memref<10240xf32, #tpu.memory_space<vmem_shared>>) offsets(%dma_start3A_204 : memref<80xi32, #tpu.memory_space<vmem>>) semaphore(%arg13 : memref<!tpu.dma_semaphore, #tpu.memory_space<semaphore_mem>>) {add = true}
      %dma_wait3A_207 = arith.constant 0 : i32
      %dma_wait3A_208 = arith.constant 0 : i32
      %dma_wait3A_209 = tpu.memref_slice %arg6[%dma_wait3A_207, %dma_wait3A_208] : memref<125x80xi32, #tpu.memory_space<vmem>> -> memref<1x80xi32, #tpu.memory_space<vmem>>
      %dma_wait3A_210 = tpu.memref_squeeze %dma_wait3A_209 : memref<1x80xi32, #tpu.memory_space<vmem>> -> memref<80xi32, #tpu.memory_space<vmem>>
      %dma_wait3A_211 = arith.constant 0 : i32
      %dma_wait3A_212 = tpu.memref_slice %arg10[%dma_wait3A_211] : memref<10240xf32, #tpu.memory_space<vmem_shared>> -> memref<10240xf32, #tpu.memory_space<vmem_shared>>
      tpu.wait_indirect_dma semaphore(%arg14 : memref<!tpu.dma_semaphore, #tpu.memory_space<semaphore_mem>>) src(%arg8 : memref<80xf32, #tpu.memory_space<vmem>>) dst(%dma_wait3A_212 : memref<10240xf32, #tpu.memory_space<vmem_shared>>)
      %dma_wait3A_213 = arith.constant 0 : i32
      %dma_wait3A_214 = arith.constant 0 : i32
      %dma_wait3A_215 = tpu.memref_slice %arg7[%dma_wait3A_213, %dma_wait3A_214] : memref<125x80xi32, #tpu.memory_space<vmem>> -> memref<1x80xi32, #tpu.memory_space<vmem>>
      %dma_wait3A_216 = tpu.memref_squeeze %dma_wait3A_215 : memref<1x80xi32, #tpu.memory_space<vmem>> -> memref<80xi32, #tpu.memory_space<vmem>>
      %dma_wait3A_217 = arith.constant 0 : i32
      %dma_wait3A_218 = tpu.memref_slice %arg11[%dma_wait3A_217] : memref<10240xf32, #tpu.memory_space<vmem_shared>> -> memref<10240xf32, #tpu.memory_space<vmem_shared>>
      tpu.wait_indirect_dma semaphore(%arg14 : memref<!tpu.dma_semaphore, #tpu.memory_space<semaphore_mem>>) src(%arg8 : memref<80xf32, #tpu.memory_space<vmem>>) dst(%dma_wait3A_218 : memref<10240xf32, #tpu.memory_space<vmem_shared>>)
      %add3A_219 = arith.constant 1 : i32
      %add3A_220 = arith.addi %add3A_150, %add3A_219 : i32
      %mul3A_221 = arith.constant 4 : i32
      %mul3A_222 = arith.muli %add3A_220, %mul3A_221 : i32
      %add3A_223 = arith.constant 2 : i32
      %add3A_224 = arith.addi %mul3A_222, %add3A_223 : i32
      %dma_start3A_225 = arith.constant 0 : i32
      %dma_start3A_226 = tpu.memref_slice %arg6[%add3A_224, %dma_start3A_225] : memref<125x80xi32, #tpu.memory_space<vmem>> -> memref<1x80xi32, #tpu.memory_space<vmem>>
      %dma_start3A_227 = tpu.memref_squeeze %dma_start3A_226 : memref<1x80xi32, #tpu.memory_space<vmem>> -> memref<80xi32, #tpu.memory_space<vmem>>
      %dma_start3A_228 = arith.constant 0 : i32
      %dma_start3A_229 = tpu.memref_slice %arg10[%dma_start3A_228] : memref<10240xf32, #tpu.memory_space<vmem_shared>> -> memref<10240xf32, #tpu.memory_space<vmem_shared>>
      tpu.enqueue_indirect_dma source(%arg8 : memref<80xf32, #tpu.memory_space<vmem>>) target(%dma_start3A_229 : memref<10240xf32, #tpu.memory_space<vmem_shared>>) offsets(%dma_start3A_227 : memref<80xi32, #tpu.memory_space<vmem>>) semaphore(%arg14 : memref<!tpu.dma_semaphore, #tpu.memory_space<semaphore_mem>>) {add = true}
      %dma_start3A_230 = arith.constant 0 : i32
      %dma_start3A_231 = tpu.memref_slice %arg7[%add3A_224, %dma_start3A_230] : memref<125x80xi32, #tpu.memory_space<vmem>> -> memref<1x80xi32, #tpu.memory_space<vmem>>
      %dma_start3A_232 = tpu.memref_squeeze %dma_start3A_231 : memref<1x80xi32, #tpu.memory_space<vmem>> -> memref<80xi32, #tpu.memory_space<vmem>>
      %dma_start3A_233 = arith.constant 0 : i32
      %dma_start3A_234 = tpu.memref_slice %arg11[%dma_start3A_233] : memref<10240xf32, #tpu.memory_space<vmem_shared>> -> memref<10240xf32, #tpu.memory_space<vmem_shared>>
      tpu.enqueue_indirect_dma source(%arg8 : memref<80xf32, #tpu.memory_space<vmem>>) target(%dma_start3A_234 : memref<10240xf32, #tpu.memory_space<vmem_shared>>) offsets(%dma_start3A_232 : memref<80xi32, #tpu.memory_space<vmem>>) semaphore(%arg14 : memref<!tpu.dma_semaphore, #tpu.memory_space<semaphore_mem>>) {add = true}
      %dma_wait3A_235 = arith.constant 0 : i32
      %dma_wait3A_236 = arith.constant 0 : i32
      %dma_wait3A_237 = tpu.memref_slice %arg6[%dma_wait3A_235, %dma_wait3A_236] : memref<125x80xi32, #tpu.memory_space<vmem>> -> memref<1x80xi32, #tpu.memory_space<vmem>>
      %dma_wait3A_238 = tpu.memref_squeeze %dma_wait3A_237 : memref<1x80xi32, #tpu.memory_space<vmem>> -> memref<80xi32, #tpu.memory_space<vmem>>
      %dma_wait3A_239 = arith.constant 0 : i32
      %dma_wait3A_240 = tpu.memref_slice %arg10[%dma_wait3A_239] : memref<10240xf32, #tpu.memory_space<vmem_shared>> -> memref<10240xf32, #tpu.memory_space<vmem_shared>>
      tpu.wait_indirect_dma semaphore(%arg15 : memref<!tpu.dma_semaphore, #tpu.memory_space<semaphore_mem>>) src(%arg8 : memref<80xf32, #tpu.memory_space<vmem>>) dst(%dma_wait3A_240 : memref<10240xf32, #tpu.memory_space<vmem_shared>>)
      %dma_wait3A_241 = arith.constant 0 : i32
      %dma_wait3A_242 = arith.constant 0 : i32
      %dma_wait3A_243 = tpu.memref_slice %arg7[%dma_wait3A_241, %dma_wait3A_242] : memref<125x80xi32, #tpu.memory_space<vmem>> -> memref<1x80xi32, #tpu.memory_space<vmem>>
      %dma_wait3A_244 = tpu.memref_squeeze %dma_wait3A_243 : memref<1x80xi32, #tpu.memory_space<vmem>> -> memref<80xi32, #tpu.memory_space<vmem>>
      %dma_wait3A_245 = arith.constant 0 : i32
      %dma_wait3A_246 = tpu.memref_slice %arg11[%dma_wait3A_245] : memref<10240xf32, #tpu.memory_space<vmem_shared>> -> memref<10240xf32, #tpu.memory_space<vmem_shared>>
      tpu.wait_indirect_dma semaphore(%arg15 : memref<!tpu.dma_semaphore, #tpu.memory_space<semaphore_mem>>) src(%arg8 : memref<80xf32, #tpu.memory_space<vmem>>) dst(%dma_wait3A_246 : memref<10240xf32, #tpu.memory_space<vmem_shared>>)
      %add3A_247 = arith.constant 1 : i32
      %add3A_248 = arith.addi %add3A_150, %add3A_247 : i32
      %mul3A_249 = arith.constant 4 : i32
      %mul3A_250 = arith.muli %add3A_248, %mul3A_249 : i32
      %add3A_251 = arith.constant 3 : i32
      %add3A_252 = arith.addi %mul3A_250, %add3A_251 : i32
      %dma_start3A_253 = arith.constant 0 : i32
      %dma_start3A_254 = tpu.memref_slice %arg6[%add3A_252, %dma_start3A_253] : memref<125x80xi32, #tpu.memory_space<vmem>> -> memref<1x80xi32, #tpu.memory_space<vmem>>
      %dma_start3A_255 = tpu.memref_squeeze %dma_start3A_254 : memref<1x80xi32, #tpu.memory_space<vmem>> -> memref<80xi32, #tpu.memory_space<vmem>>
      %dma_start3A_256 = arith.constant 0 : i32
      %dma_start3A_257 = tpu.memref_slice %arg10[%dma_start3A_256] : memref<10240xf32, #tpu.memory_space<vmem_shared>> -> memref<10240xf32, #tpu.memory_space<vmem_shared>>
      tpu.enqueue_indirect_dma source(%arg8 : memref<80xf32, #tpu.memory_space<vmem>>) target(%dma_start3A_257 : memref<10240xf32, #tpu.memory_space<vmem_shared>>) offsets(%dma_start3A_255 : memref<80xi32, #tpu.memory_space<vmem>>) semaphore(%arg15 : memref<!tpu.dma_semaphore, #tpu.memory_space<semaphore_mem>>) {add = true}
      %dma_start3A_258 = arith.constant 0 : i32
      %dma_start3A_259 = tpu.memref_slice %arg7[%add3A_252, %dma_start3A_258] : memref<125x80xi32, #tpu.memory_space<vmem>> -> memref<1x80xi32, #tpu.memory_space<vmem>>
      %dma_start3A_260 = tpu.memref_squeeze %dma_start3A_259 : memref<1x80xi32, #tpu.memory_space<vmem>> -> memref<80xi32, #tpu.memory_space<vmem>>
      %dma_start3A_261 = arith.constant 0 : i32
      %dma_start3A_262 = tpu.memref_slice %arg11[%dma_start3A_261] : memref<10240xf32, #tpu.memory_space<vmem_shared>> -> memref<10240xf32, #tpu.memory_space<vmem_shared>>
      tpu.enqueue_indirect_dma source(%arg8 : memref<80xf32, #tpu.memory_space<vmem>>) target(%dma_start3A_262 : memref<10240xf32, #tpu.memory_space<vmem_shared>>) offsets(%dma_start3A_260 : memref<80xi32, #tpu.memory_space<vmem>>) semaphore(%arg15 : memref<!tpu.dma_semaphore, #tpu.memory_space<semaphore_mem>>) {add = true}
    }
    %scan3A_65 = arith.constant 30 : i32
    %dma_wait3A = arith.constant 0 : i32
    %dma_wait3A_66 = arith.constant 0 : i32
    %dma_wait3A_67 = tpu.memref_slice %arg6[%dma_wait3A, %dma_wait3A_66] : memref<125x80xi32, #tpu.memory_space<vmem>> -> memref<1x80xi32, #tpu.memory_space<vmem>>
    %dma_wait3A_68 = tpu.memref_squeeze %dma_wait3A_67 : memref<1x80xi32, #tpu.memory_space<vmem>> -> memref<80xi32, #tpu.memory_space<vmem>>
    %dma_wait3A_69 = arith.constant 0 : i32
    %dma_wait3A_70 = tpu.memref_slice %arg10[%dma_wait3A_69] : memref<10240xf32, #tpu.memory_space<vmem_shared>> -> memref<10240xf32, #tpu.memory_space<vmem_shared>>
    tpu.wait_indirect_dma semaphore(%arg12 : memref<!tpu.dma_semaphore, #tpu.memory_space<semaphore_mem>>) src(%arg8 : memref<80xf32, #tpu.memory_space<vmem>>) dst(%dma_wait3A_70 : memref<10240xf32, #tpu.memory_space<vmem_shared>>)
    %dma_wait3A_71 = arith.constant 0 : i32
    %dma_wait3A_72 = arith.constant 0 : i32
    %dma_wait3A_73 = tpu.memref_slice %arg7[%dma_wait3A_71, %dma_wait3A_72] : memref<125x80xi32, #tpu.memory_space<vmem>> -> memref<1x80xi32, #tpu.memory_space<vmem>>
    %dma_wait3A_74 = tpu.memref_squeeze %dma_wait3A_73 : memref<1x80xi32, #tpu.memory_space<vmem>> -> memref<80xi32, #tpu.memory_space<vmem>>
    %dma_wait3A_75 = arith.constant 0 : i32
    %dma_wait3A_76 = tpu.memref_slice %arg11[%dma_wait3A_75] : memref<10240xf32, #tpu.memory_space<vmem_shared>> -> memref<10240xf32, #tpu.memory_space<vmem_shared>>
    tpu.wait_indirect_dma semaphore(%arg12 : memref<!tpu.dma_semaphore, #tpu.memory_space<semaphore_mem>>) src(%arg8 : memref<80xf32, #tpu.memory_space<vmem>>) dst(%dma_wait3A_76 : memref<10240xf32, #tpu.memory_space<vmem_shared>>)
    %dma_wait3A_77 = arith.constant 0 : i32
    %dma_wait3A_78 = arith.constant 0 : i32
    %dma_wait3A_79 = tpu.memref_slice %arg6[%dma_wait3A_77, %dma_wait3A_78] : memref<125x80xi32, #tpu.memory_space<vmem>> -> memref<1x80xi32, #tpu.memory_space<vmem>>
    %dma_wait3A_80 = tpu.memref_squeeze %dma_wait3A_79 : memref<1x80xi32, #tpu.memory_space<vmem>> -> memref<80xi32, #tpu.memory_space<vmem>>
    %dma_wait3A_81 = arith.constant 0 : i32
    %dma_wait3A_82 = tpu.memref_slice %arg10[%dma_wait3A_81] : memref<10240xf32, #tpu.memory_space<vmem_shared>> -> memref<10240xf32, #tpu.memory_space<vmem_shared>>
    tpu.wait_indirect_dma semaphore(%arg13 : memref<!tpu.dma_semaphore, #tpu.memory_space<semaphore_mem>>) src(%arg8 : memref<80xf32, #tpu.memory_space<vmem>>) dst(%dma_wait3A_82 : memref<10240xf32, #tpu.memory_space<vmem_shared>>)
    %dma_wait3A_83 = arith.constant 0 : i32
    %dma_wait3A_84 = arith.constant 0 : i32
    %dma_wait3A_85 = tpu.memref_slice %arg7[%dma_wait3A_83, %dma_wait3A_84] : memref<125x80xi32, #tpu.memory_space<vmem>> -> memref<1x80xi32, #tpu.memory_space<vmem>>
    %dma_wait3A_86 = tpu.memref_squeeze %dma_wait3A_85 : memref<1x80xi32, #tpu.memory_space<vmem>> -> memref<80xi32, #tpu.memory_space<vmem>>
    %dma_wait3A_87 = arith.constant 0 : i32
    %dma_wait3A_88 = tpu.memref_slice %arg11[%dma_wait3A_87] : memref<10240xf32, #tpu.memory_space<vmem_shared>> -> memref<10240xf32, #tpu.memory_space<vmem_shared>>
    tpu.wait_indirect_dma semaphore(%arg13 : memref<!tpu.dma_semaphore, #tpu.memory_space<semaphore_mem>>) src(%arg8 : memref<80xf32, #tpu.memory_space<vmem>>) dst(%dma_wait3A_88 : memref<10240xf32, #tpu.memory_space<vmem_shared>>)
    %dma_wait3A_89 = arith.constant 0 : i32
    %dma_wait3A_90 = arith.constant 0 : i32
    %dma_wait3A_91 = tpu.memref_slice %arg6[%dma_wait3A_89, %dma_wait3A_90] : memref<125x80xi32, #tpu.memory_space<vmem>> -> memref<1x80xi32, #tpu.memory_space<vmem>>
    %dma_wait3A_92 = tpu.memref_squeeze %dma_wait3A_91 : memref<1x80xi32, #tpu.memory_space<vmem>> -> memref<80xi32, #tpu.memory_space<vmem>>
    %dma_wait3A_93 = arith.constant 0 : i32
    %dma_wait3A_94 = tpu.memref_slice %arg10[%dma_wait3A_93] : memref<10240xf32, #tpu.memory_space<vmem_shared>> -> memref<10240xf32, #tpu.memory_space<vmem_shared>>
    tpu.wait_indirect_dma semaphore(%arg14 : memref<!tpu.dma_semaphore, #tpu.memory_space<semaphore_mem>>) src(%arg8 : memref<80xf32, #tpu.memory_space<vmem>>) dst(%dma_wait3A_94 : memref<10240xf32, #tpu.memory_space<vmem_shared>>)
    %dma_wait3A_95 = arith.constant 0 : i32
    %dma_wait3A_96 = arith.constant 0 : i32
    %dma_wait3A_97 = tpu.memref_slice %arg7[%dma_wait3A_95, %dma_wait3A_96] : memref<125x80xi32, #tpu.memory_space<vmem>> -> memref<1x80xi32, #tpu.memory_space<vmem>>
    %dma_wait3A_98 = tpu.memref_squeeze %dma_wait3A_97 : memref<1x80xi32, #tpu.memory_space<vmem>> -> memref<80xi32, #tpu.memory_space<vmem>>
    %dma_wait3A_99 = arith.constant 0 : i32
    %dma_wait3A_100 = tpu.memref_slice %arg11[%dma_wait3A_99] : memref<10240xf32, #tpu.memory_space<vmem_shared>> -> memref<10240xf32, #tpu.memory_space<vmem_shared>>
    tpu.wait_indirect_dma semaphore(%arg14 : memref<!tpu.dma_semaphore, #tpu.memory_space<semaphore_mem>>) src(%arg8 : memref<80xf32, #tpu.memory_space<vmem>>) dst(%dma_wait3A_100 : memref<10240xf32, #tpu.memory_space<vmem_shared>>)
    %dma_wait3A_101 = arith.constant 0 : i32
    %dma_wait3A_102 = arith.constant 0 : i32
    %dma_wait3A_103 = tpu.memref_slice %arg6[%dma_wait3A_101, %dma_wait3A_102] : memref<125x80xi32, #tpu.memory_space<vmem>> -> memref<1x80xi32, #tpu.memory_space<vmem>>
    %dma_wait3A_104 = tpu.memref_squeeze %dma_wait3A_103 : memref<1x80xi32, #tpu.memory_space<vmem>> -> memref<80xi32, #tpu.memory_space<vmem>>
    %dma_wait3A_105 = arith.constant 0 : i32
    %dma_wait3A_106 = tpu.memref_slice %arg10[%dma_wait3A_105] : memref<10240xf32, #tpu.memory_space<vmem_shared>> -> memref<10240xf32, #tpu.memory_space<vmem_shared>>
    tpu.wait_indirect_dma semaphore(%arg15 : memref<!tpu.dma_semaphore, #tpu.memory_space<semaphore_mem>>) src(%arg8 : memref<80xf32, #tpu.memory_space<vmem>>) dst(%dma_wait3A_106 : memref<10240xf32, #tpu.memory_space<vmem_shared>>)
    %dma_wait3A_107 = arith.constant 0 : i32
    %dma_wait3A_108 = arith.constant 0 : i32
    %dma_wait3A_109 = tpu.memref_slice %arg7[%dma_wait3A_107, %dma_wait3A_108] : memref<125x80xi32, #tpu.memory_space<vmem>> -> memref<1x80xi32, #tpu.memory_space<vmem>>
    %dma_wait3A_110 = tpu.memref_squeeze %dma_wait3A_109 : memref<1x80xi32, #tpu.memory_space<vmem>> -> memref<80xi32, #tpu.memory_space<vmem>>
    %dma_wait3A_111 = arith.constant 0 : i32
    %dma_wait3A_112 = tpu.memref_slice %arg11[%dma_wait3A_111] : memref<10240xf32, #tpu.memory_space<vmem_shared>> -> memref<10240xf32, #tpu.memory_space<vmem_shared>>
    tpu.wait_indirect_dma semaphore(%arg15 : memref<!tpu.dma_semaphore, #tpu.memory_space<semaphore_mem>>) src(%arg8 : memref<80xf32, #tpu.memory_space<vmem>>) dst(%dma_wait3A_112 : memref<10240xf32, #tpu.memory_space<vmem_shared>>)
    %dma_start3A_113 = arith.constant 124 : i32
    %dma_start3A_114 = arith.constant 0 : i32
    %dma_start3A_115 = tpu.memref_slice %arg6[%dma_start3A_113, %dma_start3A_114] : memref<125x80xi32, #tpu.memory_space<vmem>> -> memref<1x80xi32, #tpu.memory_space<vmem>>
    %dma_start3A_116 = tpu.memref_squeeze %dma_start3A_115 : memref<1x80xi32, #tpu.memory_space<vmem>> -> memref<80xi32, #tpu.memory_space<vmem>>
    %dma_start3A_117 = arith.constant 0 : i32
    %dma_start3A_118 = tpu.memref_slice %arg10[%dma_start3A_117] : memref<10240xf32, #tpu.memory_space<vmem_shared>> -> memref<10240xf32, #tpu.memory_space<vmem_shared>>
    tpu.enqueue_indirect_dma source(%arg8 : memref<80xf32, #tpu.memory_space<vmem>>) target(%dma_start3A_118 : memref<10240xf32, #tpu.memory_space<vmem_shared>>) offsets(%dma_start3A_116 : memref<80xi32, #tpu.memory_space<vmem>>) semaphore(%arg12 : memref<!tpu.dma_semaphore, #tpu.memory_space<semaphore_mem>>) {add = true}
    %dma_start3A_119 = arith.constant 124 : i32
    %dma_start3A_120 = arith.constant 0 : i32
    %dma_start3A_121 = tpu.memref_slice %arg7[%dma_start3A_119, %dma_start3A_120] : memref<125x80xi32, #tpu.memory_space<vmem>> -> memref<1x80xi32, #tpu.memory_space<vmem>>
    %dma_start3A_122 = tpu.memref_squeeze %dma_start3A_121 : memref<1x80xi32, #tpu.memory_space<vmem>> -> memref<80xi32, #tpu.memory_space<vmem>>
    %dma_start3A_123 = arith.constant 0 : i32
    %dma_start3A_124 = tpu.memref_slice %arg11[%dma_start3A_123] : memref<10240xf32, #tpu.memory_space<vmem_shared>> -> memref<10240xf32, #tpu.memory_space<vmem_shared>>
    tpu.enqueue_indirect_dma source(%arg8 : memref<80xf32, #tpu.memory_space<vmem>>) target(%dma_start3A_124 : memref<10240xf32, #tpu.memory_space<vmem_shared>>) offsets(%dma_start3A_122 : memref<80xi32, #tpu.memory_space<vmem>>) semaphore(%arg12 : memref<!tpu.dma_semaphore, #tpu.memory_space<semaphore_mem>>) {add = true}
    %dma_wait3A_125 = arith.constant 0 : i32
    %dma_wait3A_126 = arith.constant 0 : i32
    %dma_wait3A_127 = tpu.memref_slice %arg6[%dma_wait3A_125, %dma_wait3A_126] : memref<125x80xi32, #tpu.memory_space<vmem>> -> memref<1x80xi32, #tpu.memory_space<vmem>>
    %dma_wait3A_128 = tpu.memref_squeeze %dma_wait3A_127 : memref<1x80xi32, #tpu.memory_space<vmem>> -> memref<80xi32, #tpu.memory_space<vmem>>
    %dma_wait3A_129 = arith.constant 0 : i32
    %dma_wait3A_130 = tpu.memref_slice %arg10[%dma_wait3A_129] : memref<10240xf32, #tpu.memory_space<vmem_shared>> -> memref<10240xf32, #tpu.memory_space<vmem_shared>>
    tpu.wait_indirect_dma semaphore(%arg12 : memref<!tpu.dma_semaphore, #tpu.memory_space<semaphore_mem>>) src(%arg8 : memref<80xf32, #tpu.memory_space<vmem>>) dst(%dma_wait3A_130 : memref<10240xf32, #tpu.memory_space<vmem_shared>>)
    %dma_wait3A_131 = arith.constant 0 : i32
    %dma_wait3A_132 = arith.constant 0 : i32
    %dma_wait3A_133 = tpu.memref_slice %arg7[%dma_wait3A_131, %dma_wait3A_132] : memref<125x80xi32, #tpu.memory_space<vmem>> -> memref<1x80xi32, #tpu.memory_space<vmem>>
    %dma_wait3A_134 = tpu.memref_squeeze %dma_wait3A_133 : memref<1x80xi32, #tpu.memory_space<vmem>> -> memref<80xi32, #tpu.memory_space<vmem>>
    %dma_wait3A_135 = arith.constant 0 : i32
    %dma_wait3A_136 = tpu.memref_slice %arg11[%dma_wait3A_135] : memref<10240xf32, #tpu.memory_space<vmem_shared>> -> memref<10240xf32, #tpu.memory_space<vmem_shared>>
    tpu.wait_indirect_dma semaphore(%arg12 : memref<!tpu.dma_semaphore, #tpu.memory_space<semaphore_mem>>) src(%arg8 : memref<80xf32, #tpu.memory_space<vmem>>) dst(%dma_wait3A_136 : memref<10240xf32, #tpu.memory_space<vmem_shared>>)
    %barrier3A_137 = arith.constant 0 : index
    tpu.barrier barrier_id(%barrier3A_137)
    %mul3A_138 = arith.constant 640 : i32
    %mul3A_139 = arith.muli %arg1, %mul3A_138 : i32
    %mul3A_140 = arith.constant 640 : i32
    %mul3A_141 = arith.muli %arg1, %mul3A_140 : i32
    "tpu.region"() ({
      %run_scoped3A = tpu.sem_alloc : memref<!tpu.dma_semaphore, #tpu.memory_space<semaphore_mem>>
      %dma_start3A_146 = tpu.memref_slice %arg4[%arg0, %mul3A_141] : memref<2x10240xf32, #tpu.memory_space<hbm>> -> memref<1x640xf32, #tpu.memory_space<hbm>>
      %dma_start3A_147 = tpu.memref_squeeze %dma_start3A_146 : memref<1x640xf32, #tpu.memory_space<hbm>> -> memref<640xf32, #tpu.memory_space<hbm>>
      %dma_start3A_148 = tpu.memref_slice %arg10[%mul3A_139] : memref<10240xf32, #tpu.memory_space<vmem_shared>> -> memref<640xf32, #tpu.memory_space<vmem_shared>>
      tpu.enqueue_dma source(%dma_start3A_148 : memref<640xf32, #tpu.memory_space<vmem_shared>>) target(%dma_start3A_147 : memref<640xf32, #tpu.memory_space<hbm>>) target_semaphore(%run_scoped3A : memref<!tpu.dma_semaphore, #tpu.memory_space<semaphore_mem>>)
      %dma_wait3A_149 = tpu.memref_slice %arg4[%arg0, %mul3A_141] : memref<2x10240xf32, #tpu.memory_space<hbm>> -> memref<1x640xf32, #tpu.memory_space<hbm>>
      %dma_wait3A_150 = tpu.memref_squeeze %dma_wait3A_149 : memref<1x640xf32, #tpu.memory_space<hbm>> -> memref<640xf32, #tpu.memory_space<hbm>>
      %dma_wait3A_151 = tpu.memref_slice %arg10[%mul3A_139] : memref<10240xf32, #tpu.memory_space<vmem_shared>> -> memref<640xf32, #tpu.memory_space<vmem_shared>>
      tpu.wait_dma2 semaphore(%run_scoped3A : memref<!tpu.dma_semaphore, #tpu.memory_space<semaphore_mem>>) src(%dma_wait3A_151 : memref<640xf32, #tpu.memory_space<vmem_shared>>) dst(%dma_wait3A_150 : memref<640xf32, #tpu.memory_space<hbm>>)
      tpu.yield
    }) : () -> ()
    %mul3A_142 = arith.constant 640 : i32
    %mul3A_143 = arith.muli %arg1, %mul3A_142 : i32
    %mul3A_144 = arith.constant 640 : i32
    %mul3A_145 = arith.muli %arg1, %mul3A_144 : i32
    "tpu.region"() ({
      %run_scoped3A = tpu.sem_alloc : memref<!tpu.dma_semaphore, #tpu.memory_space<semaphore_mem>>
      %dma_start3A_146 = tpu.memref_slice %arg5[%arg0, %mul3A_145] : memref<2x10240xf32, #tpu.memory_space<hbm>> -> memref<1x640xf32, #tpu.memory_space<hbm>>
      %dma_start3A_147 = tpu.memref_squeeze %dma_start3A_146 : memref<1x640xf32, #tpu.memory_space<hbm>> -> memref<640xf32, #tpu.memory_space<hbm>>
      %dma_start3A_148 = tpu.memref_slice %arg11[%mul3A_143] : memref<10240xf32, #tpu.memory_space<vmem_shared>> -> memref<640xf32, #tpu.memory_space<vmem_shared>>
      tpu.enqueue_dma source(%dma_start3A_148 : memref<640xf32, #tpu.memory_space<vmem_shared>>) target(%dma_start3A_147 : memref<640xf32, #tpu.memory_space<hbm>>) target_semaphore(%run_scoped3A : memref<!tpu.dma_semaphore, #tpu.memory_space<semaphore_mem>>)
      %dma_wait3A_149 = tpu.memref_slice %arg5[%arg0, %mul3A_145] : memref<2x10240xf32, #tpu.memory_space<hbm>> -> memref<1x640xf32, #tpu.memory_space<hbm>>
      %dma_wait3A_150 = tpu.memref_squeeze %dma_wait3A_149 : memref<1x640xf32, #tpu.memory_space<hbm>> -> memref<640xf32, #tpu.memory_space<hbm>>
      %dma_wait3A_151 = tpu.memref_slice %arg11[%mul3A_143] : memref<10240xf32, #tpu.memory_space<vmem_shared>> -> memref<640xf32, #tpu.memory_space<vmem_shared>>
      tpu.wait_dma2 semaphore(%run_scoped3A : memref<!tpu.dma_semaphore, #tpu.memory_space<semaphore_mem>>) src(%dma_wait3A_151 : memref<640xf32, #tpu.memory_space<vmem_shared>>) dst(%dma_wait3A_150 : memref<640xf32, #tpu.memory_space<hbm>>)
      tpu.yield
    }) : () -> ()
    return
  }
}

#map = affine_map<(d0, d1) -> (0, 0)>
#map1 = affine_map<(d0, d1) -> (0)>
#map2 = affine_map<(d0, d1) -> (0, 0, 0)>
module attributes {stable_mosaic.version = 14 : i64} {
  func.func @k(%arg0: i32, %arg1: i32, %arg2: memref<10240x128xf32, #tpu.memory_space<hbm>>, %arg3: memref<320240xi32, #tpu.memory_space<hbm>>, %arg4: memref<320240xi32, #tpu.memory_space<hbm>>, %arg5: memref<2x10240x128xf32, #tpu.memory_space<hbm>>, %arg6: memref<80xi32, #tpu.memory_space<vmem>>, %arg7: memref<80xi32, #tpu.memory_space<vmem>>, %arg8: memref<80xi32, #tpu.memory_space<vmem>>, %arg9: memref<80xi32, #tpu.memory_space<vmem>>, %arg10: memref<80xi32, #tpu.memory_space<vmem>>, %arg11: memref<80xi32, #tpu.memory_space<vmem>>, %arg12: memref<80xi32, #tpu.memory_space<vmem>>, %arg13: memref<80xi32, #tpu.memory_space<vmem>>, %arg14: memref<80x128xf32, #tpu.memory_space<vmem>>, %arg15: memref<80x128xf32, #tpu.memory_space<vmem>>, %arg16: memref<80x128xf32, #tpu.memory_space<vmem>>, %arg17: memref<80x128xf32, #tpu.memory_space<vmem>>, %arg18: memref<!tpu.dma_semaphore, #tpu.memory_space<semaphore_mem>>, %arg19: memref<!tpu.dma_semaphore, #tpu.memory_space<semaphore_mem>>, %arg20: memref<!tpu.dma_semaphore, #tpu.memory_space<semaphore_mem>>, %arg21: memref<!tpu.dma_semaphore, #tpu.memory_space<semaphore_mem>>, %arg22: memref<!tpu.dma_semaphore, #tpu.memory_space<semaphore_mem>>, %arg23: memref<!tpu.dma_semaphore, #tpu.memory_space<semaphore_mem>>, %arg24: memref<!tpu.dma_semaphore, #tpu.memory_space<semaphore_mem>>, %arg25: memref<!tpu.dma_semaphore, #tpu.memory_space<semaphore_mem>>, %arg26: memref<!tpu.dma_semaphore, #tpu.memory_space<semaphore_mem>>, %arg27: memref<!tpu.dma_semaphore, #tpu.memory_space<semaphore_mem>>, %arg28: memref<!tpu.dma_semaphore, #tpu.memory_space<semaphore_mem>>, %arg29: memref<!tpu.dma_semaphore, #tpu.memory_space<semaphore_mem>>, %arg30: memref<10240x128xf32, #tpu.memory_space<vmem_shared>>) attributes {dimension_semantics = [#tpu.dimension_semantics<core_parallel>, #tpu.dimension_semantics<subcore_parallel>], iteration_bounds = array<i64: 2, 16>, scalar_prefetch = 0 : i64, scratch_operands = 25 : i64, tpu.core_type = #tpu.core_type<sc_vector_subcore>, window_params = [{transform_indices = #map}, {transform_indices = #map1}, {transform_indices = #map1}, {transform_indices = #map2}]} {
    %mul3A = arith.constant 2 : i32
    %mul3A_0 = arith.muli %arg1, %mul3A : i32
    %add3A = arith.addi %mul3A_0, %arg0 : i32
    %mul3A_1 = arith.constant 10000 : i32
    %mul3A_2 = arith.muli %add3A, %mul3A_1 : i32
    %scan3A = arith.constant 0 : i32
    %scan3A_3 = arith.constant 80 : i32
    %scan3A_4 = arith.addi %scan3A, %scan3A_3 : i32
    %scan3A_5 = arith.constant 1 : i32
    scf.for %scan3A_160 = %scan3A to %scan3A_4 step %scan3A_5  : i32 {
      %mul3A_161 = arith.constant 1 : i32
      %mul3A_162 = arith.muli %scan3A_160, %mul3A_161 : i32
      %add3A_163 = arith.constant 0 : i32
      %add3A_164 = arith.addi %add3A_163, %mul3A_162 : i32
      %broadcast_in_dim3A = arith.constant 0.000000e+00 : f32
      %broadcast_in_dim3A_165 = vector.broadcast %broadcast_in_dim3A : f32 to vector<16xf32>
      %swap3A = arith.index_cast %add3A_164 : i32 to index
      %swap3A_166 = arith.constant 0 : index
      %swap3A_167 = tpu.vector_load %arg14[%swap3A, %swap3A_166] {strides = array<i32>} : memref<80x128xf32, #tpu.memory_space<vmem>>, vector<1x16xf32>,
      %swap3A_168 = vector.shape_cast %swap3A_167 : vector<1x16xf32> to vector<16xf32>
      %swap3A_169 = vector.shape_cast %broadcast_in_dim3A_165 : vector<16xf32> to vector<1x16xf32>
      tpu.vector_store %arg14[%swap3A, %swap3A_166], %swap3A_169 {strides = array<i32>} : memref<80x128xf32, #tpu.memory_space<vmem>>, vector<1x16xf32>,
      %broadcast_in_dim3A_170 = arith.constant 0.000000e+00 : f32
      %broadcast_in_dim3A_171 = vector.broadcast %broadcast_in_dim3A_170 : f32 to vector<16xf32>
      %swap3A_172 = arith.index_cast %add3A_164 : i32 to index
      %swap3A_173 = arith.constant 16 : index
      %swap3A_174 = tpu.vector_load %arg14[%swap3A_172, %swap3A_173] {strides = array<i32>} : memref<80x128xf32, #tpu.memory_space<vmem>>, vector<1x16xf32>,
      %swap3A_175 = vector.shape_cast %swap3A_174 : vector<1x16xf32> to vector<16xf32>
      %swap3A_176 = vector.shape_cast %broadcast_in_dim3A_171 : vector<16xf32> to vector<1x16xf32>
      tpu.vector_store %arg14[%swap3A_172, %swap3A_173], %swap3A_176 {strides = array<i32>} : memref<80x128xf32, #tpu.memory_space<vmem>>, vector<1x16xf32>,
      %broadcast_in_dim3A_177 = arith.constant 0.000000e+00 : f32
      %broadcast_in_dim3A_178 = vector.broadcast %broadcast_in_dim3A_177 : f32 to vector<16xf32>
      %swap3A_179 = arith.index_cast %add3A_164 : i32 to index
      %swap3A_180 = arith.constant 32 : index
      %swap3A_181 = tpu.vector_load %arg14[%swap3A_179, %swap3A_180] {strides = array<i32>} : memref<80x128xf32, #tpu.memory_space<vmem>>, vector<1x16xf32>,
      %swap3A_182 = vector.shape_cast %swap3A_181 : vector<1x16xf32> to vector<16xf32>
      %swap3A_183 = vector.shape_cast %broadcast_in_dim3A_178 : vector<16xf32> to vector<1x16xf32>
      tpu.vector_store %arg14[%swap3A_179, %swap3A_180], %swap3A_183 {strides = array<i32>} : memref<80x128xf32, #tpu.memory_space<vmem>>, vector<1x16xf32>,
      %broadcast_in_dim3A_184 = arith.constant 0.000000e+00 : f32
      %broadcast_in_dim3A_185 = vector.broadcast %broadcast_in_dim3A_184 : f32 to vector<16xf32>
      %swap3A_186 = arith.index_cast %add3A_164 : i32 to index
      %swap3A_187 = arith.constant 48 : index
      %swap3A_188 = tpu.vector_load %arg14[%swap3A_186, %swap3A_187] {strides = array<i32>} : memref<80x128xf32, #tpu.memory_space<vmem>>, vector<1x16xf32>,
      %swap3A_189 = vector.shape_cast %swap3A_188 : vector<1x16xf32> to vector<16xf32>
      %swap3A_190 = vector.shape_cast %broadcast_in_dim3A_185 : vector<16xf32> to vector<1x16xf32>
      tpu.vector_store %arg14[%swap3A_186, %swap3A_187], %swap3A_190 {strides = array<i32>} : memref<80x128xf32, #tpu.memory_space<vmem>>, vector<1x16xf32>,
      %broadcast_in_dim3A_191 = arith.constant 0.000000e+00 : f32
      %broadcast_in_dim3A_192 = vector.broadcast %broadcast_in_dim3A_191 : f32 to vector<16xf32>
      %swap3A_193 = arith.index_cast %add3A_164 : i32 to index
      %swap3A_194 = arith.constant 64 : index
      %swap3A_195 = tpu.vector_load %arg14[%swap3A_193, %swap3A_194] {strides = array<i32>} : memref<80x128xf32, #tpu.memory_space<vmem>>, vector<1x16xf32>,
      %swap3A_196 = vector.shape_cast %swap3A_195 : vector<1x16xf32> to vector<16xf32>
      %swap3A_197 = vector.shape_cast %broadcast_in_dim3A_192 : vector<16xf32> to vector<1x16xf32>
      tpu.vector_store %arg14[%swap3A_193, %swap3A_194], %swap3A_197 {strides = array<i32>} : memref<80x128xf32, #tpu.memory_space<vmem>>, vector<1x16xf32>,
      %broadcast_in_dim3A_198 = arith.constant 0.000000e+00 : f32
      %broadcast_in_dim3A_199 = vector.broadcast %broadcast_in_dim3A_198 : f32 to vector<16xf32>
      %swap3A_200 = arith.index_cast %add3A_164 : i32 to index
      %swap3A_201 = arith.constant 80 : index
      %swap3A_202 = tpu.vector_load %arg14[%swap3A_200, %swap3A_201] {strides = array<i32>} : memref<80x128xf32, #tpu.memory_space<vmem>>, vector<1x16xf32>,
      %swap3A_203 = vector.shape_cast %swap3A_202 : vector<1x16xf32> to vector<16xf32>
      %swap3A_204 = vector.shape_cast %broadcast_in_dim3A_199 : vector<16xf32> to vector<1x16xf32>
      tpu.vector_store %arg14[%swap3A_200, %swap3A_201], %swap3A_204 {strides = array<i32>} : memref<80x128xf32, #tpu.memory_space<vmem>>, vector<1x16xf32>,
      %broadcast_in_dim3A_205 = arith.constant 0.000000e+00 : f32
      %broadcast_in_dim3A_206 = vector.broadcast %broadcast_in_dim3A_205 : f32 to vector<16xf32>
      %swap3A_207 = arith.index_cast %add3A_164 : i32 to index
      %swap3A_208 = arith.constant 96 : index
      %swap3A_209 = tpu.vector_load %arg14[%swap3A_207, %swap3A_208] {strides = array<i32>} : memref<80x128xf32, #tpu.memory_space<vmem>>, vector<1x16xf32>,
      %swap3A_210 = vector.shape_cast %swap3A_209 : vector<1x16xf32> to vector<16xf32>
      %swap3A_211 = vector.shape_cast %broadcast_in_dim3A_206 : vector<16xf32> to vector<1x16xf32>
      tpu.vector_store %arg14[%swap3A_207, %swap3A_208], %swap3A_211 {strides = array<i32>} : memref<80x128xf32, #tpu.memory_space<vmem>>, vector<1x16xf32>,
      %broadcast_in_dim3A_212 = arith.constant 0.000000e+00 : f32
      %broadcast_in_dim3A_213 = vector.broadcast %broadcast_in_dim3A_212 : f32 to vector<16xf32>
      %swap3A_214 = arith.index_cast %add3A_164 : i32 to index
      %swap3A_215 = arith.constant 112 : index
      %swap3A_216 = tpu.vector_load %arg14[%swap3A_214, %swap3A_215] {strides = array<i32>} : memref<80x128xf32, #tpu.memory_space<vmem>>, vector<1x16xf32>,
      %swap3A_217 = vector.shape_cast %swap3A_216 : vector<1x16xf32> to vector<16xf32>
      %swap3A_218 = vector.shape_cast %broadcast_in_dim3A_213 : vector<16xf32> to vector<1x16xf32>
      tpu.vector_store %arg14[%swap3A_214, %swap3A_215], %swap3A_218 {strides = array<i32>} : memref<80x128xf32, #tpu.memory_space<vmem>>, vector<1x16xf32>,
    }
    %scan3A_6 = arith.constant 80 : i32
    %scan3A_7 = arith.constant 0 : i32
    %scan3A_8 = arith.constant 8 : i32
    %scan3A_9 = arith.addi %scan3A_7, %scan3A_8 : i32
    %scan3A_10 = arith.constant 1 : i32
    scf.for %scan3A_160 = %scan3A_7 to %scan3A_9 step %scan3A_10  : i32 {
      %mul3A_161 = arith.constant 1 : i32
      %mul3A_162 = arith.muli %scan3A_160, %mul3A_161 : i32
      %add3A_163 = arith.constant 0 : i32
      %add3A_164 = arith.addi %add3A_163, %mul3A_162 : i32
      %mul3A_165 = arith.constant 640 : i32
      %mul3A_166 = arith.muli %arg1, %mul3A_165 : i32
      %mul3A_167 = arith.constant 80 : i32
      %mul3A_168 = arith.muli %add3A_164, %mul3A_167 : i32
      %add3A_169 = arith.addi %mul3A_166, %mul3A_168 : i32
      "tpu.region"() ({
        %run_scoped3A = tpu.sem_alloc : memref<!tpu.dma_semaphore, #tpu.memory_space<semaphore_mem>>
        %dma_start3A_170 = arith.constant 0 : i32
        %dma_start3A_171 = tpu.memref_slice %arg30[%add3A_169, %dma_start3A_170] : memref<10240x128xf32, #tpu.memory_space<vmem_shared>> -> memref<80x128xf32, #tpu.memory_space<vmem_shared>>
        %dma_start3A_172 = arith.constant 0 : i32
        %dma_start3A_173 = tpu.memref_slice %arg30[%add3A_169, %dma_start3A_172] : memref<10240x128xf32, #tpu.memory_space<vmem_shared>> -> memref<80x128xf32, #tpu.memory_space<vmem_shared>>
        tpu.enqueue_dma source(%arg14 : memref<80x128xf32, #tpu.memory_space<vmem>>) target(%dma_start3A_173 : memref<80x128xf32, #tpu.memory_space<vmem_shared>>) target_semaphore(%run_scoped3A : memref<!tpu.dma_semaphore, #tpu.memory_space<semaphore_mem>>)
        %dma_wait3A_174 = arith.constant 0 : i32
        %dma_wait3A_175 = tpu.memref_slice %arg30[%add3A_169, %dma_wait3A_174] : memref<10240x128xf32, #tpu.memory_space<vmem_shared>> -> memref<80x128xf32, #tpu.memory_space<vmem_shared>>
        %dma_wait3A_176 = arith.constant 0 : i32
        %dma_wait3A_177 = tpu.memref_slice %arg30[%add3A_169, %dma_wait3A_176] : memref<10240x128xf32, #tpu.memory_space<vmem_shared>> -> memref<80x128xf32, #tpu.memory_space<vmem_shared>>
        tpu.wait_dma2 semaphore(%run_scoped3A : memref<!tpu.dma_semaphore, #tpu.memory_space<semaphore_mem>>) src(%arg14 : memref<80x128xf32, #tpu.memory_space<vmem>>) dst(%dma_wait3A_177 : memref<80x128xf32, #tpu.memory_space<vmem_shared>>)
        tpu.yield
      }) : () -> ()
    }
    %scan3A_11 = arith.constant 8 : i32
    %barrier3A = arith.constant 0 : index
    tpu.barrier barrier_id(%barrier3A)
    %add3A_12 = arith.constant 0 : i32
    %add3A_13 = arith.addi %mul3A_2, %add3A_12 : i32
    %dma_start3A = tpu.memref_slice %arg3[%add3A_13] : memref<320240xi32, #tpu.memory_space<hbm>> -> memref<80xi32, #tpu.memory_space<hbm>>
    %dma_start3A_14 = tpu.memref_slice %arg3[%add3A_13] : memref<320240xi32, #tpu.memory_space<hbm>> -> memref<80xi32, #tpu.memory_space<hbm>>
    tpu.enqueue_dma source(%dma_start3A_14 : memref<80xi32, #tpu.memory_space<hbm>>) target(%arg6 : memref<80xi32, #tpu.memory_space<vmem>>) target_semaphore(%arg18 : memref<!tpu.dma_semaphore, #tpu.memory_space<semaphore_mem>>)
    %add3A_15 = arith.constant 0 : i32
    %add3A_16 = arith.addi %mul3A_2, %add3A_15 : i32
    %dma_start3A_17 = tpu.memref_slice %arg4[%add3A_16] : memref<320240xi32, #tpu.memory_space<hbm>> -> memref<80xi32, #tpu.memory_space<hbm>>
    %dma_start3A_18 = tpu.memref_slice %arg4[%add3A_16] : memref<320240xi32, #tpu.memory_space<hbm>> -> memref<80xi32, #tpu.memory_space<hbm>>
    tpu.enqueue_dma source(%dma_start3A_18 : memref<80xi32, #tpu.memory_space<hbm>>) target(%arg10 : memref<80xi32, #tpu.memory_space<vmem>>) target_semaphore(%arg18 : memref<!tpu.dma_semaphore, #tpu.memory_space<semaphore_mem>>)
    %add3A_19 = arith.constant 80 : i32
    %add3A_20 = arith.addi %mul3A_2, %add3A_19 : i32
    %dma_start3A_21 = tpu.memref_slice %arg3[%add3A_20] : memref<320240xi32, #tpu.memory_space<hbm>> -> memref<80xi32, #tpu.memory_space<hbm>>
    %dma_start3A_22 = tpu.memref_slice %arg3[%add3A_20] : memref<320240xi32, #tpu.memory_space<hbm>> -> memref<80xi32, #tpu.memory_space<hbm>>
    tpu.enqueue_dma source(%dma_start3A_22 : memref<80xi32, #tpu.memory_space<hbm>>) target(%arg7 : memref<80xi32, #tpu.memory_space<vmem>>) target_semaphore(%arg19 : memref<!tpu.dma_semaphore, #tpu.memory_space<semaphore_mem>>)
    %add3A_23 = arith.constant 80 : i32
    %add3A_24 = arith.addi %mul3A_2, %add3A_23 : i32
    %dma_start3A_25 = tpu.memref_slice %arg4[%add3A_24] : memref<320240xi32, #tpu.memory_space<hbm>> -> memref<80xi32, #tpu.memory_space<hbm>>
    %dma_start3A_26 = tpu.memref_slice %arg4[%add3A_24] : memref<320240xi32, #tpu.memory_space<hbm>> -> memref<80xi32, #tpu.memory_space<hbm>>
    tpu.enqueue_dma source(%dma_start3A_26 : memref<80xi32, #tpu.memory_space<hbm>>) target(%arg11 : memref<80xi32, #tpu.memory_space<vmem>>) target_semaphore(%arg19 : memref<!tpu.dma_semaphore, #tpu.memory_space<semaphore_mem>>)
    %add3A_27 = arith.constant 160 : i32
    %add3A_28 = arith.addi %mul3A_2, %add3A_27 : i32
    %dma_start3A_29 = tpu.memref_slice %arg3[%add3A_28] : memref<320240xi32, #tpu.memory_space<hbm>> -> memref<80xi32, #tpu.memory_space<hbm>>
    %dma_start3A_30 = tpu.memref_slice %arg3[%add3A_28] : memref<320240xi32, #tpu.memory_space<hbm>> -> memref<80xi32, #tpu.memory_space<hbm>>
    tpu.enqueue_dma source(%dma_start3A_30 : memref<80xi32, #tpu.memory_space<hbm>>) target(%arg8 : memref<80xi32, #tpu.memory_space<vmem>>) target_semaphore(%arg20 : memref<!tpu.dma_semaphore, #tpu.memory_space<semaphore_mem>>)
    %add3A_31 = arith.constant 160 : i32
    %add3A_32 = arith.addi %mul3A_2, %add3A_31 : i32
    %dma_start3A_33 = tpu.memref_slice %arg4[%add3A_32] : memref<320240xi32, #tpu.memory_space<hbm>> -> memref<80xi32, #tpu.memory_space<hbm>>
    %dma_start3A_34 = tpu.memref_slice %arg4[%add3A_32] : memref<320240xi32, #tpu.memory_space<hbm>> -> memref<80xi32, #tpu.memory_space<hbm>>
    tpu.enqueue_dma source(%dma_start3A_34 : memref<80xi32, #tpu.memory_space<hbm>>) target(%arg12 : memref<80xi32, #tpu.memory_space<vmem>>) target_semaphore(%arg20 : memref<!tpu.dma_semaphore, #tpu.memory_space<semaphore_mem>>)
    %add3A_35 = arith.constant 240 : i32
    %add3A_36 = arith.addi %mul3A_2, %add3A_35 : i32
    %dma_start3A_37 = tpu.memref_slice %arg3[%add3A_36] : memref<320240xi32, #tpu.memory_space<hbm>> -> memref<80xi32, #tpu.memory_space<hbm>>
    %dma_start3A_38 = tpu.memref_slice %arg3[%add3A_36] : memref<320240xi32, #tpu.memory_space<hbm>> -> memref<80xi32, #tpu.memory_space<hbm>>
    tpu.enqueue_dma source(%dma_start3A_38 : memref<80xi32, #tpu.memory_space<hbm>>) target(%arg9 : memref<80xi32, #tpu.memory_space<vmem>>) target_semaphore(%arg21 : memref<!tpu.dma_semaphore, #tpu.memory_space<semaphore_mem>>)
    %add3A_39 = arith.constant 240 : i32
    %add3A_40 = arith.addi %mul3A_2, %add3A_39 : i32
    %dma_start3A_41 = tpu.memref_slice %arg4[%add3A_40] : memref<320240xi32, #tpu.memory_space<hbm>> -> memref<80xi32, #tpu.memory_space<hbm>>
    %dma_start3A_42 = tpu.memref_slice %arg4[%add3A_40] : memref<320240xi32, #tpu.memory_space<hbm>> -> memref<80xi32, #tpu.memory_space<hbm>>
    tpu.enqueue_dma source(%dma_start3A_42 : memref<80xi32, #tpu.memory_space<hbm>>) target(%arg13 : memref<80xi32, #tpu.memory_space<vmem>>) target_semaphore(%arg21 : memref<!tpu.dma_semaphore, #tpu.memory_space<semaphore_mem>>)
    %dma_wait3A = arith.constant 0 : i32
    %dma_wait3A_43 = tpu.memref_slice %arg3[%dma_wait3A] : memref<320240xi32, #tpu.memory_space<hbm>> -> memref<80xi32, #tpu.memory_space<hbm>>
    %dma_wait3A_44 = arith.constant 0 : i32
    %dma_wait3A_45 = tpu.memref_slice %arg3[%dma_wait3A_44] : memref<320240xi32, #tpu.memory_space<hbm>> -> memref<80xi32, #tpu.memory_space<hbm>>
    tpu.wait_dma2 semaphore(%arg18 : memref<!tpu.dma_semaphore, #tpu.memory_space<semaphore_mem>>) src(%dma_wait3A_45 : memref<80xi32, #tpu.memory_space<hbm>>) dst(%arg6 : memref<80xi32, #tpu.memory_space<vmem>>)
    %dma_wait3A_46 = arith.constant 0 : i32
    %dma_wait3A_47 = tpu.memref_slice %arg4[%dma_wait3A_46] : memref<320240xi32, #tpu.memory_space<hbm>> -> memref<80xi32, #tpu.memory_space<hbm>>
    %dma_wait3A_48 = arith.constant 0 : i32
    %dma_wait3A_49 = tpu.memref_slice %arg4[%dma_wait3A_48] : memref<320240xi32, #tpu.memory_space<hbm>> -> memref<80xi32, #tpu.memory_space<hbm>>
    tpu.wait_dma2 semaphore(%arg18 : memref<!tpu.dma_semaphore, #tpu.memory_space<semaphore_mem>>) src(%dma_wait3A_49 : memref<80xi32, #tpu.memory_space<hbm>>) dst(%arg10 : memref<80xi32, #tpu.memory_space<vmem>>)
    %dma_start3A_50 = arith.constant 0 : i32
    %dma_start3A_51 = arith.constant 0 : i32
    %dma_start3A_52 = tpu.memref_slice %arg2[%dma_start3A_50, %dma_start3A_51] : memref<10240x128xf32, #tpu.memory_space<hbm>> -> memref<10240x128xf32, #tpu.memory_space<hbm>>
    tpu.enqueue_indirect_dma source(%dma_start3A_52 : memref<10240x128xf32, #tpu.memory_space<hbm>>) target(%arg14 : memref<80x128xf32, #tpu.memory_space<vmem>>) offsets(%arg6 : memref<80xi32, #tpu.memory_space<vmem>>) semaphore(%arg22 : memref<!tpu.dma_semaphore, #tpu.memory_space<semaphore_mem>>)
    %dma_wait3A_53 = arith.constant 0 : i32
    %dma_wait3A_54 = tpu.memref_slice %arg3[%dma_wait3A_53] : memref<320240xi32, #tpu.memory_space<hbm>> -> memref<80xi32, #tpu.memory_space<hbm>>
    %dma_wait3A_55 = arith.constant 0 : i32
    %dma_wait3A_56 = tpu.memref_slice %arg3[%dma_wait3A_55] : memref<320240xi32, #tpu.memory_space<hbm>> -> memref<80xi32, #tpu.memory_space<hbm>>
    tpu.wait_dma2 semaphore(%arg19 : memref<!tpu.dma_semaphore, #tpu.memory_space<semaphore_mem>>) src(%dma_wait3A_56 : memref<80xi32, #tpu.memory_space<hbm>>) dst(%arg7 : memref<80xi32, #tpu.memory_space<vmem>>)
    %dma_wait3A_57 = arith.constant 0 : i32
    %dma_wait3A_58 = tpu.memref_slice %arg4[%dma_wait3A_57] : memref<320240xi32, #tpu.memory_space<hbm>> -> memref<80xi32, #tpu.memory_space<hbm>>
    %dma_wait3A_59 = arith.constant 0 : i32
    %dma_wait3A_60 = tpu.memref_slice %arg4[%dma_wait3A_59] : memref<320240xi32, #tpu.memory_space<hbm>> -> memref<80xi32, #tpu.memory_space<hbm>>
    tpu.wait_dma2 semaphore(%arg19 : memref<!tpu.dma_semaphore, #tpu.memory_space<semaphore_mem>>) src(%dma_wait3A_60 : memref<80xi32, #tpu.memory_space<hbm>>) dst(%arg11 : memref<80xi32, #tpu.memory_space<vmem>>)
    %dma_start3A_61 = arith.constant 0 : i32
    %dma_start3A_62 = arith.constant 0 : i32
    %dma_start3A_63 = tpu.memref_slice %arg2[%dma_start3A_61, %dma_start3A_62] : memref<10240x128xf32, #tpu.memory_space<hbm>> -> memref<10240x128xf32, #tpu.memory_space<hbm>>
    tpu.enqueue_indirect_dma source(%dma_start3A_63 : memref<10240x128xf32, #tpu.memory_space<hbm>>) target(%arg15 : memref<80x128xf32, #tpu.memory_space<vmem>>) offsets(%arg7 : memref<80xi32, #tpu.memory_space<vmem>>) semaphore(%arg23 : memref<!tpu.dma_semaphore, #tpu.memory_space<semaphore_mem>>)
    %dma_wait3A_64 = arith.constant 0 : i32
    %dma_wait3A_65 = tpu.memref_slice %arg3[%dma_wait3A_64] : memref<320240xi32, #tpu.memory_space<hbm>> -> memref<80xi32, #tpu.memory_space<hbm>>
    %dma_wait3A_66 = arith.constant 0 : i32
    %dma_wait3A_67 = tpu.memref_slice %arg3[%dma_wait3A_66] : memref<320240xi32, #tpu.memory_space<hbm>> -> memref<80xi32, #tpu.memory_space<hbm>>
    tpu.wait_dma2 semaphore(%arg20 : memref<!tpu.dma_semaphore, #tpu.memory_space<semaphore_mem>>) src(%dma_wait3A_67 : memref<80xi32, #tpu.memory_space<hbm>>) dst(%arg8 : memref<80xi32, #tpu.memory_space<vmem>>)
    %dma_wait3A_68 = arith.constant 0 : i32
    %dma_wait3A_69 = tpu.memref_slice %arg4[%dma_wait3A_68] : memref<320240xi32, #tpu.memory_space<hbm>> -> memref<80xi32, #tpu.memory_space<hbm>>
    %dma_wait3A_70 = arith.constant 0 : i32
    %dma_wait3A_71 = tpu.memref_slice %arg4[%dma_wait3A_70] : memref<320240xi32, #tpu.memory_space<hbm>> -> memref<80xi32, #tpu.memory_space<hbm>>
    tpu.wait_dma2 semaphore(%arg20 : memref<!tpu.dma_semaphore, #tpu.memory_space<semaphore_mem>>) src(%dma_wait3A_71 : memref<80xi32, #tpu.memory_space<hbm>>) dst(%arg12 : memref<80xi32, #tpu.memory_space<vmem>>)
    %dma_start3A_72 = arith.constant 0 : i32
    %dma_start3A_73 = arith.constant 0 : i32
    %dma_start3A_74 = tpu.memref_slice %arg2[%dma_start3A_72, %dma_start3A_73] : memref<10240x128xf32, #tpu.memory_space<hbm>> -> memref<10240x128xf32, #tpu.memory_space<hbm>>
    tpu.enqueue_indirect_dma source(%dma_start3A_74 : memref<10240x128xf32, #tpu.memory_space<hbm>>) target(%arg16 : memref<80x128xf32, #tpu.memory_space<vmem>>) offsets(%arg8 : memref<80xi32, #tpu.memory_space<vmem>>) semaphore(%arg24 : memref<!tpu.dma_semaphore, #tpu.memory_space<semaphore_mem>>)
    %dma_wait3A_75 = arith.constant 0 : i32
    %dma_wait3A_76 = tpu.memref_slice %arg3[%dma_wait3A_75] : memref<320240xi32, #tpu.memory_space<hbm>> -> memref<80xi32, #tpu.memory_space<hbm>>
    %dma_wait3A_77 = arith.constant 0 : i32
    %dma_wait3A_78 = tpu.memref_slice %arg3[%dma_wait3A_77] : memref<320240xi32, #tpu.memory_space<hbm>> -> memref<80xi32, #tpu.memory_space<hbm>>
    tpu.wait_dma2 semaphore(%arg21 : memref<!tpu.dma_semaphore, #tpu.memory_space<semaphore_mem>>) src(%dma_wait3A_78 : memref<80xi32, #tpu.memory_space<hbm>>) dst(%arg9 : memref<80xi32, #tpu.memory_space<vmem>>)
    %dma_wait3A_79 = arith.constant 0 : i32
    %dma_wait3A_80 = tpu.memref_slice %arg4[%dma_wait3A_79] : memref<320240xi32, #tpu.memory_space<hbm>> -> memref<80xi32, #tpu.memory_space<hbm>>
    %dma_wait3A_81 = arith.constant 0 : i32
    %dma_wait3A_82 = tpu.memref_slice %arg4[%dma_wait3A_81] : memref<320240xi32, #tpu.memory_space<hbm>> -> memref<80xi32, #tpu.memory_space<hbm>>
    tpu.wait_dma2 semaphore(%arg21 : memref<!tpu.dma_semaphore, #tpu.memory_space<semaphore_mem>>) src(%dma_wait3A_82 : memref<80xi32, #tpu.memory_space<hbm>>) dst(%arg13 : memref<80xi32, #tpu.memory_space<vmem>>)
    %dma_start3A_83 = arith.constant 0 : i32
    %dma_start3A_84 = arith.constant 0 : i32
    %dma_start3A_85 = tpu.memref_slice %arg2[%dma_start3A_83, %dma_start3A_84] : memref<10240x128xf32, #tpu.memory_space<hbm>> -> memref<10240x128xf32, #tpu.memory_space<hbm>>
    tpu.enqueue_indirect_dma source(%dma_start3A_85 : memref<10240x128xf32, #tpu.memory_space<hbm>>) target(%arg17 : memref<80x128xf32, #tpu.memory_space<vmem>>) offsets(%arg9 : memref<80xi32, #tpu.memory_space<vmem>>) semaphore(%arg25 : memref<!tpu.dma_semaphore, #tpu.memory_space<semaphore_mem>>)
    %scan3A_86 = arith.constant 0 : i32
    %scan3A_87 = arith.constant 30 : i32
    %scan3A_88 = arith.addi %scan3A_86, %scan3A_87 : i32
    %scan3A_89 = arith.constant 1 : i32
    scf.for %scan3A_160 = %scan3A_86 to %scan3A_88 step %scan3A_89  : i32 {
      %mul3A_161 = arith.constant 1 : i32
      %mul3A_162 = arith.muli %scan3A_160, %mul3A_161 : i32
      %add3A_163 = arith.constant 0 : i32
      %add3A_164 = arith.addi %add3A_163, %mul3A_162 : i32
      %dma_wait3A_165 = arith.constant 0 : i32
      %dma_wait3A_166 = arith.constant 0 : i32
      %dma_wait3A_167 = tpu.memref_slice %arg2[%dma_wait3A_165, %dma_wait3A_166] : memref<10240x128xf32, #tpu.memory_space<hbm>> -> memref<10240x128xf32, #tpu.memory_space<hbm>>
      tpu.wait_indirect_dma semaphore(%arg22 : memref<!tpu.dma_semaphore, #tpu.memory_space<semaphore_mem>>) src(%dma_wait3A_167 : memref<10240x128xf32, #tpu.memory_space<hbm>>) dst(%arg14 : memref<80x128xf32, #tpu.memory_space<vmem>>)
      %dma_start3A_168 = arith.constant 0 : i32
      %dma_start3A_169 = arith.constant 0 : i32
      %dma_start3A_170 = tpu.memref_slice %arg30[%dma_start3A_168, %dma_start3A_169] : memref<10240x128xf32, #tpu.memory_space<vmem_shared>> -> memref<10240x128xf32, #tpu.memory_space<vmem_shared>>
      tpu.enqueue_indirect_dma source(%arg14 : memref<80x128xf32, #tpu.memory_space<vmem>>) target(%dma_start3A_170 : memref<10240x128xf32, #tpu.memory_space<vmem_shared>>) offsets(%arg10 : memref<80xi32, #tpu.memory_space<vmem>>) semaphore(%arg26 : memref<!tpu.dma_semaphore, #tpu.memory_space<semaphore_mem>>) {add = true}
      %dma_wait3A_171 = arith.constant 0 : i32
      %dma_wait3A_172 = arith.constant 0 : i32
      %dma_wait3A_173 = tpu.memref_slice %arg2[%dma_wait3A_171, %dma_wait3A_172] : memref<10240x128xf32, #tpu.memory_space<hbm>> -> memref<10240x128xf32, #tpu.memory_space<hbm>>
      tpu.wait_indirect_dma semaphore(%arg23 : memref<!tpu.dma_semaphore, #tpu.memory_space<semaphore_mem>>) src(%dma_wait3A_173 : memref<10240x128xf32, #tpu.memory_space<hbm>>) dst(%arg15 : memref<80x128xf32, #tpu.memory_space<vmem>>)
      %dma_start3A_174 = arith.constant 0 : i32
      %dma_start3A_175 = arith.constant 0 : i32
      %dma_start3A_176 = tpu.memref_slice %arg30[%dma_start3A_174, %dma_start3A_175] : memref<10240x128xf32, #tpu.memory_space<vmem_shared>> -> memref<10240x128xf32, #tpu.memory_space<vmem_shared>>
      tpu.enqueue_indirect_dma source(%arg15 : memref<80x128xf32, #tpu.memory_space<vmem>>) target(%dma_start3A_176 : memref<10240x128xf32, #tpu.memory_space<vmem_shared>>) offsets(%arg11 : memref<80xi32, #tpu.memory_space<vmem>>) semaphore(%arg27 : memref<!tpu.dma_semaphore, #tpu.memory_space<semaphore_mem>>) {add = true}
      %dma_wait3A_177 = arith.constant 0 : i32
      %dma_wait3A_178 = arith.constant 0 : i32
      %dma_wait3A_179 = tpu.memref_slice %arg2[%dma_wait3A_177, %dma_wait3A_178] : memref<10240x128xf32, #tpu.memory_space<hbm>> -> memref<10240x128xf32, #tpu.memory_space<hbm>>
      tpu.wait_indirect_dma semaphore(%arg24 : memref<!tpu.dma_semaphore, #tpu.memory_space<semaphore_mem>>) src(%dma_wait3A_179 : memref<10240x128xf32, #tpu.memory_space<hbm>>) dst(%arg16 : memref<80x128xf32, #tpu.memory_space<vmem>>)
      %dma_start3A_180 = arith.constant 0 : i32
      %dma_start3A_181 = arith.constant 0 : i32
      %dma_start3A_182 = tpu.memref_slice %arg30[%dma_start3A_180, %dma_start3A_181] : memref<10240x128xf32, #tpu.memory_space<vmem_shared>> -> memref<10240x128xf32, #tpu.memory_space<vmem_shared>>
      tpu.enqueue_indirect_dma source(%arg16 : memref<80x128xf32, #tpu.memory_space<vmem>>) target(%dma_start3A_182 : memref<10240x128xf32, #tpu.memory_space<vmem_shared>>) offsets(%arg12 : memref<80xi32, #tpu.memory_space<vmem>>) semaphore(%arg28 : memref<!tpu.dma_semaphore, #tpu.memory_space<semaphore_mem>>) {add = true}
      %dma_wait3A_183 = arith.constant 0 : i32
      %dma_wait3A_184 = arith.constant 0 : i32
      %dma_wait3A_185 = tpu.memref_slice %arg2[%dma_wait3A_183, %dma_wait3A_184] : memref<10240x128xf32, #tpu.memory_space<hbm>> -> memref<10240x128xf32, #tpu.memory_space<hbm>>
      tpu.wait_indirect_dma semaphore(%arg25 : memref<!tpu.dma_semaphore, #tpu.memory_space<semaphore_mem>>) src(%dma_wait3A_185 : memref<10240x128xf32, #tpu.memory_space<hbm>>) dst(%arg17 : memref<80x128xf32, #tpu.memory_space<vmem>>)
      %dma_start3A_186 = arith.constant 0 : i32
      %dma_start3A_187 = arith.constant 0 : i32
      %dma_start3A_188 = tpu.memref_slice %arg30[%dma_start3A_186, %dma_start3A_187] : memref<10240x128xf32, #tpu.memory_space<vmem_shared>> -> memref<10240x128xf32, #tpu.memory_space<vmem_shared>>
      tpu.enqueue_indirect_dma source(%arg17 : memref<80x128xf32, #tpu.memory_space<vmem>>) target(%dma_start3A_188 : memref<10240x128xf32, #tpu.memory_space<vmem_shared>>) offsets(%arg13 : memref<80xi32, #tpu.memory_space<vmem>>) semaphore(%arg29 : memref<!tpu.dma_semaphore, #tpu.memory_space<semaphore_mem>>) {add = true}
      %dma_wait3A_189 = arith.constant 0 : i32
      %dma_wait3A_190 = arith.constant 0 : i32
      %dma_wait3A_191 = tpu.memref_slice %arg30[%dma_wait3A_189, %dma_wait3A_190] : memref<10240x128xf32, #tpu.memory_space<vmem_shared>> -> memref<10240x128xf32, #tpu.memory_space<vmem_shared>>
      tpu.wait_indirect_dma semaphore(%arg26 : memref<!tpu.dma_semaphore, #tpu.memory_space<semaphore_mem>>) src(%arg14 : memref<80x128xf32, #tpu.memory_space<vmem>>) dst(%dma_wait3A_191 : memref<10240x128xf32, #tpu.memory_space<vmem_shared>>)
      %add3A_192 = arith.constant 1 : i32
      %add3A_193 = arith.addi %add3A_164, %add3A_192 : i32
      %mul3A_194 = arith.constant 4 : i32
      %mul3A_195 = arith.muli %add3A_193, %mul3A_194 : i32
      %add3A_196 = arith.constant 0 : i32
      %add3A_197 = arith.addi %mul3A_195, %add3A_196 : i32
      %mul3A_198 = arith.constant 80 : i32
      %mul3A_199 = arith.muli %add3A_197, %mul3A_198 : i32
      %add3A_200 = arith.addi %mul3A_2, %mul3A_199 : i32
      %dma_start3A_201 = tpu.memref_slice %arg3[%add3A_200] : memref<320240xi32, #tpu.memory_space<hbm>> -> memref<80xi32, #tpu.memory_space<hbm>>
      %dma_start3A_202 = tpu.memref_slice %arg3[%add3A_200] : memref<320240xi32, #tpu.memory_space<hbm>> -> memref<80xi32, #tpu.memory_space<hbm>>
      tpu.enqueue_dma source(%dma_start3A_202 : memref<80xi32, #tpu.memory_space<hbm>>) target(%arg6 : memref<80xi32, #tpu.memory_space<vmem>>) target_semaphore(%arg18 : memref<!tpu.dma_semaphore, #tpu.memory_space<semaphore_mem>>)
      %mul3A_203 = arith.constant 80 : i32
      %mul3A_204 = arith.muli %add3A_197, %mul3A_203 : i32
      %add3A_205 = arith.addi %mul3A_2, %mul3A_204 : i32
      %dma_start3A_206 = tpu.memref_slice %arg4[%add3A_205] : memref<320240xi32, #tpu.memory_space<hbm>> -> memref<80xi32, #tpu.memory_space<hbm>>
      %dma_start3A_207 = tpu.memref_slice %arg4[%add3A_205] : memref<320240xi32, #tpu.memory_space<hbm>> -> memref<80xi32, #tpu.memory_space<hbm>>
      tpu.enqueue_dma source(%dma_start3A_207 : memref<80xi32, #tpu.memory_space<hbm>>) target(%arg10 : memref<80xi32, #tpu.memory_space<vmem>>) target_semaphore(%arg18 : memref<!tpu.dma_semaphore, #tpu.memory_space<semaphore_mem>>)
      %dma_wait3A_208 = arith.constant 0 : i32
      %dma_wait3A_209 = arith.constant 0 : i32
      %dma_wait3A_210 = tpu.memref_slice %arg30[%dma_wait3A_208, %dma_wait3A_209] : memref<10240x128xf32, #tpu.memory_space<vmem_shared>> -> memref<10240x128xf32, #tpu.memory_space<vmem_shared>>
      tpu.wait_indirect_dma semaphore(%arg27 : memref<!tpu.dma_semaphore, #tpu.memory_space<semaphore_mem>>) src(%arg15 : memref<80x128xf32, #tpu.memory_space<vmem>>) dst(%dma_wait3A_210 : memref<10240x128xf32, #tpu.memory_space<vmem_shared>>)
      %add3A_211 = arith.constant 1 : i32
      %add3A_212 = arith.addi %add3A_164, %add3A_211 : i32
      %mul3A_213 = arith.constant 4 : i32
      %mul3A_214 = arith.muli %add3A_212, %mul3A_213 : i32
      %add3A_215 = arith.constant 1 : i32
      %add3A_216 = arith.addi %mul3A_214, %add3A_215 : i32
      %mul3A_217 = arith.constant 80 : i32
      %mul3A_218 = arith.muli %add3A_216, %mul3A_217 : i32
      %add3A_219 = arith.addi %mul3A_2, %mul3A_218 : i32
      %dma_start3A_220 = tpu.memref_slice %arg3[%add3A_219] : memref<320240xi32, #tpu.memory_space<hbm>> -> memref<80xi32, #tpu.memory_space<hbm>>
      %dma_start3A_221 = tpu.memref_slice %arg3[%add3A_219] : memref<320240xi32, #tpu.memory_space<hbm>> -> memref<80xi32, #tpu.memory_space<hbm>>
      tpu.enqueue_dma source(%dma_start3A_221 : memref<80xi32, #tpu.memory_space<hbm>>) target(%arg7 : memref<80xi32, #tpu.memory_space<vmem>>) target_semaphore(%arg19 : memref<!tpu.dma_semaphore, #tpu.memory_space<semaphore_mem>>)
      %mul3A_222 = arith.constant 80 : i32
      %mul3A_223 = arith.muli %add3A_216, %mul3A_222 : i32
      %add3A_224 = arith.addi %mul3A_2, %mul3A_223 : i32
      %dma_start3A_225 = tpu.memref_slice %arg4[%add3A_224] : memref<320240xi32, #tpu.memory_space<hbm>> -> memref<80xi32, #tpu.memory_space<hbm>>
      %dma_start3A_226 = tpu.memref_slice %arg4[%add3A_224] : memref<320240xi32, #tpu.memory_space<hbm>> -> memref<80xi32, #tpu.memory_space<hbm>>
      tpu.enqueue_dma source(%dma_start3A_226 : memref<80xi32, #tpu.memory_space<hbm>>) target(%arg11 : memref<80xi32, #tpu.memory_space<vmem>>) target_semaphore(%arg19 : memref<!tpu.dma_semaphore, #tpu.memory_space<semaphore_mem>>)
      %dma_wait3A_227 = arith.constant 0 : i32
      %dma_wait3A_228 = arith.constant 0 : i32
      %dma_wait3A_229 = tpu.memref_slice %arg30[%dma_wait3A_227, %dma_wait3A_228] : memref<10240x128xf32, #tpu.memory_space<vmem_shared>> -> memref<10240x128xf32, #tpu.memory_space<vmem_shared>>
      tpu.wait_indirect_dma semaphore(%arg28 : memref<!tpu.dma_semaphore, #tpu.memory_space<semaphore_mem>>) src(%arg16 : memref<80x128xf32, #tpu.memory_space<vmem>>) dst(%dma_wait3A_229 : memref<10240x128xf32, #tpu.memory_space<vmem_shared>>)
      %add3A_230 = arith.constant 1 : i32
      %add3A_231 = arith.addi %add3A_164, %add3A_230 : i32
      %mul3A_232 = arith.constant 4 : i32
      %mul3A_233 = arith.muli %add3A_231, %mul3A_232 : i32
      %add3A_234 = arith.constant 2 : i32
      %add3A_235 = arith.addi %mul3A_233, %add3A_234 : i32
      %mul3A_236 = arith.constant 80 : i32
      %mul3A_237 = arith.muli %add3A_235, %mul3A_236 : i32
      %add3A_238 = arith.addi %mul3A_2, %mul3A_237 : i32
      %dma_start3A_239 = tpu.memref_slice %arg3[%add3A_238] : memref<320240xi32, #tpu.memory_space<hbm>> -> memref<80xi32, #tpu.memory_space<hbm>>
      %dma_start3A_240 = tpu.memref_slice %arg3[%add3A_238] : memref<320240xi32, #tpu.memory_space<hbm>> -> memref<80xi32, #tpu.memory_space<hbm>>
      tpu.enqueue_dma source(%dma_start3A_240 : memref<80xi32, #tpu.memory_space<hbm>>) target(%arg8 : memref<80xi32, #tpu.memory_space<vmem>>) target_semaphore(%arg20 : memref<!tpu.dma_semaphore, #tpu.memory_space<semaphore_mem>>)
      %mul3A_241 = arith.constant 80 : i32
      %mul3A_242 = arith.muli %add3A_235, %mul3A_241 : i32
      %add3A_243 = arith.addi %mul3A_2, %mul3A_242 : i32
      %dma_start3A_244 = tpu.memref_slice %arg4[%add3A_243] : memref<320240xi32, #tpu.memory_space<hbm>> -> memref<80xi32, #tpu.memory_space<hbm>>
      %dma_start3A_245 = tpu.memref_slice %arg4[%add3A_243] : memref<320240xi32, #tpu.memory_space<hbm>> -> memref<80xi32, #tpu.memory_space<hbm>>
      tpu.enqueue_dma source(%dma_start3A_245 : memref<80xi32, #tpu.memory_space<hbm>>) target(%arg12 : memref<80xi32, #tpu.memory_space<vmem>>) target_semaphore(%arg20 : memref<!tpu.dma_semaphore, #tpu.memory_space<semaphore_mem>>)
      %dma_wait3A_246 = arith.constant 0 : i32
      %dma_wait3A_247 = arith.constant 0 : i32
      %dma_wait3A_248 = tpu.memref_slice %arg30[%dma_wait3A_246, %dma_wait3A_247] : memref<10240x128xf32, #tpu.memory_space<vmem_shared>> -> memref<10240x128xf32, #tpu.memory_space<vmem_shared>>
      tpu.wait_indirect_dma semaphore(%arg29 : memref<!tpu.dma_semaphore, #tpu.memory_space<semaphore_mem>>) src(%arg17 : memref<80x128xf32, #tpu.memory_space<vmem>>) dst(%dma_wait3A_248 : memref<10240x128xf32, #tpu.memory_space<vmem_shared>>)
      %add3A_249 = arith.constant 1 : i32
      %add3A_250 = arith.addi %add3A_164, %add3A_249 : i32
      %mul3A_251 = arith.constant 4 : i32
      %mul3A_252 = arith.muli %add3A_250, %mul3A_251 : i32
      %add3A_253 = arith.constant 3 : i32
      %add3A_254 = arith.addi %mul3A_252, %add3A_253 : i32
      %mul3A_255 = arith.constant 80 : i32
      %mul3A_256 = arith.muli %add3A_254, %mul3A_255 : i32
      %add3A_257 = arith.addi %mul3A_2, %mul3A_256 : i32
      %dma_start3A_258 = tpu.memref_slice %arg3[%add3A_257] : memref<320240xi32, #tpu.memory_space<hbm>> -> memref<80xi32, #tpu.memory_space<hbm>>
      %dma_start3A_259 = tpu.memref_slice %arg3[%add3A_257] : memref<320240xi32, #tpu.memory_space<hbm>> -> memref<80xi32, #tpu.memory_space<hbm>>
      tpu.enqueue_dma source(%dma_start3A_259 : memref<80xi32, #tpu.memory_space<hbm>>) target(%arg9 : memref<80xi32, #tpu.memory_space<vmem>>) target_semaphore(%arg21 : memref<!tpu.dma_semaphore, #tpu.memory_space<semaphore_mem>>)
      %mul3A_260 = arith.constant 80 : i32
      %mul3A_261 = arith.muli %add3A_254, %mul3A_260 : i32
      %add3A_262 = arith.addi %mul3A_2, %mul3A_261 : i32
      %dma_start3A_263 = tpu.memref_slice %arg4[%add3A_262] : memref<320240xi32, #tpu.memory_space<hbm>> -> memref<80xi32, #tpu.memory_space<hbm>>
      %dma_start3A_264 = tpu.memref_slice %arg4[%add3A_262] : memref<320240xi32, #tpu.memory_space<hbm>> -> memref<80xi32, #tpu.memory_space<hbm>>
      tpu.enqueue_dma source(%dma_start3A_264 : memref<80xi32, #tpu.memory_space<hbm>>) target(%arg13 : memref<80xi32, #tpu.memory_space<vmem>>) target_semaphore(%arg21 : memref<!tpu.dma_semaphore, #tpu.memory_space<semaphore_mem>>)
      %dma_wait3A_265 = arith.constant 0 : i32
      %dma_wait3A_266 = tpu.memref_slice %arg3[%dma_wait3A_265] : memref<320240xi32, #tpu.memory_space<hbm>> -> memref<80xi32, #tpu.memory_space<hbm>>
      %dma_wait3A_267 = arith.constant 0 : i32
      %dma_wait3A_268 = tpu.memref_slice %arg3[%dma_wait3A_267] : memref<320240xi32, #tpu.memory_space<hbm>> -> memref<80xi32, #tpu.memory_space<hbm>>
      tpu.wait_dma2 semaphore(%arg18 : memref<!tpu.dma_semaphore, #tpu.memory_space<semaphore_mem>>) src(%dma_wait3A_268 : memref<80xi32, #tpu.memory_space<hbm>>) dst(%arg6 : memref<80xi32, #tpu.memory_space<vmem>>)
      %dma_wait3A_269 = arith.constant 0 : i32
      %dma_wait3A_270 = tpu.memref_slice %arg4[%dma_wait3A_269] : memref<320240xi32, #tpu.memory_space<hbm>> -> memref<80xi32, #tpu.memory_space<hbm>>
      %dma_wait3A_271 = arith.constant 0 : i32
      %dma_wait3A_272 = tpu.memref_slice %arg4[%dma_wait3A_271] : memref<320240xi32, #tpu.memory_space<hbm>> -> memref<80xi32, #tpu.memory_space<hbm>>
      tpu.wait_dma2 semaphore(%arg18 : memref<!tpu.dma_semaphore, #tpu.memory_space<semaphore_mem>>) src(%dma_wait3A_272 : memref<80xi32, #tpu.memory_space<hbm>>) dst(%arg10 : memref<80xi32, #tpu.memory_space<vmem>>)
      %dma_start3A_273 = arith.constant 0 : i32
      %dma_start3A_274 = arith.constant 0 : i32
      %dma_start3A_275 = tpu.memref_slice %arg2[%dma_start3A_273, %dma_start3A_274] : memref<10240x128xf32, #tpu.memory_space<hbm>> -> memref<10240x128xf32, #tpu.memory_space<hbm>>
      tpu.enqueue_indirect_dma source(%dma_start3A_275 : memref<10240x128xf32, #tpu.memory_space<hbm>>) target(%arg14 : memref<80x128xf32, #tpu.memory_space<vmem>>) offsets(%arg6 : memref<80xi32, #tpu.memory_space<vmem>>) semaphore(%arg22 : memref<!tpu.dma_semaphore, #tpu.memory_space<semaphore_mem>>)
      %dma_wait3A_276 = arith.constant 0 : i32
      %dma_wait3A_277 = tpu.memref_slice %arg3[%dma_wait3A_276] : memref<320240xi32, #tpu.memory_space<hbm>> -> memref<80xi32, #tpu.memory_space<hbm>>
      %dma_wait3A_278 = arith.constant 0 : i32
      %dma_wait3A_279 = tpu.memref_slice %arg3[%dma_wait3A_278] : memref<320240xi32, #tpu.memory_space<hbm>> -> memref<80xi32, #tpu.memory_space<hbm>>
      tpu.wait_dma2 semaphore(%arg19 : memref<!tpu.dma_semaphore, #tpu.memory_space<semaphore_mem>>) src(%dma_wait3A_279 : memref<80xi32, #tpu.memory_space<hbm>>) dst(%arg7 : memref<80xi32, #tpu.memory_space<vmem>>)
      %dma_wait3A_280 = arith.constant 0 : i32
      %dma_wait3A_281 = tpu.memref_slice %arg4[%dma_wait3A_280] : memref<320240xi32, #tpu.memory_space<hbm>> -> memref<80xi32, #tpu.memory_space<hbm>>
      %dma_wait3A_282 = arith.constant 0 : i32
      %dma_wait3A_283 = tpu.memref_slice %arg4[%dma_wait3A_282] : memref<320240xi32, #tpu.memory_space<hbm>> -> memref<80xi32, #tpu.memory_space<hbm>>
      tpu.wait_dma2 semaphore(%arg19 : memref<!tpu.dma_semaphore, #tpu.memory_space<semaphore_mem>>) src(%dma_wait3A_283 : memref<80xi32, #tpu.memory_space<hbm>>) dst(%arg11 : memref<80xi32, #tpu.memory_space<vmem>>)
      %dma_start3A_284 = arith.constant 0 : i32
      %dma_start3A_285 = arith.constant 0 : i32
      %dma_start3A_286 = tpu.memref_slice %arg2[%dma_start3A_284, %dma_start3A_285] : memref<10240x128xf32, #tpu.memory_space<hbm>> -> memref<10240x128xf32, #tpu.memory_space<hbm>>
      tpu.enqueue_indirect_dma source(%dma_start3A_286 : memref<10240x128xf32, #tpu.memory_space<hbm>>) target(%arg15 : memref<80x128xf32, #tpu.memory_space<vmem>>) offsets(%arg7 : memref<80xi32, #tpu.memory_space<vmem>>) semaphore(%arg23 : memref<!tpu.dma_semaphore, #tpu.memory_space<semaphore_mem>>)
      %dma_wait3A_287 = arith.constant 0 : i32
      %dma_wait3A_288 = tpu.memref_slice %arg3[%dma_wait3A_287] : memref<320240xi32, #tpu.memory_space<hbm>> -> memref<80xi32, #tpu.memory_space<hbm>>
      %dma_wait3A_289 = arith.constant 0 : i32
      %dma_wait3A_290 = tpu.memref_slice %arg3[%dma_wait3A_289] : memref<320240xi32, #tpu.memory_space<hbm>> -> memref<80xi32, #tpu.memory_space<hbm>>
      tpu.wait_dma2 semaphore(%arg20 : memref<!tpu.dma_semaphore, #tpu.memory_space<semaphore_mem>>) src(%dma_wait3A_290 : memref<80xi32, #tpu.memory_space<hbm>>) dst(%arg8 : memref<80xi32, #tpu.memory_space<vmem>>)
      %dma_wait3A_291 = arith.constant 0 : i32
      %dma_wait3A_292 = tpu.memref_slice %arg4[%dma_wait3A_291] : memref<320240xi32, #tpu.memory_space<hbm>> -> memref<80xi32, #tpu.memory_space<hbm>>
      %dma_wait3A_293 = arith.constant 0 : i32
      %dma_wait3A_294 = tpu.memref_slice %arg4[%dma_wait3A_293] : memref<320240xi32, #tpu.memory_space<hbm>> -> memref<80xi32, #tpu.memory_space<hbm>>
      tpu.wait_dma2 semaphore(%arg20 : memref<!tpu.dma_semaphore, #tpu.memory_space<semaphore_mem>>) src(%dma_wait3A_294 : memref<80xi32, #tpu.memory_space<hbm>>) dst(%arg12 : memref<80xi32, #tpu.memory_space<vmem>>)
      %dma_start3A_295 = arith.constant 0 : i32
      %dma_start3A_296 = arith.constant 0 : i32
      %dma_start3A_297 = tpu.memref_slice %arg2[%dma_start3A_295, %dma_start3A_296] : memref<10240x128xf32, #tpu.memory_space<hbm>> -> memref<10240x128xf32, #tpu.memory_space<hbm>>
      tpu.enqueue_indirect_dma source(%dma_start3A_297 : memref<10240x128xf32, #tpu.memory_space<hbm>>) target(%arg16 : memref<80x128xf32, #tpu.memory_space<vmem>>) offsets(%arg8 : memref<80xi32, #tpu.memory_space<vmem>>) semaphore(%arg24 : memref<!tpu.dma_semaphore, #tpu.memory_space<semaphore_mem>>)
      %dma_wait3A_298 = arith.constant 0 : i32
      %dma_wait3A_299 = tpu.memref_slice %arg3[%dma_wait3A_298] : memref<320240xi32, #tpu.memory_space<hbm>> -> memref<80xi32, #tpu.memory_space<hbm>>
      %dma_wait3A_300 = arith.constant 0 : i32
      %dma_wait3A_301 = tpu.memref_slice %arg3[%dma_wait3A_300] : memref<320240xi32, #tpu.memory_space<hbm>> -> memref<80xi32, #tpu.memory_space<hbm>>
      tpu.wait_dma2 semaphore(%arg21 : memref<!tpu.dma_semaphore, #tpu.memory_space<semaphore_mem>>) src(%dma_wait3A_301 : memref<80xi32, #tpu.memory_space<hbm>>) dst(%arg9 : memref<80xi32, #tpu.memory_space<vmem>>)
      %dma_wait3A_302 = arith.constant 0 : i32
      %dma_wait3A_303 = tpu.memref_slice %arg4[%dma_wait3A_302] : memref<320240xi32, #tpu.memory_space<hbm>> -> memref<80xi32, #tpu.memory_space<hbm>>
      %dma_wait3A_304 = arith.constant 0 : i32
      %dma_wait3A_305 = tpu.memref_slice %arg4[%dma_wait3A_304] : memref<320240xi32, #tpu.memory_space<hbm>> -> memref<80xi32, #tpu.memory_space<hbm>>
      tpu.wait_dma2 semaphore(%arg21 : memref<!tpu.dma_semaphore, #tpu.memory_space<semaphore_mem>>) src(%dma_wait3A_305 : memref<80xi32, #tpu.memory_space<hbm>>) dst(%arg13 : memref<80xi32, #tpu.memory_space<vmem>>)
      %dma_start3A_306 = arith.constant 0 : i32
      %dma_start3A_307 = arith.constant 0 : i32
      %dma_start3A_308 = tpu.memref_slice %arg2[%dma_start3A_306, %dma_start3A_307] : memref<10240x128xf32, #tpu.memory_space<hbm>> -> memref<10240x128xf32, #tpu.memory_space<hbm>>
      tpu.enqueue_indirect_dma source(%dma_start3A_308 : memref<10240x128xf32, #tpu.memory_space<hbm>>) target(%arg17 : memref<80x128xf32, #tpu.memory_space<vmem>>) offsets(%arg9 : memref<80xi32, #tpu.memory_space<vmem>>) semaphore(%arg25 : memref<!tpu.dma_semaphore, #tpu.memory_space<semaphore_mem>>)
    }
    %scan3A_90 = arith.constant 30 : i32
    %dma_wait3A_91 = arith.constant 0 : i32
    %dma_wait3A_92 = arith.constant 0 : i32
    %dma_wait3A_93 = tpu.memref_slice %arg2[%dma_wait3A_91, %dma_wait3A_92] : memref<10240x128xf32, #tpu.memory_space<hbm>> -> memref<10240x128xf32, #tpu.memory_space<hbm>>
    tpu.wait_indirect_dma semaphore(%arg22 : memref<!tpu.dma_semaphore, #tpu.memory_space<semaphore_mem>>) src(%dma_wait3A_93 : memref<10240x128xf32, #tpu.memory_space<hbm>>) dst(%arg14 : memref<80x128xf32, #tpu.memory_space<vmem>>)
    %dma_start3A_94 = arith.constant 0 : i32
    %dma_start3A_95 = arith.constant 0 : i32
    %dma_start3A_96 = tpu.memref_slice %arg30[%dma_start3A_94, %dma_start3A_95] : memref<10240x128xf32, #tpu.memory_space<vmem_shared>> -> memref<10240x128xf32, #tpu.memory_space<vmem_shared>>
    tpu.enqueue_indirect_dma source(%arg14 : memref<80x128xf32, #tpu.memory_space<vmem>>) target(%dma_start3A_96 : memref<10240x128xf32, #tpu.memory_space<vmem_shared>>) offsets(%arg10 : memref<80xi32, #tpu.memory_space<vmem>>) semaphore(%arg26 : memref<!tpu.dma_semaphore, #tpu.memory_space<semaphore_mem>>) {add = true}
    %dma_wait3A_97 = arith.constant 0 : i32
    %dma_wait3A_98 = arith.constant 0 : i32
    %dma_wait3A_99 = tpu.memref_slice %arg2[%dma_wait3A_97, %dma_wait3A_98] : memref<10240x128xf32, #tpu.memory_space<hbm>> -> memref<10240x128xf32, #tpu.memory_space<hbm>>
    tpu.wait_indirect_dma semaphore(%arg23 : memref<!tpu.dma_semaphore, #tpu.memory_space<semaphore_mem>>) src(%dma_wait3A_99 : memref<10240x128xf32, #tpu.memory_space<hbm>>) dst(%arg15 : memref<80x128xf32, #tpu.memory_space<vmem>>)
    %dma_start3A_100 = arith.constant 0 : i32
    %dma_start3A_101 = arith.constant 0 : i32
    %dma_start3A_102 = tpu.memref_slice %arg30[%dma_start3A_100, %dma_start3A_101] : memref<10240x128xf32, #tpu.memory_space<vmem_shared>> -> memref<10240x128xf32, #tpu.memory_space<vmem_shared>>
    tpu.enqueue_indirect_dma source(%arg15 : memref<80x128xf32, #tpu.memory_space<vmem>>) target(%dma_start3A_102 : memref<10240x128xf32, #tpu.memory_space<vmem_shared>>) offsets(%arg11 : memref<80xi32, #tpu.memory_space<vmem>>) semaphore(%arg27 : memref<!tpu.dma_semaphore, #tpu.memory_space<semaphore_mem>>) {add = true}
    %dma_wait3A_103 = arith.constant 0 : i32
    %dma_wait3A_104 = arith.constant 0 : i32
    %dma_wait3A_105 = tpu.memref_slice %arg2[%dma_wait3A_103, %dma_wait3A_104] : memref<10240x128xf32, #tpu.memory_space<hbm>> -> memref<10240x128xf32, #tpu.memory_space<hbm>>
    tpu.wait_indirect_dma semaphore(%arg24 : memref<!tpu.dma_semaphore, #tpu.memory_space<semaphore_mem>>) src(%dma_wait3A_105 : memref<10240x128xf32, #tpu.memory_space<hbm>>) dst(%arg16 : memref<80x128xf32, #tpu.memory_space<vmem>>)
    %dma_start3A_106 = arith.constant 0 : i32
    %dma_start3A_107 = arith.constant 0 : i32
    %dma_start3A_108 = tpu.memref_slice %arg30[%dma_start3A_106, %dma_start3A_107] : memref<10240x128xf32, #tpu.memory_space<vmem_shared>> -> memref<10240x128xf32, #tpu.memory_space<vmem_shared>>
    tpu.enqueue_indirect_dma source(%arg16 : memref<80x128xf32, #tpu.memory_space<vmem>>) target(%dma_start3A_108 : memref<10240x128xf32, #tpu.memory_space<vmem_shared>>) offsets(%arg12 : memref<80xi32, #tpu.memory_space<vmem>>) semaphore(%arg28 : memref<!tpu.dma_semaphore, #tpu.memory_space<semaphore_mem>>) {add = true}
    %dma_wait3A_109 = arith.constant 0 : i32
    %dma_wait3A_110 = arith.constant 0 : i32
    %dma_wait3A_111 = tpu.memref_slice %arg2[%dma_wait3A_109, %dma_wait3A_110] : memref<10240x128xf32, #tpu.memory_space<hbm>> -> memref<10240x128xf32, #tpu.memory_space<hbm>>
    tpu.wait_indirect_dma semaphore(%arg25 : memref<!tpu.dma_semaphore, #tpu.memory_space<semaphore_mem>>) src(%dma_wait3A_111 : memref<10240x128xf32, #tpu.memory_space<hbm>>) dst(%arg17 : memref<80x128xf32, #tpu.memory_space<vmem>>)
    %dma_start3A_112 = arith.constant 0 : i32
    %dma_start3A_113 = arith.constant 0 : i32
    %dma_start3A_114 = tpu.memref_slice %arg30[%dma_start3A_112, %dma_start3A_113] : memref<10240x128xf32, #tpu.memory_space<vmem_shared>> -> memref<10240x128xf32, #tpu.memory_space<vmem_shared>>
    tpu.enqueue_indirect_dma source(%arg17 : memref<80x128xf32, #tpu.memory_space<vmem>>) target(%dma_start3A_114 : memref<10240x128xf32, #tpu.memory_space<vmem_shared>>) offsets(%arg13 : memref<80xi32, #tpu.memory_space<vmem>>) semaphore(%arg29 : memref<!tpu.dma_semaphore, #tpu.memory_space<semaphore_mem>>) {add = true}
    %dma_wait3A_115 = arith.constant 0 : i32
    %dma_wait3A_116 = arith.constant 0 : i32
    %dma_wait3A_117 = tpu.memref_slice %arg30[%dma_wait3A_115, %dma_wait3A_116] : memref<10240x128xf32, #tpu.memory_space<vmem_shared>> -> memref<10240x128xf32, #tpu.memory_space<vmem_shared>>
    tpu.wait_indirect_dma semaphore(%arg26 : memref<!tpu.dma_semaphore, #tpu.memory_space<semaphore_mem>>) src(%arg14 : memref<80x128xf32, #tpu.memory_space<vmem>>) dst(%dma_wait3A_117 : memref<10240x128xf32, #tpu.memory_space<vmem_shared>>)
    %dma_wait3A_118 = arith.constant 0 : i32
    %dma_wait3A_119 = arith.constant 0 : i32
    %dma_wait3A_120 = tpu.memref_slice %arg30[%dma_wait3A_118, %dma_wait3A_119] : memref<10240x128xf32, #tpu.memory_space<vmem_shared>> -> memref<10240x128xf32, #tpu.memory_space<vmem_shared>>
    tpu.wait_indirect_dma semaphore(%arg27 : memref<!tpu.dma_semaphore, #tpu.memory_space<semaphore_mem>>) src(%arg15 : memref<80x128xf32, #tpu.memory_space<vmem>>) dst(%dma_wait3A_120 : memref<10240x128xf32, #tpu.memory_space<vmem_shared>>)
    %dma_wait3A_121 = arith.constant 0 : i32
    %dma_wait3A_122 = arith.constant 0 : i32
    %dma_wait3A_123 = tpu.memref_slice %arg30[%dma_wait3A_121, %dma_wait3A_122] : memref<10240x128xf32, #tpu.memory_space<vmem_shared>> -> memref<10240x128xf32, #tpu.memory_space<vmem_shared>>
    tpu.wait_indirect_dma semaphore(%arg28 : memref<!tpu.dma_semaphore, #tpu.memory_space<semaphore_mem>>) src(%arg16 : memref<80x128xf32, #tpu.memory_space<vmem>>) dst(%dma_wait3A_123 : memref<10240x128xf32, #tpu.memory_space<vmem_shared>>)
    %dma_wait3A_124 = arith.constant 0 : i32
    %dma_wait3A_125 = arith.constant 0 : i32
    %dma_wait3A_126 = tpu.memref_slice %arg30[%dma_wait3A_124, %dma_wait3A_125] : memref<10240x128xf32, #tpu.memory_space<vmem_shared>> -> memref<10240x128xf32, #tpu.memory_space<vmem_shared>>
    tpu.wait_indirect_dma semaphore(%arg29 : memref<!tpu.dma_semaphore, #tpu.memory_space<semaphore_mem>>) src(%arg17 : memref<80x128xf32, #tpu.memory_space<vmem>>) dst(%dma_wait3A_126 : memref<10240x128xf32, #tpu.memory_space<vmem_shared>>)
    %add3A_127 = arith.constant 9920 : i32
    %add3A_128 = arith.addi %mul3A_2, %add3A_127 : i32
    %dma_start3A_129 = tpu.memref_slice %arg3[%add3A_128] : memref<320240xi32, #tpu.memory_space<hbm>> -> memref<80xi32, #tpu.memory_space<hbm>>
    %dma_start3A_130 = tpu.memref_slice %arg3[%add3A_128] : memref<320240xi32, #tpu.memory_space<hbm>> -> memref<80xi32, #tpu.memory_space<hbm>>
    tpu.enqueue_dma source(%dma_start3A_130 : memref<80xi32, #tpu.memory_space<hbm>>) target(%arg6 : memref<80xi32, #tpu.memory_space<vmem>>) target_semaphore(%arg18 : memref<!tpu.dma_semaphore, #tpu.memory_space<semaphore_mem>>)
    %add3A_131 = arith.constant 9920 : i32
    %add3A_132 = arith.addi %mul3A_2, %add3A_131 : i32
    %dma_start3A_133 = tpu.memref_slice %arg4[%add3A_132] : memref<320240xi32, #tpu.memory_space<hbm>> -> memref<80xi32, #tpu.memory_space<hbm>>
    %dma_start3A_134 = tpu.memref_slice %arg4[%add3A_132] : memref<320240xi32, #tpu.memory_space<hbm>> -> memref<80xi32, #tpu.memory_space<hbm>>
    tpu.enqueue_dma source(%dma_start3A_134 : memref<80xi32, #tpu.memory_space<hbm>>) target(%arg10 : memref<80xi32, #tpu.memory_space<vmem>>) target_semaphore(%arg18 : memref<!tpu.dma_semaphore, #tpu.memory_space<semaphore_mem>>)
    %dma_wait3A_135 = arith.constant 0 : i32
    %dma_wait3A_136 = tpu.memref_slice %arg3[%dma_wait3A_135] : memref<320240xi32, #tpu.memory_space<hbm>> -> memref<80xi32, #tpu.memory_space<hbm>>
    %dma_wait3A_137 = arith.constant 0 : i32
    %dma_wait3A_138 = tpu.memref_slice %arg3[%dma_wait3A_137] : memref<320240xi32, #tpu.memory_space<hbm>> -> memref<80xi32, #tpu.memory_space<hbm>>
    tpu.wait_dma2 semaphore(%arg18 : memref<!tpu.dma_semaphore, #tpu.memory_space<semaphore_mem>>) src(%dma_wait3A_138 : memref<80xi32, #tpu.memory_space<hbm>>) dst(%arg6 : memref<80xi32, #tpu.memory_space<vmem>>)
    %dma_wait3A_139 = arith.constant 0 : i32
    %dma_wait3A_140 = tpu.memref_slice %arg4[%dma_wait3A_139] : memref<320240xi32, #tpu.memory_space<hbm>> -> memref<80xi32, #tpu.memory_space<hbm>>
    %dma_wait3A_141 = arith.constant 0 : i32
    %dma_wait3A_142 = tpu.memref_slice %arg4[%dma_wait3A_141] : memref<320240xi32, #tpu.memory_space<hbm>> -> memref<80xi32, #tpu.memory_space<hbm>>
    tpu.wait_dma2 semaphore(%arg18 : memref<!tpu.dma_semaphore, #tpu.memory_space<semaphore_mem>>) src(%dma_wait3A_142 : memref<80xi32, #tpu.memory_space<hbm>>) dst(%arg10 : memref<80xi32, #tpu.memory_space<vmem>>)
    %dma_start3A_143 = arith.constant 0 : i32
    %dma_start3A_144 = arith.constant 0 : i32
    %dma_start3A_145 = tpu.memref_slice %arg2[%dma_start3A_143, %dma_start3A_144] : memref<10240x128xf32, #tpu.memory_space<hbm>> -> memref<10240x128xf32, #tpu.memory_space<hbm>>
    tpu.enqueue_indirect_dma source(%dma_start3A_145 : memref<10240x128xf32, #tpu.memory_space<hbm>>) target(%arg14 : memref<80x128xf32, #tpu.memory_space<vmem>>) offsets(%arg6 : memref<80xi32, #tpu.memory_space<vmem>>) semaphore(%arg22 : memref<!tpu.dma_semaphore, #tpu.memory_space<semaphore_mem>>)
    %dma_wait3A_146 = arith.constant 0 : i32
    %dma_wait3A_147 = arith.constant 0 : i32
    %dma_wait3A_148 = tpu.memref_slice %arg2[%dma_wait3A_146, %dma_wait3A_147] : memref<10240x128xf32, #tpu.memory_space<hbm>> -> memref<10240x128xf32, #tpu.memory_space<hbm>>
    tpu.wait_indirect_dma semaphore(%arg22 : memref<!tpu.dma_semaphore, #tpu.memory_space<semaphore_mem>>) src(%dma_wait3A_148 : memref<10240x128xf32, #tpu.memory_space<hbm>>) dst(%arg14 : memref<80x128xf32, #tpu.memory_space<vmem>>)
    %dma_start3A_149 = arith.constant 0 : i32
    %dma_start3A_150 = arith.constant 0 : i32
    %dma_start3A_151 = tpu.memref_slice %arg30[%dma_start3A_149, %dma_start3A_150] : memref<10240x128xf32, #tpu.memory_space<vmem_shared>> -> memref<10240x128xf32, #tpu.memory_space<vmem_shared>>
    tpu.enqueue_indirect_dma source(%arg14 : memref<80x128xf32, #tpu.memory_space<vmem>>) target(%dma_start3A_151 : memref<10240x128xf32, #tpu.memory_space<vmem_shared>>) offsets(%arg10 : memref<80xi32, #tpu.memory_space<vmem>>) semaphore(%arg26 : memref<!tpu.dma_semaphore, #tpu.memory_space<semaphore_mem>>) {add = true}
    %dma_wait3A_152 = arith.constant 0 : i32
    %dma_wait3A_153 = arith.constant 0 : i32
    %dma_wait3A_154 = tpu.memref_slice %arg30[%dma_wait3A_152, %dma_wait3A_153] : memref<10240x128xf32, #tpu.memory_space<vmem_shared>> -> memref<10240x128xf32, #tpu.memory_space<vmem_shared>>
    tpu.wait_indirect_dma semaphore(%arg26 : memref<!tpu.dma_semaphore, #tpu.memory_space<semaphore_mem>>) src(%arg14 : memref<80x128xf32, #tpu.memory_space<vmem>>) dst(%dma_wait3A_154 : memref<10240x128xf32, #tpu.memory_space<vmem_shared>>)
    %barrier3A_155 = arith.constant 0 : index
    tpu.barrier barrier_id(%barrier3A_155)
    %mul3A_156 = arith.constant 640 : i32
    %mul3A_157 = arith.muli %arg1, %mul3A_156 : i32
    %mul3A_158 = arith.constant 640 : i32
    %mul3A_159 = arith.muli %arg1, %mul3A_158 : i32
    "tpu.region"() ({
      %run_scoped3A = tpu.sem_alloc : memref<!tpu.dma_semaphore, #tpu.memory_space<semaphore_mem>>
      %dma_start3A_160 = arith.constant 0 : i32
      %dma_start3A_161 = tpu.memref_slice %arg5[%arg0, %mul3A_159, %dma_start3A_160] : memref<2x10240x128xf32, #tpu.memory_space<hbm>> -> memref<1x640x128xf32, #tpu.memory_space<hbm>>
      %dma_start3A_162 = tpu.memref_squeeze %dma_start3A_161 : memref<1x640x128xf32, #tpu.memory_space<hbm>> -> memref<640x128xf32, #tpu.memory_space<hbm>>
      %dma_start3A_163 = arith.constant 0 : i32
      %dma_start3A_164 = tpu.memref_slice %arg30[%mul3A_157, %dma_start3A_163] : memref<10240x128xf32, #tpu.memory_space<vmem_shared>> -> memref<640x128xf32, #tpu.memory_space<vmem_shared>>
      tpu.enqueue_dma source(%dma_start3A_164 : memref<640x128xf32, #tpu.memory_space<vmem_shared>>) target(%dma_start3A_162 : memref<640x128xf32, #tpu.memory_space<hbm>>) target_semaphore(%run_scoped3A : memref<!tpu.dma_semaphore, #tpu.memory_space<semaphore_mem>>)
      %dma_wait3A_165 = arith.constant 0 : i32
      %dma_wait3A_166 = tpu.memref_slice %arg5[%arg0, %mul3A_159, %dma_wait3A_165] : memref<2x10240x128xf32, #tpu.memory_space<hbm>> -> memref<1x640x128xf32, #tpu.memory_space<hbm>>
      %dma_wait3A_167 = tpu.memref_squeeze %dma_wait3A_166 : memref<1x640x128xf32, #tpu.memory_space<hbm>> -> memref<640x128xf32, #tpu.memory_space<hbm>>
      %dma_wait3A_168 = arith.constant 0 : i32
      %dma_wait3A_169 = tpu.memref_slice %arg30[%mul3A_157, %dma_wait3A_168] : memref<10240x128xf32, #tpu.memory_space<vmem_shared>> -> memref<640x128xf32, #tpu.memory_space<vmem_shared>>
      tpu.wait_dma2 semaphore(%run_scoped3A : memref<!tpu.dma_semaphore, #tpu.memory_space<semaphore_mem>>) src(%dma_wait3A_169 : memref<640x128xf32, #tpu.memory_space<vmem_shared>>) dst(%dma_wait3A_167 : memref<640x128xf32, #tpu.memory_space<hbm>>)
      tpu.yield
    }) : () -> ()
    return
  }
}

#map = affine_map<(d0, d1) -> (0, 0)>
#map1 = affine_map<(d0, d1) -> (0)>
#map2 = affine_map<(d0, d1) -> (0, 0, 0)>
module attributes {stable_mosaic.version = 14 : i64} {
  func.func @k(%arg0: i32, %arg1: i32, %arg2: memref<10240x128xf32, #tpu.memory_space<hbm>>, %arg3: memref<320240xi32, #tpu.memory_space<hbm>>, %arg4: memref<320240xi32, #tpu.memory_space<hbm>>, %arg5: memref<2x10240x128xf32, #tpu.memory_space<hbm>>, %arg6: memref<80xi32, #tpu.memory_space<vmem>>, %arg7: memref<80xi32, #tpu.memory_space<vmem>>, %arg8: memref<80xi32, #tpu.memory_space<vmem>>, %arg9: memref<80xi32, #tpu.memory_space<vmem>>, %arg10: memref<80xi32, #tpu.memory_space<vmem>>, %arg11: memref<80xi32, #tpu.memory_space<vmem>>, %arg12: memref<80xi32, #tpu.memory_space<vmem>>, %arg13: memref<80xi32, #tpu.memory_space<vmem>>, %arg14: memref<80x128xf32, #tpu.memory_space<vmem>>, %arg15: memref<80x128xf32, #tpu.memory_space<vmem>>, %arg16: memref<80x128xf32, #tpu.memory_space<vmem>>, %arg17: memref<80x128xf32, #tpu.memory_space<vmem>>, %arg18: memref<!tpu.dma_semaphore, #tpu.memory_space<semaphore_mem>>, %arg19: memref<!tpu.dma_semaphore, #tpu.memory_space<semaphore_mem>>, %arg20: memref<!tpu.dma_semaphore, #tpu.memory_space<semaphore_mem>>, %arg21: memref<!tpu.dma_semaphore, #tpu.memory_space<semaphore_mem>>, %arg22: memref<!tpu.dma_semaphore, #tpu.memory_space<semaphore_mem>>, %arg23: memref<!tpu.dma_semaphore, #tpu.memory_space<semaphore_mem>>, %arg24: memref<!tpu.dma_semaphore, #tpu.memory_space<semaphore_mem>>, %arg25: memref<!tpu.dma_semaphore, #tpu.memory_space<semaphore_mem>>, %arg26: memref<!tpu.dma_semaphore, #tpu.memory_space<semaphore_mem>>, %arg27: memref<!tpu.dma_semaphore, #tpu.memory_space<semaphore_mem>>, %arg28: memref<!tpu.dma_semaphore, #tpu.memory_space<semaphore_mem>>, %arg29: memref<!tpu.dma_semaphore, #tpu.memory_space<semaphore_mem>>, %arg30: memref<10240x128xf32, #tpu.memory_space<vmem_shared>>) attributes {dimension_semantics = [#tpu.dimension_semantics<core_parallel>, #tpu.dimension_semantics<subcore_parallel>], iteration_bounds = array<i64: 2, 16>, scalar_prefetch = 0 : i64, scratch_operands = 25 : i64, tpu.core_type = #tpu.core_type<sc_vector_subcore>, window_params = [{transform_indices = #map}, {transform_indices = #map1}, {transform_indices = #map1}, {transform_indices = #map2}]} {
    %mul3A = arith.constant 2 : i32
    %mul3A_0 = arith.muli %arg1, %mul3A : i32
    %add3A = arith.addi %mul3A_0, %arg0 : i32
    %mul3A_1 = arith.constant 10000 : i32
    %mul3A_2 = arith.muli %add3A, %mul3A_1 : i32
    %scan3A = arith.constant 0 : i32
    %scan3A_3 = arith.constant 80 : i32
    %scan3A_4 = arith.addi %scan3A, %scan3A_3 : i32
    %scan3A_5 = arith.constant 1 : i32
    scf.for %scan3A_160 = %scan3A to %scan3A_4 step %scan3A_5  : i32 {
      %mul3A_161 = arith.constant 1 : i32
      %mul3A_162 = arith.muli %scan3A_160, %mul3A_161 : i32
      %add3A_163 = arith.constant 0 : i32
      %add3A_164 = arith.addi %add3A_163, %mul3A_162 : i32
      %broadcast_in_dim3A = arith.constant 0.000000e+00 : f32
      %broadcast_in_dim3A_165 = vector.broadcast %broadcast_in_dim3A : f32 to vector<16xf32>
      %swap3A = arith.index_cast %add3A_164 : i32 to index
      %swap3A_166 = arith.constant 0 : index
      %swap3A_167 = tpu.vector_load %arg14[%swap3A, %swap3A_166] {strides = array<i32>} : memref<80x128xf32, #tpu.memory_space<vmem>>, vector<1x16xf32>,
      %swap3A_168 = vector.shape_cast %swap3A_167 : vector<1x16xf32> to vector<16xf32>
      %swap3A_169 = vector.shape_cast %broadcast_in_dim3A_165 : vector<16xf32> to vector<1x16xf32>
      tpu.vector_store %arg14[%swap3A, %swap3A_166], %swap3A_169 {strides = array<i32>} : memref<80x128xf32, #tpu.memory_space<vmem>>, vector<1x16xf32>,
      %broadcast_in_dim3A_170 = arith.constant 0.000000e+00 : f32
      %broadcast_in_dim3A_171 = vector.broadcast %broadcast_in_dim3A_170 : f32 to vector<16xf32>
      %swap3A_172 = arith.index_cast %add3A_164 : i32 to index
      %swap3A_173 = arith.constant 16 : index
      %swap3A_174 = tpu.vector_load %arg14[%swap3A_172, %swap3A_173] {strides = array<i32>} : memref<80x128xf32, #tpu.memory_space<vmem>>, vector<1x16xf32>,
      %swap3A_175 = vector.shape_cast %swap3A_174 : vector<1x16xf32> to vector<16xf32>
      %swap3A_176 = vector.shape_cast %broadcast_in_dim3A_171 : vector<16xf32> to vector<1x16xf32>
      tpu.vector_store %arg14[%swap3A_172, %swap3A_173], %swap3A_176 {strides = array<i32>} : memref<80x128xf32, #tpu.memory_space<vmem>>, vector<1x16xf32>,
      %broadcast_in_dim3A_177 = arith.constant 0.000000e+00 : f32
      %broadcast_in_dim3A_178 = vector.broadcast %broadcast_in_dim3A_177 : f32 to vector<16xf32>
      %swap3A_179 = arith.index_cast %add3A_164 : i32 to index
      %swap3A_180 = arith.constant 32 : index
      %swap3A_181 = tpu.vector_load %arg14[%swap3A_179, %swap3A_180] {strides = array<i32>} : memref<80x128xf32, #tpu.memory_space<vmem>>, vector<1x16xf32>,
      %swap3A_182 = vector.shape_cast %swap3A_181 : vector<1x16xf32> to vector<16xf32>
      %swap3A_183 = vector.shape_cast %broadcast_in_dim3A_178 : vector<16xf32> to vector<1x16xf32>
      tpu.vector_store %arg14[%swap3A_179, %swap3A_180], %swap3A_183 {strides = array<i32>} : memref<80x128xf32, #tpu.memory_space<vmem>>, vector<1x16xf32>,
      %broadcast_in_dim3A_184 = arith.constant 0.000000e+00 : f32
      %broadcast_in_dim3A_185 = vector.broadcast %broadcast_in_dim3A_184 : f32 to vector<16xf32>
      %swap3A_186 = arith.index_cast %add3A_164 : i32 to index
      %swap3A_187 = arith.constant 48 : index
      %swap3A_188 = tpu.vector_load %arg14[%swap3A_186, %swap3A_187] {strides = array<i32>} : memref<80x128xf32, #tpu.memory_space<vmem>>, vector<1x16xf32>,
      %swap3A_189 = vector.shape_cast %swap3A_188 : vector<1x16xf32> to vector<16xf32>
      %swap3A_190 = vector.shape_cast %broadcast_in_dim3A_185 : vector<16xf32> to vector<1x16xf32>
      tpu.vector_store %arg14[%swap3A_186, %swap3A_187], %swap3A_190 {strides = array<i32>} : memref<80x128xf32, #tpu.memory_space<vmem>>, vector<1x16xf32>,
      %broadcast_in_dim3A_191 = arith.constant 0.000000e+00 : f32
      %broadcast_in_dim3A_192 = vector.broadcast %broadcast_in_dim3A_191 : f32 to vector<16xf32>
      %swap3A_193 = arith.index_cast %add3A_164 : i32 to index
      %swap3A_194 = arith.constant 64 : index
      %swap3A_195 = tpu.vector_load %arg14[%swap3A_193, %swap3A_194] {strides = array<i32>} : memref<80x128xf32, #tpu.memory_space<vmem>>, vector<1x16xf32>,
      %swap3A_196 = vector.shape_cast %swap3A_195 : vector<1x16xf32> to vector<16xf32>
      %swap3A_197 = vector.shape_cast %broadcast_in_dim3A_192 : vector<16xf32> to vector<1x16xf32>
      tpu.vector_store %arg14[%swap3A_193, %swap3A_194], %swap3A_197 {strides = array<i32>} : memref<80x128xf32, #tpu.memory_space<vmem>>, vector<1x16xf32>,
      %broadcast_in_dim3A_198 = arith.constant 0.000000e+00 : f32
      %broadcast_in_dim3A_199 = vector.broadcast %broadcast_in_dim3A_198 : f32 to vector<16xf32>
      %swap3A_200 = arith.index_cast %add3A_164 : i32 to index
      %swap3A_201 = arith.constant 80 : index
      %swap3A_202 = tpu.vector_load %arg14[%swap3A_200, %swap3A_201] {strides = array<i32>} : memref<80x128xf32, #tpu.memory_space<vmem>>, vector<1x16xf32>,
      %swap3A_203 = vector.shape_cast %swap3A_202 : vector<1x16xf32> to vector<16xf32>
      %swap3A_204 = vector.shape_cast %broadcast_in_dim3A_199 : vector<16xf32> to vector<1x16xf32>
      tpu.vector_store %arg14[%swap3A_200, %swap3A_201], %swap3A_204 {strides = array<i32>} : memref<80x128xf32, #tpu.memory_space<vmem>>, vector<1x16xf32>,
      %broadcast_in_dim3A_205 = arith.constant 0.000000e+00 : f32
      %broadcast_in_dim3A_206 = vector.broadcast %broadcast_in_dim3A_205 : f32 to vector<16xf32>
      %swap3A_207 = arith.index_cast %add3A_164 : i32 to index
      %swap3A_208 = arith.constant 96 : index
      %swap3A_209 = tpu.vector_load %arg14[%swap3A_207, %swap3A_208] {strides = array<i32>} : memref<80x128xf32, #tpu.memory_space<vmem>>, vector<1x16xf32>,
      %swap3A_210 = vector.shape_cast %swap3A_209 : vector<1x16xf32> to vector<16xf32>
      %swap3A_211 = vector.shape_cast %broadcast_in_dim3A_206 : vector<16xf32> to vector<1x16xf32>
      tpu.vector_store %arg14[%swap3A_207, %swap3A_208], %swap3A_211 {strides = array<i32>} : memref<80x128xf32, #tpu.memory_space<vmem>>, vector<1x16xf32>,
      %broadcast_in_dim3A_212 = arith.constant 0.000000e+00 : f32
      %broadcast_in_dim3A_213 = vector.broadcast %broadcast_in_dim3A_212 : f32 to vector<16xf32>
      %swap3A_214 = arith.index_cast %add3A_164 : i32 to index
      %swap3A_215 = arith.constant 112 : index
      %swap3A_216 = tpu.vector_load %arg14[%swap3A_214, %swap3A_215] {strides = array<i32>} : memref<80x128xf32, #tpu.memory_space<vmem>>, vector<1x16xf32>,
      %swap3A_217 = vector.shape_cast %swap3A_216 : vector<1x16xf32> to vector<16xf32>
      %swap3A_218 = vector.shape_cast %broadcast_in_dim3A_213 : vector<16xf32> to vector<1x16xf32>
      tpu.vector_store %arg14[%swap3A_214, %swap3A_215], %swap3A_218 {strides = array<i32>} : memref<80x128xf32, #tpu.memory_space<vmem>>, vector<1x16xf32>,
    }
    %scan3A_6 = arith.constant 80 : i32
    %scan3A_7 = arith.constant 0 : i32
    %scan3A_8 = arith.constant 8 : i32
    %scan3A_9 = arith.addi %scan3A_7, %scan3A_8 : i32
    %scan3A_10 = arith.constant 1 : i32
    scf.for %scan3A_160 = %scan3A_7 to %scan3A_9 step %scan3A_10  : i32 {
      %mul3A_161 = arith.constant 1 : i32
      %mul3A_162 = arith.muli %scan3A_160, %mul3A_161 : i32
      %add3A_163 = arith.constant 0 : i32
      %add3A_164 = arith.addi %add3A_163, %mul3A_162 : i32
      %mul3A_165 = arith.constant 640 : i32
      %mul3A_166 = arith.muli %arg1, %mul3A_165 : i32
      %mul3A_167 = arith.constant 80 : i32
      %mul3A_168 = arith.muli %add3A_164, %mul3A_167 : i32
      %add3A_169 = arith.addi %mul3A_166, %mul3A_168 : i32
      "tpu.region"() ({
        %run_scoped3A = tpu.sem_alloc : memref<!tpu.dma_semaphore, #tpu.memory_space<semaphore_mem>>
        %dma_start3A_170 = arith.constant 0 : i32
        %dma_start3A_171 = tpu.memref_slice %arg30[%add3A_169, %dma_start3A_170] : memref<10240x128xf32, #tpu.memory_space<vmem_shared>> -> memref<80x128xf32, #tpu.memory_space<vmem_shared>>
        %dma_start3A_172 = arith.constant 0 : i32
        %dma_start3A_173 = tpu.memref_slice %arg30[%add3A_169, %dma_start3A_172] : memref<10240x128xf32, #tpu.memory_space<vmem_shared>> -> memref<80x128xf32, #tpu.memory_space<vmem_shared>>
        tpu.enqueue_dma source(%arg14 : memref<80x128xf32, #tpu.memory_space<vmem>>) target(%dma_start3A_173 : memref<80x128xf32, #tpu.memory_space<vmem_shared>>) target_semaphore(%run_scoped3A : memref<!tpu.dma_semaphore, #tpu.memory_space<semaphore_mem>>)
        %dma_wait3A_174 = arith.constant 0 : i32
        %dma_wait3A_175 = tpu.memref_slice %arg30[%add3A_169, %dma_wait3A_174] : memref<10240x128xf32, #tpu.memory_space<vmem_shared>> -> memref<80x128xf32, #tpu.memory_space<vmem_shared>>
        %dma_wait3A_176 = arith.constant 0 : i32
        %dma_wait3A_177 = tpu.memref_slice %arg30[%add3A_169, %dma_wait3A_176] : memref<10240x128xf32, #tpu.memory_space<vmem_shared>> -> memref<80x128xf32, #tpu.memory_space<vmem_shared>>
        tpu.wait_dma2 semaphore(%run_scoped3A : memref<!tpu.dma_semaphore, #tpu.memory_space<semaphore_mem>>) src(%arg14 : memref<80x128xf32, #tpu.memory_space<vmem>>) dst(%dma_wait3A_177 : memref<80x128xf32, #tpu.memory_space<vmem_shared>>)
        tpu.yield
      }) : () -> ()
    }
    %scan3A_11 = arith.constant 8 : i32
    %barrier3A = arith.constant 0 : index
    tpu.barrier barrier_id(%barrier3A)
    %add3A_12 = arith.constant 0 : i32
    %add3A_13 = arith.addi %mul3A_2, %add3A_12 : i32
    %dma_start3A = tpu.memref_slice %arg3[%add3A_13] : memref<320240xi32, #tpu.memory_space<hbm>> -> memref<80xi32, #tpu.memory_space<hbm>>
    %dma_start3A_14 = tpu.memref_slice %arg3[%add3A_13] : memref<320240xi32, #tpu.memory_space<hbm>> -> memref<80xi32, #tpu.memory_space<hbm>>
    tpu.enqueue_dma source(%dma_start3A_14 : memref<80xi32, #tpu.memory_space<hbm>>) target(%arg6 : memref<80xi32, #tpu.memory_space<vmem>>) target_semaphore(%arg18 : memref<!tpu.dma_semaphore, #tpu.memory_space<semaphore_mem>>)
    %add3A_15 = arith.constant 0 : i32
    %add3A_16 = arith.addi %mul3A_2, %add3A_15 : i32
    %dma_start3A_17 = tpu.memref_slice %arg4[%add3A_16] : memref<320240xi32, #tpu.memory_space<hbm>> -> memref<80xi32, #tpu.memory_space<hbm>>
    %dma_start3A_18 = tpu.memref_slice %arg4[%add3A_16] : memref<320240xi32, #tpu.memory_space<hbm>> -> memref<80xi32, #tpu.memory_space<hbm>>
    tpu.enqueue_dma source(%dma_start3A_18 : memref<80xi32, #tpu.memory_space<hbm>>) target(%arg10 : memref<80xi32, #tpu.memory_space<vmem>>) target_semaphore(%arg18 : memref<!tpu.dma_semaphore, #tpu.memory_space<semaphore_mem>>)
    %add3A_19 = arith.constant 80 : i32
    %add3A_20 = arith.addi %mul3A_2, %add3A_19 : i32
    %dma_start3A_21 = tpu.memref_slice %arg3[%add3A_20] : memref<320240xi32, #tpu.memory_space<hbm>> -> memref<80xi32, #tpu.memory_space<hbm>>
    %dma_start3A_22 = tpu.memref_slice %arg3[%add3A_20] : memref<320240xi32, #tpu.memory_space<hbm>> -> memref<80xi32, #tpu.memory_space<hbm>>
    tpu.enqueue_dma source(%dma_start3A_22 : memref<80xi32, #tpu.memory_space<hbm>>) target(%arg7 : memref<80xi32, #tpu.memory_space<vmem>>) target_semaphore(%arg19 : memref<!tpu.dma_semaphore, #tpu.memory_space<semaphore_mem>>)
    %add3A_23 = arith.constant 80 : i32
    %add3A_24 = arith.addi %mul3A_2, %add3A_23 : i32
    %dma_start3A_25 = tpu.memref_slice %arg4[%add3A_24] : memref<320240xi32, #tpu.memory_space<hbm>> -> memref<80xi32, #tpu.memory_space<hbm>>
    %dma_start3A_26 = tpu.memref_slice %arg4[%add3A_24] : memref<320240xi32, #tpu.memory_space<hbm>> -> memref<80xi32, #tpu.memory_space<hbm>>
    tpu.enqueue_dma source(%dma_start3A_26 : memref<80xi32, #tpu.memory_space<hbm>>) target(%arg11 : memref<80xi32, #tpu.memory_space<vmem>>) target_semaphore(%arg19 : memref<!tpu.dma_semaphore, #tpu.memory_space<semaphore_mem>>)
    %add3A_27 = arith.constant 160 : i32
    %add3A_28 = arith.addi %mul3A_2, %add3A_27 : i32
    %dma_start3A_29 = tpu.memref_slice %arg3[%add3A_28] : memref<320240xi32, #tpu.memory_space<hbm>> -> memref<80xi32, #tpu.memory_space<hbm>>
    %dma_start3A_30 = tpu.memref_slice %arg3[%add3A_28] : memref<320240xi32, #tpu.memory_space<hbm>> -> memref<80xi32, #tpu.memory_space<hbm>>
    tpu.enqueue_dma source(%dma_start3A_30 : memref<80xi32, #tpu.memory_space<hbm>>) target(%arg8 : memref<80xi32, #tpu.memory_space<vmem>>) target_semaphore(%arg20 : memref<!tpu.dma_semaphore, #tpu.memory_space<semaphore_mem>>)
    %add3A_31 = arith.constant 160 : i32
    %add3A_32 = arith.addi %mul3A_2, %add3A_31 : i32
    %dma_start3A_33 = tpu.memref_slice %arg4[%add3A_32] : memref<320240xi32, #tpu.memory_space<hbm>> -> memref<80xi32, #tpu.memory_space<hbm>>
    %dma_start3A_34 = tpu.memref_slice %arg4[%add3A_32] : memref<320240xi32, #tpu.memory_space<hbm>> -> memref<80xi32, #tpu.memory_space<hbm>>
    tpu.enqueue_dma source(%dma_start3A_34 : memref<80xi32, #tpu.memory_space<hbm>>) target(%arg12 : memref<80xi32, #tpu.memory_space<vmem>>) target_semaphore(%arg20 : memref<!tpu.dma_semaphore, #tpu.memory_space<semaphore_mem>>)
    %add3A_35 = arith.constant 240 : i32
    %add3A_36 = arith.addi %mul3A_2, %add3A_35 : i32
    %dma_start3A_37 = tpu.memref_slice %arg3[%add3A_36] : memref<320240xi32, #tpu.memory_space<hbm>> -> memref<80xi32, #tpu.memory_space<hbm>>
    %dma_start3A_38 = tpu.memref_slice %arg3[%add3A_36] : memref<320240xi32, #tpu.memory_space<hbm>> -> memref<80xi32, #tpu.memory_space<hbm>>
    tpu.enqueue_dma source(%dma_start3A_38 : memref<80xi32, #tpu.memory_space<hbm>>) target(%arg9 : memref<80xi32, #tpu.memory_space<vmem>>) target_semaphore(%arg21 : memref<!tpu.dma_semaphore, #tpu.memory_space<semaphore_mem>>)
    %add3A_39 = arith.constant 240 : i32
    %add3A_40 = arith.addi %mul3A_2, %add3A_39 : i32
    %dma_start3A_41 = tpu.memref_slice %arg4[%add3A_40] : memref<320240xi32, #tpu.memory_space<hbm>> -> memref<80xi32, #tpu.memory_space<hbm>>
    %dma_start3A_42 = tpu.memref_slice %arg4[%add3A_40] : memref<320240xi32, #tpu.memory_space<hbm>> -> memref<80xi32, #tpu.memory_space<hbm>>
    tpu.enqueue_dma source(%dma_start3A_42 : memref<80xi32, #tpu.memory_space<hbm>>) target(%arg13 : memref<80xi32, #tpu.memory_space<vmem>>) target_semaphore(%arg21 : memref<!tpu.dma_semaphore, #tpu.memory_space<semaphore_mem>>)
    %dma_wait3A = arith.constant 0 : i32
    %dma_wait3A_43 = tpu.memref_slice %arg3[%dma_wait3A] : memref<320240xi32, #tpu.memory_space<hbm>> -> memref<80xi32, #tpu.memory_space<hbm>>
    %dma_wait3A_44 = arith.constant 0 : i32
    %dma_wait3A_45 = tpu.memref_slice %arg3[%dma_wait3A_44] : memref<320240xi32, #tpu.memory_space<hbm>> -> memref<80xi32, #tpu.memory_space<hbm>>
    tpu.wait_dma2 semaphore(%arg18 : memref<!tpu.dma_semaphore, #tpu.memory_space<semaphore_mem>>) src(%dma_wait3A_45 : memref<80xi32, #tpu.memory_space<hbm>>) dst(%arg6 : memref<80xi32, #tpu.memory_space<vmem>>)
    %dma_wait3A_46 = arith.constant 0 : i32
    %dma_wait3A_47 = tpu.memref_slice %arg4[%dma_wait3A_46] : memref<320240xi32, #tpu.memory_space<hbm>> -> memref<80xi32, #tpu.memory_space<hbm>>
    %dma_wait3A_48 = arith.constant 0 : i32
    %dma_wait3A_49 = tpu.memref_slice %arg4[%dma_wait3A_48] : memref<320240xi32, #tpu.memory_space<hbm>> -> memref<80xi32, #tpu.memory_space<hbm>>
    tpu.wait_dma2 semaphore(%arg18 : memref<!tpu.dma_semaphore, #tpu.memory_space<semaphore_mem>>) src(%dma_wait3A_49 : memref<80xi32, #tpu.memory_space<hbm>>) dst(%arg10 : memref<80xi32, #tpu.memory_space<vmem>>)
    %dma_start3A_50 = arith.constant 0 : i32
    %dma_start3A_51 = arith.constant 0 : i32
    %dma_start3A_52 = tpu.memref_slice %arg2[%dma_start3A_50, %dma_start3A_51] : memref<10240x128xf32, #tpu.memory_space<hbm>> -> memref<10240x128xf32, #tpu.memory_space<hbm>>
    tpu.enqueue_indirect_dma source(%dma_start3A_52 : memref<10240x128xf32, #tpu.memory_space<hbm>>) target(%arg14 : memref<80x128xf32, #tpu.memory_space<vmem>>) offsets(%arg6 : memref<80xi32, #tpu.memory_space<vmem>>) semaphore(%arg22 : memref<!tpu.dma_semaphore, #tpu.memory_space<semaphore_mem>>)
    %dma_wait3A_53 = arith.constant 0 : i32
    %dma_wait3A_54 = tpu.memref_slice %arg3[%dma_wait3A_53] : memref<320240xi32, #tpu.memory_space<hbm>> -> memref<80xi32, #tpu.memory_space<hbm>>
    %dma_wait3A_55 = arith.constant 0 : i32
    %dma_wait3A_56 = tpu.memref_slice %arg3[%dma_wait3A_55] : memref<320240xi32, #tpu.memory_space<hbm>> -> memref<80xi32, #tpu.memory_space<hbm>>
    tpu.wait_dma2 semaphore(%arg19 : memref<!tpu.dma_semaphore, #tpu.memory_space<semaphore_mem>>) src(%dma_wait3A_56 : memref<80xi32, #tpu.memory_space<hbm>>) dst(%arg7 : memref<80xi32, #tpu.memory_space<vmem>>)
    %dma_wait3A_57 = arith.constant 0 : i32
    %dma_wait3A_58 = tpu.memref_slice %arg4[%dma_wait3A_57] : memref<320240xi32, #tpu.memory_space<hbm>> -> memref<80xi32, #tpu.memory_space<hbm>>
    %dma_wait3A_59 = arith.constant 0 : i32
    %dma_wait3A_60 = tpu.memref_slice %arg4[%dma_wait3A_59] : memref<320240xi32, #tpu.memory_space<hbm>> -> memref<80xi32, #tpu.memory_space<hbm>>
    tpu.wait_dma2 semaphore(%arg19 : memref<!tpu.dma_semaphore, #tpu.memory_space<semaphore_mem>>) src(%dma_wait3A_60 : memref<80xi32, #tpu.memory_space<hbm>>) dst(%arg11 : memref<80xi32, #tpu.memory_space<vmem>>)
    %dma_start3A_61 = arith.constant 0 : i32
    %dma_start3A_62 = arith.constant 0 : i32
    %dma_start3A_63 = tpu.memref_slice %arg2[%dma_start3A_61, %dma_start3A_62] : memref<10240x128xf32, #tpu.memory_space<hbm>> -> memref<10240x128xf32, #tpu.memory_space<hbm>>
    tpu.enqueue_indirect_dma source(%dma_start3A_63 : memref<10240x128xf32, #tpu.memory_space<hbm>>) target(%arg15 : memref<80x128xf32, #tpu.memory_space<vmem>>) offsets(%arg7 : memref<80xi32, #tpu.memory_space<vmem>>) semaphore(%arg23 : memref<!tpu.dma_semaphore, #tpu.memory_space<semaphore_mem>>)
    %dma_wait3A_64 = arith.constant 0 : i32
    %dma_wait3A_65 = tpu.memref_slice %arg3[%dma_wait3A_64] : memref<320240xi32, #tpu.memory_space<hbm>> -> memref<80xi32, #tpu.memory_space<hbm>>
    %dma_wait3A_66 = arith.constant 0 : i32
    %dma_wait3A_67 = tpu.memref_slice %arg3[%dma_wait3A_66] : memref<320240xi32, #tpu.memory_space<hbm>> -> memref<80xi32, #tpu.memory_space<hbm>>
    tpu.wait_dma2 semaphore(%arg20 : memref<!tpu.dma_semaphore, #tpu.memory_space<semaphore_mem>>) src(%dma_wait3A_67 : memref<80xi32, #tpu.memory_space<hbm>>) dst(%arg8 : memref<80xi32, #tpu.memory_space<vmem>>)
    %dma_wait3A_68 = arith.constant 0 : i32
    %dma_wait3A_69 = tpu.memref_slice %arg4[%dma_wait3A_68] : memref<320240xi32, #tpu.memory_space<hbm>> -> memref<80xi32, #tpu.memory_space<hbm>>
    %dma_wait3A_70 = arith.constant 0 : i32
    %dma_wait3A_71 = tpu.memref_slice %arg4[%dma_wait3A_70] : memref<320240xi32, #tpu.memory_space<hbm>> -> memref<80xi32, #tpu.memory_space<hbm>>
    tpu.wait_dma2 semaphore(%arg20 : memref<!tpu.dma_semaphore, #tpu.memory_space<semaphore_mem>>) src(%dma_wait3A_71 : memref<80xi32, #tpu.memory_space<hbm>>) dst(%arg12 : memref<80xi32, #tpu.memory_space<vmem>>)
    %dma_start3A_72 = arith.constant 0 : i32
    %dma_start3A_73 = arith.constant 0 : i32
    %dma_start3A_74 = tpu.memref_slice %arg2[%dma_start3A_72, %dma_start3A_73] : memref<10240x128xf32, #tpu.memory_space<hbm>> -> memref<10240x128xf32, #tpu.memory_space<hbm>>
    tpu.enqueue_indirect_dma source(%dma_start3A_74 : memref<10240x128xf32, #tpu.memory_space<hbm>>) target(%arg16 : memref<80x128xf32, #tpu.memory_space<vmem>>) offsets(%arg8 : memref<80xi32, #tpu.memory_space<vmem>>) semaphore(%arg24 : memref<!tpu.dma_semaphore, #tpu.memory_space<semaphore_mem>>)
    %dma_wait3A_75 = arith.constant 0 : i32
    %dma_wait3A_76 = tpu.memref_slice %arg3[%dma_wait3A_75] : memref<320240xi32, #tpu.memory_space<hbm>> -> memref<80xi32, #tpu.memory_space<hbm>>
    %dma_wait3A_77 = arith.constant 0 : i32
    %dma_wait3A_78 = tpu.memref_slice %arg3[%dma_wait3A_77] : memref<320240xi32, #tpu.memory_space<hbm>> -> memref<80xi32, #tpu.memory_space<hbm>>
    tpu.wait_dma2 semaphore(%arg21 : memref<!tpu.dma_semaphore, #tpu.memory_space<semaphore_mem>>) src(%dma_wait3A_78 : memref<80xi32, #tpu.memory_space<hbm>>) dst(%arg9 : memref<80xi32, #tpu.memory_space<vmem>>)
    %dma_wait3A_79 = arith.constant 0 : i32
    %dma_wait3A_80 = tpu.memref_slice %arg4[%dma_wait3A_79] : memref<320240xi32, #tpu.memory_space<hbm>> -> memref<80xi32, #tpu.memory_space<hbm>>
    %dma_wait3A_81 = arith.constant 0 : i32
    %dma_wait3A_82 = tpu.memref_slice %arg4[%dma_wait3A_81] : memref<320240xi32, #tpu.memory_space<hbm>> -> memref<80xi32, #tpu.memory_space<hbm>>
    tpu.wait_dma2 semaphore(%arg21 : memref<!tpu.dma_semaphore, #tpu.memory_space<semaphore_mem>>) src(%dma_wait3A_82 : memref<80xi32, #tpu.memory_space<hbm>>) dst(%arg13 : memref<80xi32, #tpu.memory_space<vmem>>)
    %dma_start3A_83 = arith.constant 0 : i32
    %dma_start3A_84 = arith.constant 0 : i32
    %dma_start3A_85 = tpu.memref_slice %arg2[%dma_start3A_83, %dma_start3A_84] : memref<10240x128xf32, #tpu.memory_space<hbm>> -> memref<10240x128xf32, #tpu.memory_space<hbm>>
    tpu.enqueue_indirect_dma source(%dma_start3A_85 : memref<10240x128xf32, #tpu.memory_space<hbm>>) target(%arg17 : memref<80x128xf32, #tpu.memory_space<vmem>>) offsets(%arg9 : memref<80xi32, #tpu.memory_space<vmem>>) semaphore(%arg25 : memref<!tpu.dma_semaphore, #tpu.memory_space<semaphore_mem>>)
    %scan3A_86 = arith.constant 0 : i32
    %scan3A_87 = arith.constant 30 : i32
    %scan3A_88 = arith.addi %scan3A_86, %scan3A_87 : i32
    %scan3A_89 = arith.constant 1 : i32
    scf.for %scan3A_160 = %scan3A_86 to %scan3A_88 step %scan3A_89  : i32 {
      %mul3A_161 = arith.constant 1 : i32
      %mul3A_162 = arith.muli %scan3A_160, %mul3A_161 : i32
      %add3A_163 = arith.constant 0 : i32
      %add3A_164 = arith.addi %add3A_163, %mul3A_162 : i32
      %dma_wait3A_165 = arith.constant 0 : i32
      %dma_wait3A_166 = arith.constant 0 : i32
      %dma_wait3A_167 = tpu.memref_slice %arg2[%dma_wait3A_165, %dma_wait3A_166] : memref<10240x128xf32, #tpu.memory_space<hbm>> -> memref<10240x128xf32, #tpu.memory_space<hbm>>
      tpu.wait_indirect_dma semaphore(%arg22 : memref<!tpu.dma_semaphore, #tpu.memory_space<semaphore_mem>>) src(%dma_wait3A_167 : memref<10240x128xf32, #tpu.memory_space<hbm>>) dst(%arg14 : memref<80x128xf32, #tpu.memory_space<vmem>>)
      %dma_start3A_168 = arith.constant 0 : i32
      %dma_start3A_169 = arith.constant 0 : i32
      %dma_start3A_170 = tpu.memref_slice %arg30[%dma_start3A_168, %dma_start3A_169] : memref<10240x128xf32, #tpu.memory_space<vmem_shared>> -> memref<10240x128xf32, #tpu.memory_space<vmem_shared>>
      tpu.enqueue_indirect_dma source(%arg14 : memref<80x128xf32, #tpu.memory_space<vmem>>) target(%dma_start3A_170 : memref<10240x128xf32, #tpu.memory_space<vmem_shared>>) offsets(%arg10 : memref<80xi32, #tpu.memory_space<vmem>>) semaphore(%arg26 : memref<!tpu.dma_semaphore, #tpu.memory_space<semaphore_mem>>) {add = true}
      %dma_wait3A_171 = arith.constant 0 : i32
      %dma_wait3A_172 = arith.constant 0 : i32
      %dma_wait3A_173 = tpu.memref_slice %arg2[%dma_wait3A_171, %dma_wait3A_172] : memref<10240x128xf32, #tpu.memory_space<hbm>> -> memref<10240x128xf32, #tpu.memory_space<hbm>>
      tpu.wait_indirect_dma semaphore(%arg23 : memref<!tpu.dma_semaphore, #tpu.memory_space<semaphore_mem>>) src(%dma_wait3A_173 : memref<10240x128xf32, #tpu.memory_space<hbm>>) dst(%arg15 : memref<80x128xf32, #tpu.memory_space<vmem>>)
      %dma_start3A_174 = arith.constant 0 : i32
      %dma_start3A_175 = arith.constant 0 : i32
      %dma_start3A_176 = tpu.memref_slice %arg30[%dma_start3A_174, %dma_start3A_175] : memref<10240x128xf32, #tpu.memory_space<vmem_shared>> -> memref<10240x128xf32, #tpu.memory_space<vmem_shared>>
      tpu.enqueue_indirect_dma source(%arg15 : memref<80x128xf32, #tpu.memory_space<vmem>>) target(%dma_start3A_176 : memref<10240x128xf32, #tpu.memory_space<vmem_shared>>) offsets(%arg11 : memref<80xi32, #tpu.memory_space<vmem>>) semaphore(%arg27 : memref<!tpu.dma_semaphore, #tpu.memory_space<semaphore_mem>>) {add = true}
      %dma_wait3A_177 = arith.constant 0 : i32
      %dma_wait3A_178 = arith.constant 0 : i32
      %dma_wait3A_179 = tpu.memref_slice %arg2[%dma_wait3A_177, %dma_wait3A_178] : memref<10240x128xf32, #tpu.memory_space<hbm>> -> memref<10240x128xf32, #tpu.memory_space<hbm>>
      tpu.wait_indirect_dma semaphore(%arg24 : memref<!tpu.dma_semaphore, #tpu.memory_space<semaphore_mem>>) src(%dma_wait3A_179 : memref<10240x128xf32, #tpu.memory_space<hbm>>) dst(%arg16 : memref<80x128xf32, #tpu.memory_space<vmem>>)
      %dma_start3A_180 = arith.constant 0 : i32
      %dma_start3A_181 = arith.constant 0 : i32
      %dma_start3A_182 = tpu.memref_slice %arg30[%dma_start3A_180, %dma_start3A_181] : memref<10240x128xf32, #tpu.memory_space<vmem_shared>> -> memref<10240x128xf32, #tpu.memory_space<vmem_shared>>
      tpu.enqueue_indirect_dma source(%arg16 : memref<80x128xf32, #tpu.memory_space<vmem>>) target(%dma_start3A_182 : memref<10240x128xf32, #tpu.memory_space<vmem_shared>>) offsets(%arg12 : memref<80xi32, #tpu.memory_space<vmem>>) semaphore(%arg28 : memref<!tpu.dma_semaphore, #tpu.memory_space<semaphore_mem>>) {add = true}
      %dma_wait3A_183 = arith.constant 0 : i32
      %dma_wait3A_184 = arith.constant 0 : i32
      %dma_wait3A_185 = tpu.memref_slice %arg2[%dma_wait3A_183, %dma_wait3A_184] : memref<10240x128xf32, #tpu.memory_space<hbm>> -> memref<10240x128xf32, #tpu.memory_space<hbm>>
      tpu.wait_indirect_dma semaphore(%arg25 : memref<!tpu.dma_semaphore, #tpu.memory_space<semaphore_mem>>) src(%dma_wait3A_185 : memref<10240x128xf32, #tpu.memory_space<hbm>>) dst(%arg17 : memref<80x128xf32, #tpu.memory_space<vmem>>)
      %dma_start3A_186 = arith.constant 0 : i32
      %dma_start3A_187 = arith.constant 0 : i32
      %dma_start3A_188 = tpu.memref_slice %arg30[%dma_start3A_186, %dma_start3A_187] : memref<10240x128xf32, #tpu.memory_space<vmem_shared>> -> memref<10240x128xf32, #tpu.memory_space<vmem_shared>>
      tpu.enqueue_indirect_dma source(%arg17 : memref<80x128xf32, #tpu.memory_space<vmem>>) target(%dma_start3A_188 : memref<10240x128xf32, #tpu.memory_space<vmem_shared>>) offsets(%arg13 : memref<80xi32, #tpu.memory_space<vmem>>) semaphore(%arg29 : memref<!tpu.dma_semaphore, #tpu.memory_space<semaphore_mem>>) {add = true}
      %dma_wait3A_189 = arith.constant 0 : i32
      %dma_wait3A_190 = arith.constant 0 : i32
      %dma_wait3A_191 = tpu.memref_slice %arg30[%dma_wait3A_189, %dma_wait3A_190] : memref<10240x128xf32, #tpu.memory_space<vmem_shared>> -> memref<10240x128xf32, #tpu.memory_space<vmem_shared>>
      tpu.wait_indirect_dma semaphore(%arg26 : memref<!tpu.dma_semaphore, #tpu.memory_space<semaphore_mem>>) src(%arg14 : memref<80x128xf32, #tpu.memory_space<vmem>>) dst(%dma_wait3A_191 : memref<10240x128xf32, #tpu.memory_space<vmem_shared>>)
      %add3A_192 = arith.constant 1 : i32
      %add3A_193 = arith.addi %add3A_164, %add3A_192 : i32
      %mul3A_194 = arith.constant 4 : i32
      %mul3A_195 = arith.muli %add3A_193, %mul3A_194 : i32
      %add3A_196 = arith.constant 0 : i32
      %add3A_197 = arith.addi %mul3A_195, %add3A_196 : i32
      %mul3A_198 = arith.constant 80 : i32
      %mul3A_199 = arith.muli %add3A_197, %mul3A_198 : i32
      %add3A_200 = arith.addi %mul3A_2, %mul3A_199 : i32
      %dma_start3A_201 = tpu.memref_slice %arg3[%add3A_200] : memref<320240xi32, #tpu.memory_space<hbm>> -> memref<80xi32, #tpu.memory_space<hbm>>
      %dma_start3A_202 = tpu.memref_slice %arg3[%add3A_200] : memref<320240xi32, #tpu.memory_space<hbm>> -> memref<80xi32, #tpu.memory_space<hbm>>
      tpu.enqueue_dma source(%dma_start3A_202 : memref<80xi32, #tpu.memory_space<hbm>>) target(%arg6 : memref<80xi32, #tpu.memory_space<vmem>>) target_semaphore(%arg18 : memref<!tpu.dma_semaphore, #tpu.memory_space<semaphore_mem>>)
      %mul3A_203 = arith.constant 80 : i32
      %mul3A_204 = arith.muli %add3A_197, %mul3A_203 : i32
      %add3A_205 = arith.addi %mul3A_2, %mul3A_204 : i32
      %dma_start3A_206 = tpu.memref_slice %arg4[%add3A_205] : memref<320240xi32, #tpu.memory_space<hbm>> -> memref<80xi32, #tpu.memory_space<hbm>>
      %dma_start3A_207 = tpu.memref_slice %arg4[%add3A_205] : memref<320240xi32, #tpu.memory_space<hbm>> -> memref<80xi32, #tpu.memory_space<hbm>>
      tpu.enqueue_dma source(%dma_start3A_207 : memref<80xi32, #tpu.memory_space<hbm>>) target(%arg10 : memref<80xi32, #tpu.memory_space<vmem>>) target_semaphore(%arg18 : memref<!tpu.dma_semaphore, #tpu.memory_space<semaphore_mem>>)
      %dma_wait3A_208 = arith.constant 0 : i32
      %dma_wait3A_209 = arith.constant 0 : i32
      %dma_wait3A_210 = tpu.memref_slice %arg30[%dma_wait3A_208, %dma_wait3A_209] : memref<10240x128xf32, #tpu.memory_space<vmem_shared>> -> memref<10240x128xf32, #tpu.memory_space<vmem_shared>>
      tpu.wait_indirect_dma semaphore(%arg27 : memref<!tpu.dma_semaphore, #tpu.memory_space<semaphore_mem>>) src(%arg15 : memref<80x128xf32, #tpu.memory_space<vmem>>) dst(%dma_wait3A_210 : memref<10240x128xf32, #tpu.memory_space<vmem_shared>>)
      %add3A_211 = arith.constant 1 : i32
      %add3A_212 = arith.addi %add3A_164, %add3A_211 : i32
      %mul3A_213 = arith.constant 4 : i32
      %mul3A_214 = arith.muli %add3A_212, %mul3A_213 : i32
      %add3A_215 = arith.constant 1 : i32
      %add3A_216 = arith.addi %mul3A_214, %add3A_215 : i32
      %mul3A_217 = arith.constant 80 : i32
      %mul3A_218 = arith.muli %add3A_216, %mul3A_217 : i32
      %add3A_219 = arith.addi %mul3A_2, %mul3A_218 : i32
      %dma_start3A_220 = tpu.memref_slice %arg3[%add3A_219] : memref<320240xi32, #tpu.memory_space<hbm>> -> memref<80xi32, #tpu.memory_space<hbm>>
      %dma_start3A_221 = tpu.memref_slice %arg3[%add3A_219] : memref<320240xi32, #tpu.memory_space<hbm>> -> memref<80xi32, #tpu.memory_space<hbm>>
      tpu.enqueue_dma source(%dma_start3A_221 : memref<80xi32, #tpu.memory_space<hbm>>) target(%arg7 : memref<80xi32, #tpu.memory_space<vmem>>) target_semaphore(%arg19 : memref<!tpu.dma_semaphore, #tpu.memory_space<semaphore_mem>>)
      %mul3A_222 = arith.constant 80 : i32
      %mul3A_223 = arith.muli %add3A_216, %mul3A_222 : i32
      %add3A_224 = arith.addi %mul3A_2, %mul3A_223 : i32
      %dma_start3A_225 = tpu.memref_slice %arg4[%add3A_224] : memref<320240xi32, #tpu.memory_space<hbm>> -> memref<80xi32, #tpu.memory_space<hbm>>
      %dma_start3A_226 = tpu.memref_slice %arg4[%add3A_224] : memref<320240xi32, #tpu.memory_space<hbm>> -> memref<80xi32, #tpu.memory_space<hbm>>
      tpu.enqueue_dma source(%dma_start3A_226 : memref<80xi32, #tpu.memory_space<hbm>>) target(%arg11 : memref<80xi32, #tpu.memory_space<vmem>>) target_semaphore(%arg19 : memref<!tpu.dma_semaphore, #tpu.memory_space<semaphore_mem>>)
      %dma_wait3A_227 = arith.constant 0 : i32
      %dma_wait3A_228 = arith.constant 0 : i32
      %dma_wait3A_229 = tpu.memref_slice %arg30[%dma_wait3A_227, %dma_wait3A_228] : memref<10240x128xf32, #tpu.memory_space<vmem_shared>> -> memref<10240x128xf32, #tpu.memory_space<vmem_shared>>
      tpu.wait_indirect_dma semaphore(%arg28 : memref<!tpu.dma_semaphore, #tpu.memory_space<semaphore_mem>>) src(%arg16 : memref<80x128xf32, #tpu.memory_space<vmem>>) dst(%dma_wait3A_229 : memref<10240x128xf32, #tpu.memory_space<vmem_shared>>)
      %add3A_230 = arith.constant 1 : i32
      %add3A_231 = arith.addi %add3A_164, %add3A_230 : i32
      %mul3A_232 = arith.constant 4 : i32
      %mul3A_233 = arith.muli %add3A_231, %mul3A_232 : i32
      %add3A_234 = arith.constant 2 : i32
      %add3A_235 = arith.addi %mul3A_233, %add3A_234 : i32
      %mul3A_236 = arith.constant 80 : i32
      %mul3A_237 = arith.muli %add3A_235, %mul3A_236 : i32
      %add3A_238 = arith.addi %mul3A_2, %mul3A_237 : i32
      %dma_start3A_239 = tpu.memref_slice %arg3[%add3A_238] : memref<320240xi32, #tpu.memory_space<hbm>> -> memref<80xi32, #tpu.memory_space<hbm>>
      %dma_start3A_240 = tpu.memref_slice %arg3[%add3A_238] : memref<320240xi32, #tpu.memory_space<hbm>> -> memref<80xi32, #tpu.memory_space<hbm>>
      tpu.enqueue_dma source(%dma_start3A_240 : memref<80xi32, #tpu.memory_space<hbm>>) target(%arg8 : memref<80xi32, #tpu.memory_space<vmem>>) target_semaphore(%arg20 : memref<!tpu.dma_semaphore, #tpu.memory_space<semaphore_mem>>)
      %mul3A_241 = arith.constant 80 : i32
      %mul3A_242 = arith.muli %add3A_235, %mul3A_241 : i32
      %add3A_243 = arith.addi %mul3A_2, %mul3A_242 : i32
      %dma_start3A_244 = tpu.memref_slice %arg4[%add3A_243] : memref<320240xi32, #tpu.memory_space<hbm>> -> memref<80xi32, #tpu.memory_space<hbm>>
      %dma_start3A_245 = tpu.memref_slice %arg4[%add3A_243] : memref<320240xi32, #tpu.memory_space<hbm>> -> memref<80xi32, #tpu.memory_space<hbm>>
      tpu.enqueue_dma source(%dma_start3A_245 : memref<80xi32, #tpu.memory_space<hbm>>) target(%arg12 : memref<80xi32, #tpu.memory_space<vmem>>) target_semaphore(%arg20 : memref<!tpu.dma_semaphore, #tpu.memory_space<semaphore_mem>>)
      %dma_wait3A_246 = arith.constant 0 : i32
      %dma_wait3A_247 = arith.constant 0 : i32
      %dma_wait3A_248 = tpu.memref_slice %arg30[%dma_wait3A_246, %dma_wait3A_247] : memref<10240x128xf32, #tpu.memory_space<vmem_shared>> -> memref<10240x128xf32, #tpu.memory_space<vmem_shared>>
      tpu.wait_indirect_dma semaphore(%arg29 : memref<!tpu.dma_semaphore, #tpu.memory_space<semaphore_mem>>) src(%arg17 : memref<80x128xf32, #tpu.memory_space<vmem>>) dst(%dma_wait3A_248 : memref<10240x128xf32, #tpu.memory_space<vmem_shared>>)
      %add3A_249 = arith.constant 1 : i32
      %add3A_250 = arith.addi %add3A_164, %add3A_249 : i32
      %mul3A_251 = arith.constant 4 : i32
      %mul3A_252 = arith.muli %add3A_250, %mul3A_251 : i32
      %add3A_253 = arith.constant 3 : i32
      %add3A_254 = arith.addi %mul3A_252, %add3A_253 : i32
      %mul3A_255 = arith.constant 80 : i32
      %mul3A_256 = arith.muli %add3A_254, %mul3A_255 : i32
      %add3A_257 = arith.addi %mul3A_2, %mul3A_256 : i32
      %dma_start3A_258 = tpu.memref_slice %arg3[%add3A_257] : memref<320240xi32, #tpu.memory_space<hbm>> -> memref<80xi32, #tpu.memory_space<hbm>>
      %dma_start3A_259 = tpu.memref_slice %arg3[%add3A_257] : memref<320240xi32, #tpu.memory_space<hbm>> -> memref<80xi32, #tpu.memory_space<hbm>>
      tpu.enqueue_dma source(%dma_start3A_259 : memref<80xi32, #tpu.memory_space<hbm>>) target(%arg9 : memref<80xi32, #tpu.memory_space<vmem>>) target_semaphore(%arg21 : memref<!tpu.dma_semaphore, #tpu.memory_space<semaphore_mem>>)
      %mul3A_260 = arith.constant 80 : i32
      %mul3A_261 = arith.muli %add3A_254, %mul3A_260 : i32
      %add3A_262 = arith.addi %mul3A_2, %mul3A_261 : i32
      %dma_start3A_263 = tpu.memref_slice %arg4[%add3A_262] : memref<320240xi32, #tpu.memory_space<hbm>> -> memref<80xi32, #tpu.memory_space<hbm>>
      %dma_start3A_264 = tpu.memref_slice %arg4[%add3A_262] : memref<320240xi32, #tpu.memory_space<hbm>> -> memref<80xi32, #tpu.memory_space<hbm>>
      tpu.enqueue_dma source(%dma_start3A_264 : memref<80xi32, #tpu.memory_space<hbm>>) target(%arg13 : memref<80xi32, #tpu.memory_space<vmem>>) target_semaphore(%arg21 : memref<!tpu.dma_semaphore, #tpu.memory_space<semaphore_mem>>)
      %dma_wait3A_265 = arith.constant 0 : i32
      %dma_wait3A_266 = tpu.memref_slice %arg3[%dma_wait3A_265] : memref<320240xi32, #tpu.memory_space<hbm>> -> memref<80xi32, #tpu.memory_space<hbm>>
      %dma_wait3A_267 = arith.constant 0 : i32
      %dma_wait3A_268 = tpu.memref_slice %arg3[%dma_wait3A_267] : memref<320240xi32, #tpu.memory_space<hbm>> -> memref<80xi32, #tpu.memory_space<hbm>>
      tpu.wait_dma2 semaphore(%arg18 : memref<!tpu.dma_semaphore, #tpu.memory_space<semaphore_mem>>) src(%dma_wait3A_268 : memref<80xi32, #tpu.memory_space<hbm>>) dst(%arg6 : memref<80xi32, #tpu.memory_space<vmem>>)
      %dma_wait3A_269 = arith.constant 0 : i32
      %dma_wait3A_270 = tpu.memref_slice %arg4[%dma_wait3A_269] : memref<320240xi32, #tpu.memory_space<hbm>> -> memref<80xi32, #tpu.memory_space<hbm>>
      %dma_wait3A_271 = arith.constant 0 : i32
      %dma_wait3A_272 = tpu.memref_slice %arg4[%dma_wait3A_271] : memref<320240xi32, #tpu.memory_space<hbm>> -> memref<80xi32, #tpu.memory_space<hbm>>
      tpu.wait_dma2 semaphore(%arg18 : memref<!tpu.dma_semaphore, #tpu.memory_space<semaphore_mem>>) src(%dma_wait3A_272 : memref<80xi32, #tpu.memory_space<hbm>>) dst(%arg10 : memref<80xi32, #tpu.memory_space<vmem>>)
      %dma_start3A_273 = arith.constant 0 : i32
      %dma_start3A_274 = arith.constant 0 : i32
      %dma_start3A_275 = tpu.memref_slice %arg2[%dma_start3A_273, %dma_start3A_274] : memref<10240x128xf32, #tpu.memory_space<hbm>> -> memref<10240x128xf32, #tpu.memory_space<hbm>>
      tpu.enqueue_indirect_dma source(%dma_start3A_275 : memref<10240x128xf32, #tpu.memory_space<hbm>>) target(%arg14 : memref<80x128xf32, #tpu.memory_space<vmem>>) offsets(%arg6 : memref<80xi32, #tpu.memory_space<vmem>>) semaphore(%arg22 : memref<!tpu.dma_semaphore, #tpu.memory_space<semaphore_mem>>)
      %dma_wait3A_276 = arith.constant 0 : i32
      %dma_wait3A_277 = tpu.memref_slice %arg3[%dma_wait3A_276] : memref<320240xi32, #tpu.memory_space<hbm>> -> memref<80xi32, #tpu.memory_space<hbm>>
      %dma_wait3A_278 = arith.constant 0 : i32
      %dma_wait3A_279 = tpu.memref_slice %arg3[%dma_wait3A_278] : memref<320240xi32, #tpu.memory_space<hbm>> -> memref<80xi32, #tpu.memory_space<hbm>>
      tpu.wait_dma2 semaphore(%arg19 : memref<!tpu.dma_semaphore, #tpu.memory_space<semaphore_mem>>) src(%dma_wait3A_279 : memref<80xi32, #tpu.memory_space<hbm>>) dst(%arg7 : memref<80xi32, #tpu.memory_space<vmem>>)
      %dma_wait3A_280 = arith.constant 0 : i32
      %dma_wait3A_281 = tpu.memref_slice %arg4[%dma_wait3A_280] : memref<320240xi32, #tpu.memory_space<hbm>> -> memref<80xi32, #tpu.memory_space<hbm>>
      %dma_wait3A_282 = arith.constant 0 : i32
      %dma_wait3A_283 = tpu.memref_slice %arg4[%dma_wait3A_282] : memref<320240xi32, #tpu.memory_space<hbm>> -> memref<80xi32, #tpu.memory_space<hbm>>
      tpu.wait_dma2 semaphore(%arg19 : memref<!tpu.dma_semaphore, #tpu.memory_space<semaphore_mem>>) src(%dma_wait3A_283 : memref<80xi32, #tpu.memory_space<hbm>>) dst(%arg11 : memref<80xi32, #tpu.memory_space<vmem>>)
      %dma_start3A_284 = arith.constant 0 : i32
      %dma_start3A_285 = arith.constant 0 : i32
      %dma_start3A_286 = tpu.memref_slice %arg2[%dma_start3A_284, %dma_start3A_285] : memref<10240x128xf32, #tpu.memory_space<hbm>> -> memref<10240x128xf32, #tpu.memory_space<hbm>>
      tpu.enqueue_indirect_dma source(%dma_start3A_286 : memref<10240x128xf32, #tpu.memory_space<hbm>>) target(%arg15 : memref<80x128xf32, #tpu.memory_space<vmem>>) offsets(%arg7 : memref<80xi32, #tpu.memory_space<vmem>>) semaphore(%arg23 : memref<!tpu.dma_semaphore, #tpu.memory_space<semaphore_mem>>)
      %dma_wait3A_287 = arith.constant 0 : i32
      %dma_wait3A_288 = tpu.memref_slice %arg3[%dma_wait3A_287] : memref<320240xi32, #tpu.memory_space<hbm>> -> memref<80xi32, #tpu.memory_space<hbm>>
      %dma_wait3A_289 = arith.constant 0 : i32
      %dma_wait3A_290 = tpu.memref_slice %arg3[%dma_wait3A_289] : memref<320240xi32, #tpu.memory_space<hbm>> -> memref<80xi32, #tpu.memory_space<hbm>>
      tpu.wait_dma2 semaphore(%arg20 : memref<!tpu.dma_semaphore, #tpu.memory_space<semaphore_mem>>) src(%dma_wait3A_290 : memref<80xi32, #tpu.memory_space<hbm>>) dst(%arg8 : memref<80xi32, #tpu.memory_space<vmem>>)
      %dma_wait3A_291 = arith.constant 0 : i32
      %dma_wait3A_292 = tpu.memref_slice %arg4[%dma_wait3A_291] : memref<320240xi32, #tpu.memory_space<hbm>> -> memref<80xi32, #tpu.memory_space<hbm>>
      %dma_wait3A_293 = arith.constant 0 : i32
      %dma_wait3A_294 = tpu.memref_slice %arg4[%dma_wait3A_293] : memref<320240xi32, #tpu.memory_space<hbm>> -> memref<80xi32, #tpu.memory_space<hbm>>
      tpu.wait_dma2 semaphore(%arg20 : memref<!tpu.dma_semaphore, #tpu.memory_space<semaphore_mem>>) src(%dma_wait3A_294 : memref<80xi32, #tpu.memory_space<hbm>>) dst(%arg12 : memref<80xi32, #tpu.memory_space<vmem>>)
      %dma_start3A_295 = arith.constant 0 : i32
      %dma_start3A_296 = arith.constant 0 : i32
      %dma_start3A_297 = tpu.memref_slice %arg2[%dma_start3A_295, %dma_start3A_296] : memref<10240x128xf32, #tpu.memory_space<hbm>> -> memref<10240x128xf32, #tpu.memory_space<hbm>>
      tpu.enqueue_indirect_dma source(%dma_start3A_297 : memref<10240x128xf32, #tpu.memory_space<hbm>>) target(%arg16 : memref<80x128xf32, #tpu.memory_space<vmem>>) offsets(%arg8 : memref<80xi32, #tpu.memory_space<vmem>>) semaphore(%arg24 : memref<!tpu.dma_semaphore, #tpu.memory_space<semaphore_mem>>)
      %dma_wait3A_298 = arith.constant 0 : i32
      %dma_wait3A_299 = tpu.memref_slice %arg3[%dma_wait3A_298] : memref<320240xi32, #tpu.memory_space<hbm>> -> memref<80xi32, #tpu.memory_space<hbm>>
      %dma_wait3A_300 = arith.constant 0 : i32
      %dma_wait3A_301 = tpu.memref_slice %arg3[%dma_wait3A_300] : memref<320240xi32, #tpu.memory_space<hbm>> -> memref<80xi32, #tpu.memory_space<hbm>>
      tpu.wait_dma2 semaphore(%arg21 : memref<!tpu.dma_semaphore, #tpu.memory_space<semaphore_mem>>) src(%dma_wait3A_301 : memref<80xi32, #tpu.memory_space<hbm>>) dst(%arg9 : memref<80xi32, #tpu.memory_space<vmem>>)
      %dma_wait3A_302 = arith.constant 0 : i32
      %dma_wait3A_303 = tpu.memref_slice %arg4[%dma_wait3A_302] : memref<320240xi32, #tpu.memory_space<hbm>> -> memref<80xi32, #tpu.memory_space<hbm>>
      %dma_wait3A_304 = arith.constant 0 : i32
      %dma_wait3A_305 = tpu.memref_slice %arg4[%dma_wait3A_304] : memref<320240xi32, #tpu.memory_space<hbm>> -> memref<80xi32, #tpu.memory_space<hbm>>
      tpu.wait_dma2 semaphore(%arg21 : memref<!tpu.dma_semaphore, #tpu.memory_space<semaphore_mem>>) src(%dma_wait3A_305 : memref<80xi32, #tpu.memory_space<hbm>>) dst(%arg13 : memref<80xi32, #tpu.memory_space<vmem>>)
      %dma_start3A_306 = arith.constant 0 : i32
      %dma_start3A_307 = arith.constant 0 : i32
      %dma_start3A_308 = tpu.memref_slice %arg2[%dma_start3A_306, %dma_start3A_307] : memref<10240x128xf32, #tpu.memory_space<hbm>> -> memref<10240x128xf32, #tpu.memory_space<hbm>>
      tpu.enqueue_indirect_dma source(%dma_start3A_308 : memref<10240x128xf32, #tpu.memory_space<hbm>>) target(%arg17 : memref<80x128xf32, #tpu.memory_space<vmem>>) offsets(%arg9 : memref<80xi32, #tpu.memory_space<vmem>>) semaphore(%arg25 : memref<!tpu.dma_semaphore, #tpu.memory_space<semaphore_mem>>)
    }
    %scan3A_90 = arith.constant 30 : i32
    %dma_wait3A_91 = arith.constant 0 : i32
    %dma_wait3A_92 = arith.constant 0 : i32
    %dma_wait3A_93 = tpu.memref_slice %arg2[%dma_wait3A_91, %dma_wait3A_92] : memref<10240x128xf32, #tpu.memory_space<hbm>> -> memref<10240x128xf32, #tpu.memory_space<hbm>>
    tpu.wait_indirect_dma semaphore(%arg22 : memref<!tpu.dma_semaphore, #tpu.memory_space<semaphore_mem>>) src(%dma_wait3A_93 : memref<10240x128xf32, #tpu.memory_space<hbm>>) dst(%arg14 : memref<80x128xf32, #tpu.memory_space<vmem>>)
    %dma_start3A_94 = arith.constant 0 : i32
    %dma_start3A_95 = arith.constant 0 : i32
    %dma_start3A_96 = tpu.memref_slice %arg30[%dma_start3A_94, %dma_start3A_95] : memref<10240x128xf32, #tpu.memory_space<vmem_shared>> -> memref<10240x128xf32, #tpu.memory_space<vmem_shared>>
    tpu.enqueue_indirect_dma source(%arg14 : memref<80x128xf32, #tpu.memory_space<vmem>>) target(%dma_start3A_96 : memref<10240x128xf32, #tpu.memory_space<vmem_shared>>) offsets(%arg10 : memref<80xi32, #tpu.memory_space<vmem>>) semaphore(%arg26 : memref<!tpu.dma_semaphore, #tpu.memory_space<semaphore_mem>>) {add = true}
    %dma_wait3A_97 = arith.constant 0 : i32
    %dma_wait3A_98 = arith.constant 0 : i32
    %dma_wait3A_99 = tpu.memref_slice %arg2[%dma_wait3A_97, %dma_wait3A_98] : memref<10240x128xf32, #tpu.memory_space<hbm>> -> memref<10240x128xf32, #tpu.memory_space<hbm>>
    tpu.wait_indirect_dma semaphore(%arg23 : memref<!tpu.dma_semaphore, #tpu.memory_space<semaphore_mem>>) src(%dma_wait3A_99 : memref<10240x128xf32, #tpu.memory_space<hbm>>) dst(%arg15 : memref<80x128xf32, #tpu.memory_space<vmem>>)
    %dma_start3A_100 = arith.constant 0 : i32
    %dma_start3A_101 = arith.constant 0 : i32
    %dma_start3A_102 = tpu.memref_slice %arg30[%dma_start3A_100, %dma_start3A_101] : memref<10240x128xf32, #tpu.memory_space<vmem_shared>> -> memref<10240x128xf32, #tpu.memory_space<vmem_shared>>
    tpu.enqueue_indirect_dma source(%arg15 : memref<80x128xf32, #tpu.memory_space<vmem>>) target(%dma_start3A_102 : memref<10240x128xf32, #tpu.memory_space<vmem_shared>>) offsets(%arg11 : memref<80xi32, #tpu.memory_space<vmem>>) semaphore(%arg27 : memref<!tpu.dma_semaphore, #tpu.memory_space<semaphore_mem>>) {add = true}
    %dma_wait3A_103 = arith.constant 0 : i32
    %dma_wait3A_104 = arith.constant 0 : i32
    %dma_wait3A_105 = tpu.memref_slice %arg2[%dma_wait3A_103, %dma_wait3A_104] : memref<10240x128xf32, #tpu.memory_space<hbm>> -> memref<10240x128xf32, #tpu.memory_space<hbm>>
    tpu.wait_indirect_dma semaphore(%arg24 : memref<!tpu.dma_semaphore, #tpu.memory_space<semaphore_mem>>) src(%dma_wait3A_105 : memref<10240x128xf32, #tpu.memory_space<hbm>>) dst(%arg16 : memref<80x128xf32, #tpu.memory_space<vmem>>)
    %dma_start3A_106 = arith.constant 0 : i32
    %dma_start3A_107 = arith.constant 0 : i32
    %dma_start3A_108 = tpu.memref_slice %arg30[%dma_start3A_106, %dma_start3A_107] : memref<10240x128xf32, #tpu.memory_space<vmem_shared>> -> memref<10240x128xf32, #tpu.memory_space<vmem_shared>>
    tpu.enqueue_indirect_dma source(%arg16 : memref<80x128xf32, #tpu.memory_space<vmem>>) target(%dma_start3A_108 : memref<10240x128xf32, #tpu.memory_space<vmem_shared>>) offsets(%arg12 : memref<80xi32, #tpu.memory_space<vmem>>) semaphore(%arg28 : memref<!tpu.dma_semaphore, #tpu.memory_space<semaphore_mem>>) {add = true}
    %dma_wait3A_109 = arith.constant 0 : i32
    %dma_wait3A_110 = arith.constant 0 : i32
    %dma_wait3A_111 = tpu.memref_slice %arg2[%dma_wait3A_109, %dma_wait3A_110] : memref<10240x128xf32, #tpu.memory_space<hbm>> -> memref<10240x128xf32, #tpu.memory_space<hbm>>
    tpu.wait_indirect_dma semaphore(%arg25 : memref<!tpu.dma_semaphore, #tpu.memory_space<semaphore_mem>>) src(%dma_wait3A_111 : memref<10240x128xf32, #tpu.memory_space<hbm>>) dst(%arg17 : memref<80x128xf32, #tpu.memory_space<vmem>>)
    %dma_start3A_112 = arith.constant 0 : i32
    %dma_start3A_113 = arith.constant 0 : i32
    %dma_start3A_114 = tpu.memref_slice %arg30[%dma_start3A_112, %dma_start3A_113] : memref<10240x128xf32, #tpu.memory_space<vmem_shared>> -> memref<10240x128xf32, #tpu.memory_space<vmem_shared>>
    tpu.enqueue_indirect_dma source(%arg17 : memref<80x128xf32, #tpu.memory_space<vmem>>) target(%dma_start3A_114 : memref<10240x128xf32, #tpu.memory_space<vmem_shared>>) offsets(%arg13 : memref<80xi32, #tpu.memory_space<vmem>>) semaphore(%arg29 : memref<!tpu.dma_semaphore, #tpu.memory_space<semaphore_mem>>) {add = true}
    %dma_wait3A_115 = arith.constant 0 : i32
    %dma_wait3A_116 = arith.constant 0 : i32
    %dma_wait3A_117 = tpu.memref_slice %arg30[%dma_wait3A_115, %dma_wait3A_116] : memref<10240x128xf32, #tpu.memory_space<vmem_shared>> -> memref<10240x128xf32, #tpu.memory_space<vmem_shared>>
    tpu.wait_indirect_dma semaphore(%arg26 : memref<!tpu.dma_semaphore, #tpu.memory_space<semaphore_mem>>) src(%arg14 : memref<80x128xf32, #tpu.memory_space<vmem>>) dst(%dma_wait3A_117 : memref<10240x128xf32, #tpu.memory_space<vmem_shared>>)
    %dma_wait3A_118 = arith.constant 0 : i32
    %dma_wait3A_119 = arith.constant 0 : i32
    %dma_wait3A_120 = tpu.memref_slice %arg30[%dma_wait3A_118, %dma_wait3A_119] : memref<10240x128xf32, #tpu.memory_space<vmem_shared>> -> memref<10240x128xf32, #tpu.memory_space<vmem_shared>>
    tpu.wait_indirect_dma semaphore(%arg27 : memref<!tpu.dma_semaphore, #tpu.memory_space<semaphore_mem>>) src(%arg15 : memref<80x128xf32, #tpu.memory_space<vmem>>) dst(%dma_wait3A_120 : memref<10240x128xf32, #tpu.memory_space<vmem_shared>>)
    %dma_wait3A_121 = arith.constant 0 : i32
    %dma_wait3A_122 = arith.constant 0 : i32
    %dma_wait3A_123 = tpu.memref_slice %arg30[%dma_wait3A_121, %dma_wait3A_122] : memref<10240x128xf32, #tpu.memory_space<vmem_shared>> -> memref<10240x128xf32, #tpu.memory_space<vmem_shared>>
    tpu.wait_indirect_dma semaphore(%arg28 : memref<!tpu.dma_semaphore, #tpu.memory_space<semaphore_mem>>) src(%arg16 : memref<80x128xf32, #tpu.memory_space<vmem>>) dst(%dma_wait3A_123 : memref<10240x128xf32, #tpu.memory_space<vmem_shared>>)
    %dma_wait3A_124 = arith.constant 0 : i32
    %dma_wait3A_125 = arith.constant 0 : i32
    %dma_wait3A_126 = tpu.memref_slice %arg30[%dma_wait3A_124, %dma_wait3A_125] : memref<10240x128xf32, #tpu.memory_space<vmem_shared>> -> memref<10240x128xf32, #tpu.memory_space<vmem_shared>>
    tpu.wait_indirect_dma semaphore(%arg29 : memref<!tpu.dma_semaphore, #tpu.memory_space<semaphore_mem>>) src(%arg17 : memref<80x128xf32, #tpu.memory_space<vmem>>) dst(%dma_wait3A_126 : memref<10240x128xf32, #tpu.memory_space<vmem_shared>>)
    %add3A_127 = arith.constant 9920 : i32
    %add3A_128 = arith.addi %mul3A_2, %add3A_127 : i32
    %dma_start3A_129 = tpu.memref_slice %arg3[%add3A_128] : memref<320240xi32, #tpu.memory_space<hbm>> -> memref<80xi32, #tpu.memory_space<hbm>>
    %dma_start3A_130 = tpu.memref_slice %arg3[%add3A_128] : memref<320240xi32, #tpu.memory_space<hbm>> -> memref<80xi32, #tpu.memory_space<hbm>>
    tpu.enqueue_dma source(%dma_start3A_130 : memref<80xi32, #tpu.memory_space<hbm>>) target(%arg6 : memref<80xi32, #tpu.memory_space<vmem>>) target_semaphore(%arg18 : memref<!tpu.dma_semaphore, #tpu.memory_space<semaphore_mem>>)
    %add3A_131 = arith.constant 9920 : i32
    %add3A_132 = arith.addi %mul3A_2, %add3A_131 : i32
    %dma_start3A_133 = tpu.memref_slice %arg4[%add3A_132] : memref<320240xi32, #tpu.memory_space<hbm>> -> memref<80xi32, #tpu.memory_space<hbm>>
    %dma_start3A_134 = tpu.memref_slice %arg4[%add3A_132] : memref<320240xi32, #tpu.memory_space<hbm>> -> memref<80xi32, #tpu.memory_space<hbm>>
    tpu.enqueue_dma source(%dma_start3A_134 : memref<80xi32, #tpu.memory_space<hbm>>) target(%arg10 : memref<80xi32, #tpu.memory_space<vmem>>) target_semaphore(%arg18 : memref<!tpu.dma_semaphore, #tpu.memory_space<semaphore_mem>>)
    %dma_wait3A_135 = arith.constant 0 : i32
    %dma_wait3A_136 = tpu.memref_slice %arg3[%dma_wait3A_135] : memref<320240xi32, #tpu.memory_space<hbm>> -> memref<80xi32, #tpu.memory_space<hbm>>
    %dma_wait3A_137 = arith.constant 0 : i32
    %dma_wait3A_138 = tpu.memref_slice %arg3[%dma_wait3A_137] : memref<320240xi32, #tpu.memory_space<hbm>> -> memref<80xi32, #tpu.memory_space<hbm>>
    tpu.wait_dma2 semaphore(%arg18 : memref<!tpu.dma_semaphore, #tpu.memory_space<semaphore_mem>>) src(%dma_wait3A_138 : memref<80xi32, #tpu.memory_space<hbm>>) dst(%arg6 : memref<80xi32, #tpu.memory_space<vmem>>)
    %dma_wait3A_139 = arith.constant 0 : i32
    %dma_wait3A_140 = tpu.memref_slice %arg4[%dma_wait3A_139] : memref<320240xi32, #tpu.memory_space<hbm>> -> memref<80xi32, #tpu.memory_space<hbm>>
    %dma_wait3A_141 = arith.constant 0 : i32
    %dma_wait3A_142 = tpu.memref_slice %arg4[%dma_wait3A_141] : memref<320240xi32, #tpu.memory_space<hbm>> -> memref<80xi32, #tpu.memory_space<hbm>>
    tpu.wait_dma2 semaphore(%arg18 : memref<!tpu.dma_semaphore, #tpu.memory_space<semaphore_mem>>) src(%dma_wait3A_142 : memref<80xi32, #tpu.memory_space<hbm>>) dst(%arg10 : memref<80xi32, #tpu.memory_space<vmem>>)
    %dma_start3A_143 = arith.constant 0 : i32
    %dma_start3A_144 = arith.constant 0 : i32
    %dma_start3A_145 = tpu.memref_slice %arg2[%dma_start3A_143, %dma_start3A_144] : memref<10240x128xf32, #tpu.memory_space<hbm>> -> memref<10240x128xf32, #tpu.memory_space<hbm>>
    tpu.enqueue_indirect_dma source(%dma_start3A_145 : memref<10240x128xf32, #tpu.memory_space<hbm>>) target(%arg14 : memref<80x128xf32, #tpu.memory_space<vmem>>) offsets(%arg6 : memref<80xi32, #tpu.memory_space<vmem>>) semaphore(%arg22 : memref<!tpu.dma_semaphore, #tpu.memory_space<semaphore_mem>>)
    %dma_wait3A_146 = arith.constant 0 : i32
    %dma_wait3A_147 = arith.constant 0 : i32
    %dma_wait3A_148 = tpu.memref_slice %arg2[%dma_wait3A_146, %dma_wait3A_147] : memref<10240x128xf32, #tpu.memory_space<hbm>> -> memref<10240x128xf32, #tpu.memory_space<hbm>>
    tpu.wait_indirect_dma semaphore(%arg22 : memref<!tpu.dma_semaphore, #tpu.memory_space<semaphore_mem>>) src(%dma_wait3A_148 : memref<10240x128xf32, #tpu.memory_space<hbm>>) dst(%arg14 : memref<80x128xf32, #tpu.memory_space<vmem>>)
    %dma_start3A_149 = arith.constant 0 : i32
    %dma_start3A_150 = arith.constant 0 : i32
    %dma_start3A_151 = tpu.memref_slice %arg30[%dma_start3A_149, %dma_start3A_150] : memref<10240x128xf32, #tpu.memory_space<vmem_shared>> -> memref<10240x128xf32, #tpu.memory_space<vmem_shared>>
    tpu.enqueue_indirect_dma source(%arg14 : memref<80x128xf32, #tpu.memory_space<vmem>>) target(%dma_start3A_151 : memref<10240x128xf32, #tpu.memory_space<vmem_shared>>) offsets(%arg10 : memref<80xi32, #tpu.memory_space<vmem>>) semaphore(%arg26 : memref<!tpu.dma_semaphore, #tpu.memory_space<semaphore_mem>>) {add = true}
    %dma_wait3A_152 = arith.constant 0 : i32
    %dma_wait3A_153 = arith.constant 0 : i32
    %dma_wait3A_154 = tpu.memref_slice %arg30[%dma_wait3A_152, %dma_wait3A_153] : memref<10240x128xf32, #tpu.memory_space<vmem_shared>> -> memref<10240x128xf32, #tpu.memory_space<vmem_shared>>
    tpu.wait_indirect_dma semaphore(%arg26 : memref<!tpu.dma_semaphore, #tpu.memory_space<semaphore_mem>>) src(%arg14 : memref<80x128xf32, #tpu.memory_space<vmem>>) dst(%dma_wait3A_154 : memref<10240x128xf32, #tpu.memory_space<vmem_shared>>)
    %barrier3A_155 = arith.constant 0 : index
    tpu.barrier barrier_id(%barrier3A_155)
    %mul3A_156 = arith.constant 640 : i32
    %mul3A_157 = arith.muli %arg1, %mul3A_156 : i32
    %mul3A_158 = arith.constant 640 : i32
    %mul3A_159 = arith.muli %arg1, %mul3A_158 : i32
    "tpu.region"() ({
      %run_scoped3A = tpu.sem_alloc : memref<!tpu.dma_semaphore, #tpu.memory_space<semaphore_mem>>
      %dma_start3A_160 = arith.constant 0 : i32
      %dma_start3A_161 = tpu.memref_slice %arg5[%arg0, %mul3A_159, %dma_start3A_160] : memref<2x10240x128xf32, #tpu.memory_space<hbm>> -> memref<1x640x128xf32, #tpu.memory_space<hbm>>
      %dma_start3A_162 = tpu.memref_squeeze %dma_start3A_161 : memref<1x640x128xf32, #tpu.memory_space<hbm>> -> memref<640x128xf32, #tpu.memory_space<hbm>>
      %dma_start3A_163 = arith.constant 0 : i32
      %dma_start3A_164 = tpu.memref_slice %arg30[%mul3A_157, %dma_start3A_163] : memref<10240x128xf32, #tpu.memory_space<vmem_shared>> -> memref<640x128xf32, #tpu.memory_space<vmem_shared>>
      tpu.enqueue_dma source(%dma_start3A_164 : memref<640x128xf32, #tpu.memory_space<vmem_shared>>) target(%dma_start3A_162 : memref<640x128xf32, #tpu.memory_space<hbm>>) target_semaphore(%run_scoped3A : memref<!tpu.dma_semaphore, #tpu.memory_space<semaphore_mem>>)
      %dma_wait3A_165 = arith.constant 0 : i32
      %dma_wait3A_166 = tpu.memref_slice %arg5[%arg0, %mul3A_159, %dma_wait3A_165] : memref<2x10240x128xf32, #tpu.memory_space<hbm>> -> memref<1x640x128xf32, #tpu.memory_space<hbm>>
      %dma_wait3A_167 = tpu.memref_squeeze %dma_wait3A_166 : memref<1x640x128xf32, #tpu.memory_space<hbm>> -> memref<640x128xf32, #tpu.memory_space<hbm>>
      %dma_wait3A_168 = arith.constant 0 : i32
      %dma_wait3A_169 = tpu.memref_slice %arg30[%mul3A_157, %dma_wait3A_168] : memref<10240x128xf32, #tpu.memory_space<vmem_shared>> -> memref<640x128xf32, #tpu.memory_space<vmem_shared>>
      tpu.wait_dma2 semaphore(%run_scoped3A : memref<!tpu.dma_semaphore, #tpu.memory_space<semaphore_mem>>) src(%dma_wait3A_169 : memref<640x128xf32, #tpu.memory_space<vmem_shared>>) dst(%dma_wait3A_167 : memref<640x128xf32, #tpu.memory_space<hbm>>)
      tpu.yield
    }) : () -> ()
    return
  }
}

module attributes {stable_mosaic.version = 14 : i64} {
  func.func @body(%arg0: i32, %arg1: memref<1024x128xf32, #tpu.memory_space<vmem>>, %arg2: memref<128x128xf32, #tpu.memory_space<vmem>>, %arg3: memref<2x1024x1xf32, #tpu.memory_space<vmem>>, %arg4: memref<1024x128xf32, #tpu.memory_space<vmem>>) attributes {dimension_semantics = [#tpu.dimension_semantics<arbitrary>], iteration_bounds = array<i64: 10>, scalar_prefetch = 0 : i64, scratch_operands = 0 : i64, tpu.core_type = #tpu.core_type<tc>, window_params = [{transform_indices = @transform_0, window_bounds = array<i64: 1024, 128>}, {pipeline_mode = #tpu.pipeline_mode<synchronous>, transform_indices = @transform_1, window_bounds = array<i64: 128, 128>}, {transform_indices = @transform_2, window_bounds = array<i64: 2, 1024, 1>}, {transform_indices = @transform_3, window_bounds = array<i64: 1024, 128>}]} {
    %get3A = arith.constant 0 : index
    %get3A_0 = arith.constant 0 : index
    %get3A_1 = arith.constant 0 : index
    %get3A_2 = vector.load %arg3[%get3A, %get3A_0, %get3A_1] : memref<2x1024x1xf32, #tpu.memory_space<vmem>>, vector<2x1024x1xf32>
    %slice3A = vector.extract_strided_slice %get3A_2 {offsets = [0, 0, 0], sizes = [1, 1024, 1], strides = [1, 1, 1]} : vector<2x1024x1xf32> to vector<1x1024x1xf32>
    %squeeze3A = vector.shape_cast %slice3A : vector<1x1024x1xf32> to vector<1024x1xf32>
    %slice3A_3 = vector.extract_strided_slice %get3A_2 {offsets = [1, 0, 0], sizes = [1, 1024, 1], strides = [1, 1, 1]} : vector<2x1024x1xf32> to vector<1x1024x1xf32>
    %squeeze3A_4 = vector.shape_cast %slice3A_3 : vector<1x1024x1xf32> to vector<1024x1xf32>
    %add3A = arith.addf %squeeze3A, %squeeze3A_4 : vector<1024x1xf32>
    %gt3A = arith.constant 0.000000e+00 : f32
    %gt3A_5 = vector.broadcast %gt3A : f32 to vector<1024x1xf32>
    %gt3A_6 = arith.cmpf ogt, %add3A, %gt3A_5 : vector<1024x1xf32>
    %max3A = arith.constant 1.000000e+00 : f32
    %max3A_7 = vector.broadcast %max3A : f32 to vector<1024x1xf32>
    %max3A_8 = arith.maximumf %add3A, %max3A_7 : vector<1024x1xf32>
    %rsqrt3A = math.rsqrt %max3A_8 : vector<1024x1xf32>
    %jit3A = arith.constant 0.000000e+00 : f32
    %broadcast_in_dim3A = vector.broadcast %jit3A : f32 to vector<1024x1xf32>
    %select_n3A = arith.select %gt3A_6, %rsqrt3A, %broadcast_in_dim3A : vector<1024x1xi1>, vector<1024x1xf32>
    %get3A_9 = arith.constant 0 : index
    %get3A_10 = arith.constant 0 : index
    %get3A_11 = vector.load %arg1[%get3A_9, %get3A_10] : memref<1024x128xf32, #tpu.memory_space<vmem>>, vector<1024x128xf32>
    %mul3A = vector.broadcast %select_n3A : vector<1024x1xf32> to vector<1024x128xf32>
    %mul3A_12 = arith.mulf %get3A_11, %mul3A : vector<1024x128xf32>
    %get3A_13 = arith.constant 0 : index
    %get3A_14 = arith.constant 0 : index
    %get3A_15 = vector.load %arg2[%get3A_13, %get3A_14] : memref<128x128xf32, #tpu.memory_space<vmem>>, vector<128x128xf32>
    %dot_general3A = arith.constant dense<0.000000e+00> : vector<1024x128xf32>
    %dot_general3A_16 = tpu.matmul %mul3A_12, %get3A_15, %dot_general3A {dimension_numbers = #tpu.dot_dimension_numbers<[1], [0], [0], [1], [0, 0, 1, 1], [], []>, transpose_lhs_hint = false} : vector<1024x128xf32>, vector<128x128xf32>, vector<1024x128xf32> -> vector<1024x128xf32>
    %swap3A = arith.constant 0 : index
    %swap3A_17 = arith.constant 0 : index
    %swap3A_18 = vector.load %arg4[%swap3A, %swap3A_17] : memref<1024x128xf32, #tpu.memory_space<vmem>>, vector<1024x128xf32>
    tpu.vector_store %arg4[%swap3A, %swap3A_17], %dot_general3A_16 {strides = array<i32>} : memref<1024x128xf32, #tpu.memory_space<vmem>>, vector<1024x128xf32>,
    return
  }
  func.func @transform_0(%arg0: i32) -> (i32, i32) {
    %c0_i32 = arith.constant 0 : i32
    %c0_i32_0 = arith.constant 0 : i32
    return %arg0, %c0_i32 : i32, i32
  }
  func.func @transform_1(%arg0: i32) -> (i32, i32) {
    %c0_i32 = arith.constant 0 : i32
    %c0_i32_0 = arith.constant 0 : i32
    %c0_i32_1 = arith.constant 0 : i32
    return %c0_i32, %c0_i32_0 : i32, i32
  }
  func.func @transform_2(%arg0: i32) -> (i32, i32, i32) {
    %c0_i32 = arith.constant 0 : i32
    %c0_i32_0 = arith.constant 0 : i32
    %c0_i32_1 = arith.constant 0 : i32
    return %c0_i32, %arg0, %c0_i32_0 : i32, i32, i32
  }
  func.func @transform_3(%arg0: i32) -> (i32, i32) {
    %c0_i32 = arith.constant 0 : i32
    %c0_i32_0 = arith.constant 0 : i32
    return %arg0, %c0_i32 : i32, i32
  }
}

module attributes {stable_mosaic.version = 14 : i64} {
  func.func @body(%arg0: i32, %arg1: memref<2x1024x128xf32, #tpu.memory_space<vmem>>, %arg2: memref<2x1024x1xf32, #tpu.memory_space<vmem>>, %arg3: memref<2x1024x1xf32, #tpu.memory_space<vmem>>, %arg4: memref<1x128xf32, #tpu.memory_space<vmem>>, %arg5: memref<128x128xf32, #tpu.memory_space<vmem>>, %arg6: memref<1024x128xf32, #tpu.memory_space<vmem>>) attributes {dimension_semantics = [#tpu.dimension_semantics<arbitrary>], iteration_bounds = array<i64: 10>, scalar_prefetch = 0 : i64, scratch_operands = 0 : i64, tpu.core_type = #tpu.core_type<tc>, window_params = [{transform_indices = @transform_0, window_bounds = array<i64: 2, 1024, 128>}, {transform_indices = @transform_1, window_bounds = array<i64: 2, 1024, 1>}, {transform_indices = @transform_2, window_bounds = array<i64: 2, 1024, 1>}, {pipeline_mode = #tpu.pipeline_mode<synchronous>, transform_indices = @transform_3, window_bounds = array<i64: 1, 128>}, {pipeline_mode = #tpu.pipeline_mode<synchronous>, transform_indices = @transform_4, window_bounds = array<i64: 128, 128>}, {transform_indices = @transform_5, window_bounds = array<i64: 1024, 128>}]} {
    %get3A = arith.constant 0 : index
    %get3A_0 = arith.constant 0 : index
    %get3A_1 = arith.constant 0 : index
    %get3A_2 = vector.load %arg1[%get3A, %get3A_0, %get3A_1] : memref<2x1024x128xf32, #tpu.memory_space<vmem>>, vector<1x1024x128xf32>
    %get3A_3 = vector.shape_cast %get3A_2 : vector<1x1024x128xf32> to vector<1024x128xf32>
    %get3A_4 = arith.constant 1 : index
    %get3A_5 = arith.constant 0 : index
    %get3A_6 = arith.constant 0 : index
    %get3A_7 = vector.load %arg1[%get3A_4, %get3A_5, %get3A_6] : memref<2x1024x128xf32, #tpu.memory_space<vmem>>, vector<1x1024x128xf32>
    %get3A_8 = vector.shape_cast %get3A_7 : vector<1x1024x128xf32> to vector<1024x128xf32>
    %add3A = arith.addf %get3A_3, %get3A_8 : vector<1024x128xf32>
    %get3A_9 = arith.constant 0 : index
    %get3A_10 = arith.constant 0 : index
    %get3A_11 = arith.constant 0 : index
    %get3A_12 = vector.load %arg2[%get3A_9, %get3A_10, %get3A_11] : memref<2x1024x1xf32, #tpu.memory_space<vmem>>, vector<2x1024x1xf32>
    %slice3A = vector.extract_strided_slice %get3A_12 {offsets = [0, 0, 0], sizes = [1, 1024, 1], strides = [1, 1, 1]} : vector<2x1024x1xf32> to vector<1x1024x1xf32>
    %squeeze3A = vector.shape_cast %slice3A : vector<1x1024x1xf32> to vector<1024x1xf32>
    %slice3A_13 = vector.extract_strided_slice %get3A_12 {offsets = [1, 0, 0], sizes = [1, 1024, 1], strides = [1, 1, 1]} : vector<2x1024x1xf32> to vector<1x1024x1xf32>
    %squeeze3A_14 = vector.shape_cast %slice3A_13 : vector<1x1024x1xf32> to vector<1024x1xf32>
    %add3A_15 = arith.addf %squeeze3A, %squeeze3A_14 : vector<1024x1xf32>
    %gt3A = arith.constant 0.000000e+00 : f32
    %gt3A_16 = vector.broadcast %gt3A : f32 to vector<1024x1xf32>
    %gt3A_17 = arith.cmpf ogt, %add3A_15, %gt3A_16 : vector<1024x1xf32>
    %max3A = arith.constant 1.000000e+00 : f32
    %max3A_18 = vector.broadcast %max3A : f32 to vector<1024x1xf32>
    %max3A_19 = arith.maximumf %add3A_15, %max3A_18 : vector<1024x1xf32>
    %rsqrt3A = math.rsqrt %max3A_19 : vector<1024x1xf32>
    %jit3A = arith.constant 0.000000e+00 : f32
    %broadcast_in_dim3A = vector.broadcast %jit3A : f32 to vector<1024x1xf32>
    %select_n3A = arith.select %gt3A_17, %rsqrt3A, %broadcast_in_dim3A : vector<1024x1xi1>, vector<1024x1xf32>
    %mul3A = vector.broadcast %select_n3A : vector<1024x1xf32> to vector<1024x128xf32>
    %mul3A_20 = arith.mulf %add3A, %mul3A : vector<1024x128xf32>
    %get3A_21 = arith.constant 0 : index
    %get3A_22 = arith.constant 0 : index
    %get3A_23 = vector.load %arg4[%get3A_21, %get3A_22] : memref<1x128xf32, #tpu.memory_space<vmem>>, vector<1x128xf32>
    %add3A_24 = vector.broadcast %get3A_23 : vector<1x128xf32> to vector<1024x128xf32>
    %add3A_25 = arith.addf %mul3A_20, %add3A_24 : vector<1024x128xf32>
    %max3A_26 = arith.constant 0.000000e+00 : f32
    %max3A_27 = vector.broadcast %max3A_26 : f32 to vector<1024x128xf32>
    %max3A_28 = arith.maximumf %add3A_25, %max3A_27 : vector<1024x128xf32>
    %get3A_29 = arith.constant 0 : index
    %get3A_30 = arith.constant 0 : index
    %get3A_31 = arith.constant 0 : index
    %get3A_32 = vector.load %arg3[%get3A_29, %get3A_30, %get3A_31] : memref<2x1024x1xf32, #tpu.memory_space<vmem>>, vector<2x1024x1xf32>
    %slice3A_33 = vector.extract_strided_slice %get3A_32 {offsets = [0, 0, 0], sizes = [1, 1024, 1], strides = [1, 1, 1]} : vector<2x1024x1xf32> to vector<1x1024x1xf32>
    %squeeze3A_34 = vector.shape_cast %slice3A_33 : vector<1x1024x1xf32> to vector<1024x1xf32>
    %slice3A_35 = vector.extract_strided_slice %get3A_32 {offsets = [1, 0, 0], sizes = [1, 1024, 1], strides = [1, 1, 1]} : vector<2x1024x1xf32> to vector<1x1024x1xf32>
    %squeeze3A_36 = vector.shape_cast %slice3A_35 : vector<1x1024x1xf32> to vector<1024x1xf32>
    %add3A_37 = arith.addf %squeeze3A_34, %squeeze3A_36 : vector<1024x1xf32>
    %gt3A_38 = arith.constant 0.000000e+00 : f32
    %gt3A_39 = vector.broadcast %gt3A_38 : f32 to vector<1024x1xf32>
    %gt3A_40 = arith.cmpf ogt, %add3A_37, %gt3A_39 : vector<1024x1xf32>
    %max3A_41 = arith.constant 1.000000e+00 : f32
    %max3A_42 = vector.broadcast %max3A_41 : f32 to vector<1024x1xf32>
    %max3A_43 = arith.maximumf %add3A_37, %max3A_42 : vector<1024x1xf32>
    %rsqrt3A_44 = math.rsqrt %max3A_43 : vector<1024x1xf32>
    %jit3A_45 = arith.constant 0.000000e+00 : f32
    %broadcast_in_dim3A_46 = vector.broadcast %jit3A_45 : f32 to vector<1024x1xf32>
    %select_n3A_47 = arith.select %gt3A_40, %rsqrt3A_44, %broadcast_in_dim3A_46 : vector<1024x1xi1>, vector<1024x1xf32>
    %mul3A_48 = vector.broadcast %select_n3A_47 : vector<1024x1xf32> to vector<1024x128xf32>
    %mul3A_49 = arith.mulf %max3A_28, %mul3A_48 : vector<1024x128xf32>
    %get3A_50 = arith.constant 0 : index
    %get3A_51 = arith.constant 0 : index
    %get3A_52 = vector.load %arg5[%get3A_50, %get3A_51] : memref<128x128xf32, #tpu.memory_space<vmem>>, vector<128x128xf32>
    %dot_general3A = arith.constant dense<0.000000e+00> : vector<1024x128xf32>
    %dot_general3A_53 = tpu.matmul %mul3A_49, %get3A_52, %dot_general3A {dimension_numbers = #tpu.dot_dimension_numbers<[1], [0], [0], [1], [0, 0, 1, 1], [], []>, transpose_lhs_hint = false} : vector<1024x128xf32>, vector<128x128xf32>, vector<1024x128xf32> -> vector<1024x128xf32>
    %swap3A = arith.constant 0 : index
    %swap3A_54 = arith.constant 0 : index
    %swap3A_55 = vector.load %arg6[%swap3A, %swap3A_54] : memref<1024x128xf32, #tpu.memory_space<vmem>>, vector<1024x128xf32>
    tpu.vector_store %arg6[%swap3A, %swap3A_54], %dot_general3A_53 {strides = array<i32>} : memref<1024x128xf32, #tpu.memory_space<vmem>>, vector<1024x128xf32>,
    return
  }
  func.func @transform_0(%arg0: i32) -> (i32, i32, i32) {
    %c0_i32 = arith.constant 0 : i32
    %c0_i32_0 = arith.constant 0 : i32
    %c0_i32_1 = arith.constant 0 : i32
    return %c0_i32, %arg0, %c0_i32_0 : i32, i32, i32
  }
  func.func @transform_1(%arg0: i32) -> (i32, i32, i32) {
    %c0_i32 = arith.constant 0 : i32
    %c0_i32_0 = arith.constant 0 : i32
    %c0_i32_1 = arith.constant 0 : i32
    return %c0_i32, %arg0, %c0_i32_0 : i32, i32, i32
  }
  func.func @transform_2(%arg0: i32) -> (i32, i32, i32) {
    %c0_i32 = arith.constant 0 : i32
    %c0_i32_0 = arith.constant 0 : i32
    %c0_i32_1 = arith.constant 0 : i32
    return %c0_i32, %arg0, %c0_i32_0 : i32, i32, i32
  }
  func.func @transform_3(%arg0: i32) -> (i32, i32) {
    %c0_i32 = arith.constant 0 : i32
    %c0_i32_0 = arith.constant 0 : i32
    %c0_i32_1 = arith.constant 0 : i32
    return %c0_i32, %c0_i32_0 : i32, i32
  }
  func.func @transform_4(%arg0: i32) -> (i32, i32) {
    %c0_i32 = arith.constant 0 : i32
    %c0_i32_0 = arith.constant 0 : i32
    %c0_i32_1 = arith.constant 0 : i32
    return %c0_i32, %c0_i32_0 : i32, i32
  }
  func.func @transform_5(%arg0: i32) -> (i32, i32) {
    %c0_i32 = arith.constant 0 : i32
    %c0_i32_0 = arith.constant 0 : i32
    return %arg0, %c0_i32 : i32, i32
  }
}

module attributes {stable_mosaic.version = 14 : i64} {
  func.func @body(%arg0: i32, %arg1: memref<2x1024x128xf32, #tpu.memory_space<vmem>>, %arg2: memref<2x1024x1xf32, #tpu.memory_space<vmem>>, %arg3: memref<1x128xf32, #tpu.memory_space<vmem>>, %arg4: memref<1024x128xf32, #tpu.memory_space<vmem>>) attributes {dimension_semantics = [#tpu.dimension_semantics<arbitrary>], iteration_bounds = array<i64: 10>, scalar_prefetch = 0 : i64, scratch_operands = 0 : i64, tpu.core_type = #tpu.core_type<tc>, window_params = [{transform_indices = @transform_0, window_bounds = array<i64: 2, 1024, 128>}, {transform_indices = @transform_1, window_bounds = array<i64: 2, 1024, 1>}, {pipeline_mode = #tpu.pipeline_mode<synchronous>, transform_indices = @transform_2, window_bounds = array<i64: 1, 128>}, {transform_indices = @transform_3, window_bounds = array<i64: 1024, 128>}]} {
    %get3A = arith.constant 0 : index
    %get3A_0 = arith.constant 0 : index
    %get3A_1 = arith.constant 0 : index
    %get3A_2 = vector.load %arg1[%get3A, %get3A_0, %get3A_1] : memref<2x1024x128xf32, #tpu.memory_space<vmem>>, vector<1x1024x128xf32>
    %get3A_3 = vector.shape_cast %get3A_2 : vector<1x1024x128xf32> to vector<1024x128xf32>
    %get3A_4 = arith.constant 1 : index
    %get3A_5 = arith.constant 0 : index
    %get3A_6 = arith.constant 0 : index
    %get3A_7 = vector.load %arg1[%get3A_4, %get3A_5, %get3A_6] : memref<2x1024x128xf32, #tpu.memory_space<vmem>>, vector<1x1024x128xf32>
    %get3A_8 = vector.shape_cast %get3A_7 : vector<1x1024x128xf32> to vector<1024x128xf32>
    %add3A = arith.addf %get3A_3, %get3A_8 : vector<1024x128xf32>
    %get3A_9 = arith.constant 0 : index
    %get3A_10 = arith.constant 0 : index
    %get3A_11 = arith.constant 0 : index
    %get3A_12 = vector.load %arg2[%get3A_9, %get3A_10, %get3A_11] : memref<2x1024x1xf32, #tpu.memory_space<vmem>>, vector<2x1024x1xf32>
    %slice3A = vector.extract_strided_slice %get3A_12 {offsets = [0, 0, 0], sizes = [1, 1024, 1], strides = [1, 1, 1]} : vector<2x1024x1xf32> to vector<1x1024x1xf32>
    %squeeze3A = vector.shape_cast %slice3A : vector<1x1024x1xf32> to vector<1024x1xf32>
    %slice3A_13 = vector.extract_strided_slice %get3A_12 {offsets = [1, 0, 0], sizes = [1, 1024, 1], strides = [1, 1, 1]} : vector<2x1024x1xf32> to vector<1x1024x1xf32>
    %squeeze3A_14 = vector.shape_cast %slice3A_13 : vector<1x1024x1xf32> to vector<1024x1xf32>
    %add3A_15 = arith.addf %squeeze3A, %squeeze3A_14 : vector<1024x1xf32>
    %gt3A = arith.constant 0.000000e+00 : f32
    %gt3A_16 = vector.broadcast %gt3A : f32 to vector<1024x1xf32>
    %gt3A_17 = arith.cmpf ogt, %add3A_15, %gt3A_16 : vector<1024x1xf32>
    %max3A = arith.constant 1.000000e+00 : f32
    %max3A_18 = vector.broadcast %max3A : f32 to vector<1024x1xf32>
    %max3A_19 = arith.maximumf %add3A_15, %max3A_18 : vector<1024x1xf32>
    %rsqrt3A = math.rsqrt %max3A_19 : vector<1024x1xf32>
    %jit3A = arith.constant 0.000000e+00 : f32
    %broadcast_in_dim3A = vector.broadcast %jit3A : f32 to vector<1024x1xf32>
    %select_n3A = arith.select %gt3A_17, %rsqrt3A, %broadcast_in_dim3A : vector<1024x1xi1>, vector<1024x1xf32>
    %mul3A = vector.broadcast %select_n3A : vector<1024x1xf32> to vector<1024x128xf32>
    %mul3A_20 = arith.mulf %add3A, %mul3A : vector<1024x128xf32>
    %get3A_21 = arith.constant 0 : index
    %get3A_22 = arith.constant 0 : index
    %get3A_23 = vector.load %arg3[%get3A_21, %get3A_22] : memref<1x128xf32, #tpu.memory_space<vmem>>, vector<1x128xf32>
    %add3A_24 = vector.broadcast %get3A_23 : vector<1x128xf32> to vector<1024x128xf32>
    %add3A_25 = arith.addf %mul3A_20, %add3A_24 : vector<1024x128xf32>
    %max3A_26 = arith.constant 0.000000e+00 : f32
    %max3A_27 = vector.broadcast %max3A_26 : f32 to vector<1024x128xf32>
    %max3A_28 = arith.maximumf %add3A_25, %max3A_27 : vector<1024x128xf32>
    %swap3A = arith.constant 0 : index
    %swap3A_29 = arith.constant 0 : index
    %swap3A_30 = vector.load %arg4[%swap3A, %swap3A_29] : memref<1024x128xf32, #tpu.memory_space<vmem>>, vector<1024x128xf32>
    tpu.vector_store %arg4[%swap3A, %swap3A_29], %max3A_28 {strides = array<i32>} : memref<1024x128xf32, #tpu.memory_space<vmem>>, vector<1024x128xf32>,
    return
  }
  func.func @transform_0(%arg0: i32) -> (i32, i32, i32) {
    %c0_i32 = arith.constant 0 : i32
    %c0_i32_0 = arith.constant 0 : i32
    %c0_i32_1 = arith.constant 0 : i32
    return %c0_i32, %arg0, %c0_i32_0 : i32, i32, i32
  }
  func.func @transform_1(%arg0: i32) -> (i32, i32, i32) {
    %c0_i32 = arith.constant 0 : i32
    %c0_i32_0 = arith.constant 0 : i32
    %c0_i32_1 = arith.constant 0 : i32
    return %c0_i32, %arg0, %c0_i32_0 : i32, i32, i32
  }
  func.func @transform_2(%arg0: i32) -> (i32, i32) {
    %c0_i32 = arith.constant 0 : i32
    %c0_i32_0 = arith.constant 0 : i32
    %c0_i32_1 = arith.constant 0 : i32
    return %c0_i32, %c0_i32_0 : i32, i32
  }
  func.func @transform_3(%arg0: i32) -> (i32, i32) {
    %c0_i32 = arith.constant 0 : i32
    %c0_i32_0 = arith.constant 0 : i32
    return %arg0, %c0_i32 : i32, i32
  }
}

</mosaic_0001>

<sc_bundles>
// kernel: kernel.11.cloned.1.call-start
scs
__scs_entry_jumppad:
0x0: {  	(pc) =	sbr.rel $0x88, $3  }
0x1: {  	(tag) =	ssettag $0x0;
	lr =	simm.s32 $0x1  }
0x2: {  	[smem:$0x3F9B] =	sst lr;
	_ =	strace $0xD0000000  }
0x3: {  	_ = 	snop  }
0x4: {  	_ = 	snop  }
0x5: {  	_ = 	snop  }
0x6: {  	_ = 	snop  }
0x7: {  	_ = 	snop  }
__scs_overlays_trampoline_lowered:
0x8: {  	[smem:$0x3FAA] =	sst s0  }
0x9: {  	[smem:$0x3FAB] =	sst s1  }
0xa: {  	[smem:$0x3FAC] =	sst s2  }
0xb: {  	[smem:$0x3FAD] =	sst s3  }
0xc: {  	[smem:$0x3FAE] =	sst s4  }
0xd: {  	[smem:$0x3FAF] =	sst s5  }
0xe: {  	[smem:$0x3FB0] =	sst s6  }
0xf: {  	[smem:$0x3FB1] =	sst s7  }
0x10: {  	[smem:$0x3FB2] =	sst s8  }
0x11: {  	[smem:$0x3FB3] =	sst s9;
	s0 =	simm.s32 @!p0 $0x0  }
0x12: {  	s1 =	sld [smem:$0x3F99];
	s0 =	simm.s32 @p0 $0x1  }
0x13: {  	[smem:$0x3FB4] =	sst s0;
	s0 =	simm.s32 @!p1 $0x0  }
0x14: {  	s2 =	sld [smem:$0x3F98];
	s0 =	simm.s32 @p1 $0x1  }
0x15: {  	[smem:$0x3FB5] =	sst s0;
	s0 =	simm.s32 @!p2 $0x0  }
0x16: {  	s3 =	sld [smem:$0x3FDB];
	s0 =	simm.s32 @p2 $0x1  }
0x17: {  	s4 =	simm.s32 $0x1BF5;
	[smem:$0x3FB7] =	sst s0  }
0x18: {  	s0 =	sld [smem:$0x3F9A];
	_ =	swait.ge [sflag:s4], $0x0  }
0x19: {  	s7 =	sld [smem:$0x3F9B]  }
0x1a: {  	s8 =	sadd.s32 $0xFFFFE003, lr  }
0x1b: {  	s9 =	sadd.s32 $0xFFFFFEF7, lr;
	s5 =	simm.s32 $0xFFFFFFFF;
	p2 =	slt.u32 s8, $0xFFFFF086  }
0x1c: {  	p1 =	slt.u32 s9, $0xF7A;
	s5 =	simm.s32 @!p2 $0x0  }
0x1d: {  	s5 =	simm.s32 @p1 $0x1;
	p0 =	seq.s32 s7, s2  }
0x1e: {  	s7 =	smul.u32 @!p0 $0xF7A, s2;
	p2 =	seq.s32 @!p0 s5, $0x0  }
0x1f: {  	s9 =	smul.u32 $0xF7A, s1;
	s8 =	simm.s32 @!p0 $0x1BF5;
	p2 =	por !p2, p0  }
0x20: {  	[sflag:s8] =	ssyncset.s32 @!p0 $0xFFFFF086;
	s6 =	sadd.s32 @!p0 s3, s7;
	s7 =	simm.s32 @!p0 $0x108  }
0x21: {  	s3 =	sadd.s32 s3, s9;
	s6 =	sadd.s32 @!p0 $0x88, s6;
	s7 =	simm.s32 @p2 $0x1082  }
0x22: {  	[simem:s7], [sflag:s8] =	dma.local @!p0 [hbm:s6], $0xF7A  }
0x23: {  	s9 =	sor.u32 $0xD0000000, s2;
	s6 =	simm.s32 $0x108;
	_ =	swait.ge @!p0 [sflag:s8], $0x0  }
0x24: {  	s3 =	sadd.s32 $0x88, s3;
	s6 =	simm.s32 @!p1 $0x1082;
	[sflag:s4] =	ssyncset.s32 $0xFFFFF086  }
0x25: {  	[simem:s6], [sflag:s4] =	dma.local [hbm:s3], $0xF7A  }
0x26: {  	[smem:$0x3F9B] =	sst s1;
	(tag) =	ssettag s2;
	_ =	strace s9  }
0x27: {  	s1 =	sld [smem:$0x3FAB]  }
0x28: {  	s2 =	sld [smem:$0x3FAC]  }
0x29: {  	s4 =	sld [smem:$0x3FAE]  }
0x2a: {  	p0 =	seq.s32 s5, $0x0;
	s5 =	sld [smem:$0x3FAF]  }
0x2b: {  	s6 =	sld [smem:$0x3FB0]  }
0x2c: {  	s7 =	sld [smem:$0x3FB1]  }
0x2d: {  	s3 =	simm.s32 $0x108;
	s8 =	sld [smem:$0x3FB2]  }
0x2e: {  	s3 =	simm.s32 @!p0 $0x1082;
	s9 =	sld [smem:$0x3FB3]  }
0x2f: {  	lr =	sadd.s32 s0, s3;
	s0 =	sld [smem:$0x3FAA]  }
0x30: {  	s3 =	sld [smem:$0x3FAD]  }
0x31: {  	[smem:$0x3FB6] =	sst s10  }
0x32: {  	s10 =	sld [smem:$0x3FB4];
	_ =	sdelay $0x3  }
0x33: {  	p0 =	seq.s32 s10, $0x1;
	s10 =	sld [smem:$0x3FB6];
	_ =	sdelay $0x3  }
0x34: {  	[smem:$0x3FB6] =	sst s10  }
0x35: {  	s10 =	sld [smem:$0x3FB5];
	_ =	sdelay $0x3  }
0x36: {  	p1 =	seq.s32 s10, $0x1;
	s10 =	sld [smem:$0x3FB6];
	_ =	sdelay $0x3  }
0x37: {  	[smem:$0x3FB6] =	sst s10  }
0x38: {  	s10 =	sld [smem:$0x3FB7]  }
0x39: {  	_ = 	snop;
	(pc) =	sbr.ind lr, $3  }
0x3a: {  	_ = 	snop  }
0x3b: {  	_ = 	snop  }
0x3c: {  	p2 =	seq.s32 s10, $0x1;
	s10 =	sld [smem:$0x3FB6]  }
0x3d: {  	_ =	shalt  }
0x3e: {  	_ =	shalt  }
0x3f: {  	_ =	shalt  }
0x40: {  	_ =	shalt  }
0x41: {  	_ =	shalt  }
0x42: {  	_ =	shalt  }
0x43: {  	_ =	shalt  }
0x44: {  	_ =	shalt  }
0x45: {  	_ =	shalt  }
0x46: {  	_ =	shalt  }
0x47: {  	_ =	shalt  }
0x48: {  	_ =	shalt  }
0x49: {  	_ =	shalt  }
0x4a: {  	_ =	shalt  }
0x4b: {  	_ =	shalt  }
0x4c: {  	_ =	shalt  }
0x4d: {  	_ =	shalt  }
0x4e: {  	_ =	shalt  }
0x4f: {  	_ =	shalt  }
0x50: {  	_ =	shalt  }
0x51: {  	_ =	shalt  }
0x52: {  	_ =	shalt  }
0x53: {  	_ =	shalt  }
0x54: {  	_ =	shalt  }
0x55: {  	_ =	shalt  }
0x56: {  	_ =	shalt  }
0x57: {  	_ =	shalt  }
0x58: {  	_ =	shalt  }
0x59: {  	_ =	shalt  }
0x5a: {  	_ =	shalt  }
0x5b: {  	_ =	shalt  }
0x5c: {  	_ =	shalt  }
0x5d: {  	_ =	shalt  }
0x5e: {  	_ =	shalt  }
0x5f: {  	_ =	shalt  }
0x60: {  	_ =	shalt  }
0x61: {  	_ =	shalt  }
0x62: {  	_ =	shalt  }
0x63: {  	_ =	shalt  }
0x64: {  	_ =	shalt  }
0x65: {  	_ =	shalt  }
0x66: {  	_ =	shalt  }
0x67: {  	_ =	shalt  }
0x68: {  	_ =	shalt  }
0x69: {  	_ =	shalt  }
0x6a: {  	_ =	shalt  }
0x6b: {  	_ =	shalt  }
0x6c: {  	_ =	shalt  }
0x6d: {  	_ =	shalt  }
0x6e: {  	_ =	shalt  }
0x6f: {  	_ =	shalt  }
0x70: {  	_ =	shalt  }
0x71: {  	_ =	shalt  }
0x72: {  	_ =	shalt  }
0x73: {  	_ =	shalt  }
0x74: {  	_ =	shalt  }
0x75: {  	_ =	shalt  }
0x76: {  	_ =	shalt  }
0x77: {  	_ =	shalt  }
0x78: {  	_ =	shalt  }
0x79: {  	_ =	shalt  }
0x7a: {  	_ =	shalt  }
0x7b: {  	_ =	shalt  }
0x7c: {  	_ =	shalt  }
0x7d: {  	_ =	shalt  }
0x7e: {  	_ =	shalt  }
0x7f: {  	_ =	shalt  }
0x80: {  	_ =	shalt  }
0x81: {  	_ =	shalt  }
0x82: {  	_ =	shalt  }
0x83: {  	_ =	shalt  }
0x84: {  	_ =	shalt  }
0x85: {  	_ =	shalt  }
0x86: {  	_ =	shalt  }
0x87: {  	_ =	shalt  }
.Lfunc_end0:
.L_simem_size_0:
called_computation.1_lowered:
.L_overlay_start_0:
0x88: {  	s2 =	sld [smem:$0x3FD9]  }
0x89: {  	s3 =	sld [smem:$0x3FFE];
	_ =	sdelay $0x1  }
0x8a: {  	s1 =	srdreg.scid  }
0x8b: {  	s0 =	sand.u32 $0x1, s1  }
0x8c: {  	s16 =	sshll.u32 s0, $0xA;
	s2 =	sadd.s32 s3, s2  }
0x8d: {  	s2 =	sadd.s32 s2, s16  }
0x8e: {  	[smem:$0x3FC2] =	sst s2  }
0x8f: {  	_ = 	snop  }
0x90: {  	(tm) =	ssettm $0x1  }
0x91: {  	s17 =	sld [smem:$0x3FFB];
	_ =	sdelay $0x3  }
0x92: {  	_ =	strace s17  }
0x93: {  	s2 =	sld [smem:$0x3FFC];
	_ =	sdelay $0x3  }
0x94: {  	_ =	strace s2  }
0x95: {  	s2 =	sld [smem:$0x3FFD];
	_ =	sdelay $0x3  }
0x96: {  	_ =	strace s2  }
0x97: {  	_ =	strace $0x8FFFFFFF  }
0x98: {  	s18 =	sld [smem:$0x3FDB];
	_ =	sdelay $0x1  }
0x99: {  	s19 =	simm.s32 $_scs_section_size  }
0x9a: {  	s4 =	simm.s32 $_size__tile_overlayer_lowered;
	s5 =	simm.s32 $_tile_overlayer_lowered  }
0x9b: {  	s22 =	simm.s32 $0x1BFF;
	s21 =	sshll.u32 s5, $0x1;
	s2 =	sadd.s32 s19, s18  }
0x9c: {  	s6 =	simm.s32 $0x0;
	s20 =	sshll.u32 s4, $0x1;
	s4 =	sadd.s32 s21, s2  }
0x9d: {  	[timem:s6], [sflag:s22] =	dma.local [hbm:s4], s20  }
0x9e: {  	_ =	swait.ge [sflag:s22], s20  }
0x9f: {  	s3 =	ssub.s32 $0x0, s20;
	[sflag:s22] =	ssyncset.done $0x0  }
0xa0: {  	[sflag:s22] =	ssyncadd.s32 s3;
	_ =	sdelay $0x1  }
0xa1: {  	s23 =	simm.s32 $0x1B8B  }
0xa2: {  	_ =	swait.ge [sflag:s23], $0x1  }
0xa3: {  	[sflag:s23] =	ssyncset.done $0x0  }
0xa4: {  	s25 =	simm.s32 $0x1B8E;
	s24 =	sld [smem:$0x3FFE];
	[sflag:s23] =	ssyncadd.s32 $0xFFFFFFFF  }
0xa5: {  	s26 =	simm.s32 $execute0_lowered;
	[smem:$0x3FD2] =	sst s25  }
0xa6: {  	s4 =	sshll.u32 s26, $0x1;
	_ =	strace $0x80000049;
	[dreg:$0x1] =	wrdreg $0xFFFFFFFF  }
0xa7: {  	s28 =	simm.s32 $_size_execute0_lowered;
	s2 =	sadd.s32 s2, s4;
	[dreg:$0x0] =	wrdreg $0x0  }
0xa8: {  	s4 =	sshll.u32 s28, $0x1;
	[dreg:$0x2] =	wrdreg s2  }
0xa9: {  	[dreg:$0x3] =	wrdreg s4  }
0xaa: {  	[dreg:$0x4] =	wrdreg $0xC0  }
0xab: {  	_ =	task [dreg:s6], $0x5FFFF  }
0xac: {  	[dreg:$0x1] =	wrdreg $0xFFFFFFFF  }
0xad: {  	[dreg:$0x0] =	wrdreg $0x60  }
0xae: {  	[dreg:$0x2] =	wrdreg s24  }
0xaf: {  	[dreg:$0x3] =	wrdreg $0xA4000  }
0xb0: {  	[dreg:$0x4] =	wrdreg $0x9  }
0xb1: {  	_ =	task.clear_ibuf [dreg:s6], $0x5FFFF;
	_ =	strace $0x90000049  }
0xb2: {  	s29 =	simm.s32 $0x9;
	_ =	strace $0x8000004B  }
0xb3: {  	_ =	swait.ge [sflag:s29], $0x1  }
0xb4: {  	[sflag:s29] =	ssyncadd.s32 $0xFFFFFFFF  }
0xb5: {  	_ =	strace $0x9000004B  }
0xb6: {  	_ =	sfence  }
0xb7: {  	s30 =	sld [smem:$0x0];
	_ =	sdelay $0x2  }
0xb8: {  	s31 =	sshll.u32 s1, $0xD;
	s1 =	sshrl.u32 s1, $0x2  }
0xb9: {  	s3 =	sand.u32 $0x4000, s31;
	s1 =	sadd.s32 s1, s30  }
0xba: {  	s0 =	sor.u32 s3, s0;
	s1 =	sshll.u32 s1, $0x11  }
0xbb: {  	s0 =	sor.u32 s1, s0  }
0xbc: {  	s0 =	sadd.s32 $0x8F2B, s0  }
0xbd: {  	[sflag:s0] =	ssyncadd.remote.s32 $0x1  }
0xbe: {  	_ =	sfence.sel $0xFFFF  }
0xbf: {  	[dreg:$0x0] =	wrdreg $0xFFFFFFFF;
	(pc) =	sbr.abs _section_cstart, $3  }
0xc0: {  	[dreg:$0x1] =	wrdreg $0xFFFFFFFF  }
0xc1: {  	_ =	task.clear_ibuf [dreg:s6], $0x2FFFF;
	_ =	strace $0x9FFFFFFF  }
0xc2: {  	(tm) =	ssettm $0x7FFFFFFF  }
0xc3: {  	_ =	shalt  }
tec
execute0_lowered:
.L_overlay_start_1:
0x0: {  	(tag) =	ssettag $0x1  }
0x1: {  	s0 =	rddreg [dreg:$0x0];
	s10 =	stileid.u32  }
0x2: {  	s1 =	rddreg [dreg:$0x1];
	s6 =	smul.u32 $0x14000, s10  }
0x3: {  	s2 =	srdreg.scid;
	s3 =	simm.s32 $0x0;
	s23 =	smul.u32 $0x4E20, s10  }
0x4: {  	s2 =	sand.u32 $0x1, s2;
	s7 =	sshll.u32 s10, $0x1;
	s10 =	smul.u32 $0x50000, s10  }
0x5: {  	[smem:$0x7FF] =	sst s3;
	s4 =	sadd.s32 $0x77400, s0;
	s5 =	smul.u32 $0x140000, s2  }
0x6: {  	s7 =	sor.u32 s2, s7;
	s8 =	ssub.s32 $0x2, s2;
	s2 =	smul.u32 $0x2710, s2  }
0x7: {  	s29 =	sadd.s32 $0x13800, s0;
	_ =	strace $0x8000004A;
	s7 =	smul.u32 $0x2710, s7  }
0x8: {  	s17 =	sshrl.u32 s8, $0x1;
	s26 =	sshrl.u32 s10, $0x2;
	s5 =	sadd.s32 s6, s5  }
0x9: {  	s6 =	sadd.s32 $0x1D600, s0;
	s2 =	sadd.s32 s2, s23;
	s30 =	sadd.s32 s26, s1  }
0xa: {  	s5 =	sshrl.u32 s5, $0x3;
	s23 =	sadd.s32 $0xC800, s30;
	[dreg:$0x14] =	wrdreg s30  }
0xb: {  	s7 =	sshrl.u32 s7, $0x3;
	s26 =	sadd.s32 $0x11800, s30;
	[dreg:$0x1a] =	wrdreg s23  }
0xc: {  	s0 =	sadd.s32 s5, s0;
	s18 =	sadd.s32 s29, s7;
	[dreg:$0x1d] =	wrdreg s26  }
0xd: {  	s5 =	ssub.s32 s8, s17;
	s9 =	sadd.s32 s6, s7;
	[dreg:$0x9] =	wrdreg s18  }
0xe: {  	s19 =	sadd.s32 $0xA, s7;
	s17 =	sadd.s32 $0x2800, s30;
	[dreg:$0xa] =	wrdreg s9  }
0xf: {  	s31 =	simm.s32 $0x400;
	s20 =	sadd.s32 s29, s19;
	[dreg:$0x16] =	wrdreg s17  }
0x10: {  	s21 =	sadd.s32 $0x14, s7;
	s8 =	sadd.s32 s6, s19;
	[dreg:$0xb] =	wrdreg s20  }
0x11: {  	s28 =	simm.s32 $0xA;
	s22 =	sadd.s32 s29, s21;
	[dreg:$0xc] =	wrdreg s8  }
0x12: {  	s24 =	sadd.s32 $0x1E, s7;
	s9 =	sadd.s32 s6, s21;
	[dreg:$0xd] =	wrdreg s22  }
0x13: {  	s7 =	sadd.s32 $0x4D8, s7;
	s11 =	sadd.s32 s29, s24;
	[dreg:$0xe] =	wrdreg s9  }
0x14: {  	s14 =	sadd.s32 $0x190, s2;
	s25 =	sadd.s32 s29, s7;
	[dreg:$0xf] =	wrdreg s11  }
0x15: {  	s16 =	sshrl.u32 s14, $0x3;
	s7 =	sadd.s32 s6, s7;
	[dreg:$0x11] =	wrdreg s25  }
0x16: {  	s26 =	simm.s32 $0x9;
	s0 =	sadd.s32 $0x9F400, s0;
	[dreg:$0x12] =	wrdreg s7  }
0x17: {  	s5 =	smax.u32 s5, $0x1;
	s18 =	sadd.s32 s16, s6;
	[dreg:$0x13] =	wrdreg s0  }
0x18: {  	s19 =	sadd.s32 $0x5000, s30;
	s21 =	sadd.s32 $0x7800, s30;
	[dreg:$0x15] =	wrdreg s5  }
0x19: {  	s17 =	simm.s32 $0x4;
	s9 =	sadd.s32 s6, s24;
	[dreg:$0x17] =	wrdreg s19  }
0x1a: {  	s8 =	sadd.s32 $0x230, s2;
	s11 =	sadd.s32 $0x1E0, s2;
	[dreg:$0x7] =	wrdreg s18  }
0x1b: {  	s20 =	sadd.s32 s16, s29;
	[dreg:$0x18] =	wrdreg s21;
	s22 =	sadd.s32 $0xA000, s30  }
0x1c: {  	s24 =	sadd.s32 $0x140, s2;
	s25 =	sadd.s32 $0xF000, s30;
	[dreg:$0x10] =	wrdreg s9  }
0x1d: {  	s21 =	simm.s32 $0x6;
	s2 =	simm.s32 $0x0;
	[dreg:$0x19] =	wrdreg s22  }
0x1e: {  	s19 =	simm.s32 $0x7;
	s16 =	simm.s32 $0xC;
	[dreg:$0x8] =	wrdreg s20  }
0x1f: {  	s9 =	sshrl.u32 s8, $0x3;
	s12 =	sshrl.u32 s11, $0x3;
	[dreg:$0x1b] =	wrdreg s24  }
0x20: {  	[dreg:$0x1c] =	wrdreg s25;
	s11 =	simm.s32 $0x1;
	s10 =	sadd.s32 s9, s6  }
0x21: {  	s20 =	simm.s32 $0x5;
	s0 =	sadd.s32 s9, s29;
	[dreg:$0x3] =	wrdreg s10  }
0x22: {  	s24 =	simm.s32 $0x8;
	s13 =	sadd.s32 s12, s6;
	[dreg:$0x4] =	wrdreg s0  }
0x23: {  	s15 =	sadd.s32 s12, s29;
	s12 =	simm.s32 $0x50;
	[dreg:$0x5] =	wrdreg s13  }
0x24: {  	v0 =	vimm.f32 $0.0e+00;
	[dreg:$0x6] =	wrdreg s15;
	s13 =	simm.s32 $0x2;
	s15 =	simm.s32 $0x3  }
.LBB2_1:
0x25: {  	[dreg:$0x1e] =	wrdreg s2;
	s5 =	simm.s32 $0x0;
	s18 =	simm.s32 $0x200  }
.LBB2_2:
0x26: {  	p0 =	sne.s32 s18, $0x9E00;
	[tilespmem:s5+$0x470] =	vst v0  }
0x27: {  	[tilespmem:s5+$0x400] =	vst v0  }
0x28: {  	[tilespmem:s5+$0x410] =	vst v0  }
.Ltmp0:
0x29: {  	[tilespmem:s5+$0x420] =	vst v0;
	(pc) =	sbr.rel @p0 .LBB2_2-.Ltmp0, $4  }
0x2a: {  	[tilespmem:s5+$0x430] =	vst v0  }
0x2b: {  	[tilespmem:s5+$0x440] =	vst v0  }
0x2c: {  	[tilespmem:s5+$0x450] =	vst v0  }
0x2d: {  	[tilespmem:s5+$0x460] =	vst v0;
	s5 =	sshra.s32 s18, $0x2;
	s18 =	sadd.s32 $0x200, s18  }
0x2e: {  	[tilespmem:s5+$0x470] =	vst v0  }
0x2f: {  	[tilespmem:s5+$0x400] =	vst v0  }
0x30: {  	[tilespmem:s5+$0x410] =	vst v0  }
0x31: {  	[tilespmem:s5+$0x420] =	vst v0  }
0x32: {  	[tilespmem:s5+$0x430] =	vst v0  }
0x33: {  	[tilespmem:s5+$0x440] =	vst v0  }
0x34: {  	[tilespmem:s5+$0x450] =	vst v0  }
0x35: {  	[tilespmem:s5+$0x460] =	vst v0;
	s18 =	simm.s32 $0xD  }
0x36: {  	[spmem:s30] =	stream.linear.scatter [tilespmem:s31], [sflag:$0xD], $0x2800, $0x38;
	[tilespmem:$0x1E400] =	vst v63  }
0x37: {  	_ =	swait.ge [sflag:s18], $0x2800  }
0x38: {  	[sflag:s18] =	ssyncset.done $0x0  }
0x39: {  	s0 =	rddreg [dreg:$0x16];
	[sflag:s18] =	ssyncadd.s32 $0xFFFFD800  }
0x3a: {  	[spmem:s0] =	stream.linear.scatter [tilespmem:s31], [sflag:$0xD], $0x2800, $0x38;
	[tilespmem:$0x1E400] =	vst v63  }
0x3b: {  	_ =	swait.ge [sflag:s18], $0x2800  }
0x3c: {  	[sflag:s18] =	ssyncset.done $0x0  }
0x3d: {  	s22 =	rddreg [dreg:$0x17];
	[sflag:s18] =	ssyncadd.s32 $0xFFFFD800  }
0x3e: {  	[spmem:s22] =	stream.linear.scatter [tilespmem:s31], [sflag:$0xD], $0x2800, $0x38;
	[tilespmem:$0x1E400] =	vst v63  }
0x3f: {  	_ =	swait.ge [sflag:s18], $0x2800  }
0x40: {  	[sflag:s18] =	ssyncset.done $0x0  }
0x41: {  	s23 =	rddreg [dreg:$0x18];
	[sflag:s18] =	ssyncadd.s32 $0xFFFFD800  }
0x42: {  	[spmem:s23] =	stream.linear.scatter [tilespmem:s31], [sflag:$0xD], $0x2800, $0x38;
	[tilespmem:$0x1E400] =	vst v63  }
0x43: {  	_ =	swait.ge [sflag:s18], $0x2800  }
0x44: {  	[sflag:s18] =	ssyncset.done $0x0  }
0x45: {  	s25 =	rddreg [dreg:$0x19];
	[sflag:s18] =	ssyncadd.s32 $0xFFFFD800  }
0x46: {  	[spmem:s25] =	stream.linear.scatter [tilespmem:s31], [sflag:$0xD], $0x2800, $0x38;
	[tilespmem:$0x1E400] =	vst v63  }
0x47: {  	_ =	swait.ge [sflag:s18], $0x2800  }
0x48: {  	[sflag:s18] =	ssyncset.done $0x0  }
0x49: {  	s2 =	rddreg [dreg:$0x1a];
	[sflag:s18] =	ssyncadd.s32 $0xFFFFD800  }
0x4a: {  	[spmem:s2] =	stream.linear.scatter [tilespmem:s31], [sflag:$0xD], $0x2800, $0x38;
	[tilespmem:$0x1E400] =	vst v63  }
0x4b: {  	_ =	swait.ge [sflag:s18], $0x2800  }
0x4c: {  	[sflag:s18] =	ssyncset.done $0x0  }
0x4d: {  	s7 =	rddreg [dreg:$0x1c];
	[sflag:s18] =	ssyncadd.s32 $0xFFFFD800  }
0x4e: {  	[spmem:s7] =	stream.linear.scatter [tilespmem:s31], [sflag:$0xD], $0x2800, $0x38;
	[tilespmem:$0x1E400] =	vst v63  }
0x4f: {  	_ =	swait.ge [sflag:s18], $0x2800  }
0x50: {  	[sflag:s18] =	ssyncset.done $0x0  }
0x51: {  	s8 =	rddreg [dreg:$0x1d];
	[sflag:s18] =	ssyncadd.s32 $0xFFFFD800  }
0x52: {  	[spmem:s8] =	stream.linear.scatter [tilespmem:s31], [sflag:$0xD], $0x2800, $0x38;
	[tilespmem:$0x1E400] =	vst v63  }
0x53: {  	_ =	swait.ge [sflag:s18], $0x2800  }
0x54: {  	[sflag:s18] =	ssyncset.done $0x0  }
0x55: {  	[sflag:s18] =	ssyncadd.s32 $0xFFFFD800  }
0x56: {  	[bflag:$0x0] =	sbarrier.arrive $0xFFFF  }
0x57: {  	s5 =	simm.s32 $0x0;
	s9 =	rddreg [dreg:$0x9]  }
0x58: {  	[tilespmem:s5], [sflag:$0x1] =	stream.linear.gather [hbm4b:s9+s5], $0x50, $0x38;
	[tilespmem:$0x1E400] =	vst v63  }
0x59: {  	s30 =	simm.s32 $0x200;
	s10 =	rddreg [dreg:$0xa]  }
0x5a: {  	[tilespmem:s30], [sflag:$0x1] =	stream.linear.gather [hbm4b:s10+s5], $0x50, $0x38;
	[tilespmem:$0x1E400] =	vst v63  }
0x5b: {  	s14 =	rddreg [dreg:$0xb];
	s9 =	simm.s32 $0x80  }
0x5c: {  	[tilespmem:s9], [sflag:$0x2] =	stream.linear.gather [hbm4b:s14+s5], $0x50, $0x38;
	[tilespmem:$0x1E400] =	vst v63  }
0x5d: {  	s8 =	simm.s32 $0x280;
	s18 =	rddreg [dreg:$0xc]  }
0x5e: {  	[tilespmem:s8], [sflag:$0x2] =	stream.linear.gather [hbm4b:s18+s5], $0x50, $0x38;
	[tilespmem:$0x1E400] =	vst v63  }
0x5f: {  	s22 =	rddreg [dreg:$0xd];
	s14 =	simm.s32 $0x100  }
0x60: {  	[tilespmem:s14], [sflag:$0x3] =	stream.linear.gather [hbm4b:s22+s5], $0x50, $0x38;
	[tilespmem:$0x1E400] =	vst v63  }
0x61: {  	s7 =	simm.s32 $0x300;
	s23 =	rddreg [dreg:$0xe]  }
0x62: {  	[tilespmem:s7], [sflag:$0x3] =	stream.linear.gather [hbm4b:s23+s5], $0x50, $0x38;
	[tilespmem:$0x1E400] =	vst v63  }
0x63: {  	s25 =	rddreg [dreg:$0xf];
	s22 =	simm.s32 $0x180  }
0x64: {  	[tilespmem:s22], [sflag:$0x4] =	stream.linear.gather [hbm4b:s25+s5], $0x50, $0x38;
	[tilespmem:$0x1E400] =	vst v63  }
0x65: {  	s2 =	rddreg [dreg:$0x10];
	s10 =	simm.s32 $0x380  }
0x66: {  	[tilespmem:s10], [sflag:$0x4] =	stream.linear.gather [hbm4b:s2+s5], $0x50, $0x38;
	[tilespmem:$0x1E400] =	vst v63  }
0x67: {  	_ =	swait.ge [sflag:s11], $0x50  }
0x68: {  	[sflag:s11] =	ssyncset.done $0x0  }
0x69: {  	[sflag:s11] =	ssyncadd.s32 $0xFFFFFFB0  }
0x6a: {  	_ =	swait.ge [sflag:s11], $0x50  }
0x6b: {  	[sflag:s11] =	ssyncset.done $0x0  }
0x6c: {  	[sflag:s11] =	ssyncadd.s32 $0xFFFFFFB0  }
0x6d: {  	[tilespmem:s31], [sflag:$0x5] =	stream.indirect.gather [hbm4b:s4+s12], $0x80, s5, s12, $0xb8;
	[tilespmem:$0x1E400] =	vst v63  }
0x6e: {  	_ =	swait.ge [sflag:s13], $0x50  }
0x6f: {  	[sflag:s13] =	ssyncset.done $0x0  }
0x70: {  	[sflag:s13] =	ssyncadd.s32 $0xFFFFFFB0  }
0x71: {  	_ =	swait.ge [sflag:s13], $0x50  }
0x72: {  	[sflag:s13] =	ssyncset.done $0x0  }
0x73: {  	s23 =	simm.s32 $0x2C00;
	[sflag:s13] =	ssyncadd.s32 $0xFFFFFFB0  }
0x74: {  	[tilespmem:s23], [sflag:$0x6] =	stream.indirect.gather [hbm4b:s4+s12], $0x80, s9, s12, $0xb8;
	[tilespmem:$0x1E400] =	vst v63  }
0x75: {  	_ =	swait.ge [sflag:s15], $0x50  }
0x76: {  	[sflag:s15] =	ssyncset.done $0x0  }
0x77: {  	[sflag:s15] =	ssyncadd.s32 $0xFFFFFFB0  }
0x78: {  	_ =	swait.ge [sflag:s15], $0x50  }
0x79: {  	[sflag:s15] =	ssyncset.done $0x0  }
0x7a: {  	s25 =	simm.s32 $0x5400;
	[sflag:s15] =	ssyncadd.s32 $0xFFFFFFB0  }
0x7b: {  	[tilespmem:s25], [sflag:$0x7] =	stream.indirect.gather [hbm4b:s4+s12], $0x80, s14, s12, $0xb8;
	[tilespmem:$0x1E400] =	vst v63  }
0x7c: {  	_ =	swait.ge [sflag:s17], $0x50  }
0x7d: {  	[sflag:s17] =	ssyncset.done $0x0  }
0x7e: {  	[sflag:s17] =	ssyncadd.s32 $0xFFFFFFB0  }
0x7f: {  	_ =	swait.ge [sflag:s17], $0x50  }
0x80: {  	[sflag:s17] =	ssyncset.done $0x0  }
0x81: {  	s18 =	simm.s32 $0x7C00;
	[sflag:s17] =	ssyncadd.s32 $0xFFFFFFB0  }
0x82: {  	[tilespmem:s18], [sflag:$0x8] =	stream.indirect.gather [hbm4b:s4+s12], $0x80, s22, s12, $0xb8;
	[tilespmem:$0x1E400] =	vst v63  }
0x83: {  	_ =	swait.ge [sflag:s20], $0x2800  }
0x84: {  	[sflag:s20] =	ssyncset.done $0x0  }
0x85: {  	[sflag:s20] =	ssyncadd.s32 $0xFFFFD800  }
0x86: {  	[spmem:s1] =	stream.indirect.scatter.add.f32 [tilespmem:s31], [sflag:$0x9], $0x80, s30, s12, $0xb8;
	[tilespmem:$0x1E400] =	vst v63  }
0x87: {  	_ =	swait.ge [sflag:s21], $0x2800  }
0x88: {  	[sflag:s21] =	ssyncset.done $0x0  }
0x89: {  	[sflag:s21] =	ssyncadd.s32 $0xFFFFD800  }
0x8a: {  	[spmem:s1] =	stream.indirect.scatter.add.f32 [tilespmem:s23], [sflag:$0xA], $0x80, s8, s12, $0xb8;
	[tilespmem:$0x1E400] =	vst v63  }
0x8b: {  	_ =	swait.ge [sflag:s19], $0x2800  }
0x8c: {  	[sflag:s19] =	ssyncset.done $0x0  }
0x8d: {  	[sflag:s19] =	ssyncadd.s32 $0xFFFFD800  }
0x8e: {  	[spmem:s1] =	stream.indirect.scatter.add.f32 [tilespmem:s25], [sflag:$0xB], $0x80, s7, s12, $0xb8;
	[tilespmem:$0x1E400] =	vst v63  }
0x8f: {  	_ =	swait.ge [sflag:s24], $0x2800  }
0x90: {  	[sflag:s24] =	ssyncset.done $0x0  }
0x91: {  	[sflag:s24] =	ssyncadd.s32 $0xFFFFD800  }
0x92: {  	[spmem:s1] =	stream.indirect.scatter.add.f32 [tilespmem:s18], [sflag:$0xC], $0x80, s10, s12, $0xb8;
	[tilespmem:$0x1E400] =	vst v63  }
0x93: {  	_ =	swait.ge [sflag:s26], $0x2800  }
0x94: {  	s0 =	rddreg [dreg:$0x1b]  }
0x95: {  	[sflag:s26] =	ssyncset.done $0x0;
	s2 =	sshrl.u32 s0, $0x3  }
0x96: {  	[sflag:s26] =	ssyncadd.s32 $0xFFFFD800;
	s18 =	sadd.s32 s29, s2  }
0x97: {  	[tilespmem:s3], [sflag:$0x1] =	stream.linear.gather [hbm4b:s18+s3], $0x50, $0x38;
	[tilespmem:$0x1E400] =	vst v63  }
0x98: {  	s5 =	sadd.s32 s6, s2  }
0x99: {  	[tilespmem:s30], [sflag:$0x1] =	stream.linear.gather [hbm4b:s5+s3], $0x50, $0x38;
	[tilespmem:$0x1E400] =	vst v63  }
0x9a: {  	_ =	swait.ge [sflag:s28], $0x2800  }
0x9b: {  	s18 =	rddreg [dreg:$0x8];
	[sflag:s28] =	ssyncset.done $0x0  }
0x9c: {  	s2 =	rddreg [dreg:$0x7];
	[sflag:s28] =	ssyncadd.s32 $0xFFFFD800;
	s5 =	sadd.s32 $0x0, s18  }
0x9d: {  	[tilespmem:s9], [sflag:$0x2] =	stream.linear.gather [hbm4b:s5+s3], $0x50, $0x38;
	[tilespmem:$0x1E400] =	vst v63  }
0x9e: {  	s2 =	sadd.s32 $0x0, s2  }
0x9f: {  	[tilespmem:s8], [sflag:$0x2] =	stream.linear.gather [hbm4b:s2+s3], $0x50, $0x38;
	[tilespmem:$0x1E400] =	vst v63  }
0xa0: {  	s2 =	simm.s32 $0xB  }
0xa1: {  	_ =	swait.ge [sflag:s2], $0x2800  }
0xa2: {  	s18 =	rddreg [dreg:$0x6];
	[sflag:s2] =	ssyncset.done $0x0  }
0xa3: {  	s8 =	rddreg [dreg:$0x5];
	[sflag:s2] =	ssyncadd.s32 $0xFFFFD800;
	s5 =	sadd.s32 $0x0, s18  }
0xa4: {  	[tilespmem:s14], [sflag:$0x3] =	stream.linear.gather [hbm4b:s5+s3], $0x50, $0x38;
	[tilespmem:$0x1E400] =	vst v63  }
0xa5: {  	s18 =	sadd.s32 $0x0, s8  }
0xa6: {  	[tilespmem:s7], [sflag:$0x3] =	stream.linear.gather [hbm4b:s18+s3], $0x50, $0x38;
	[tilespmem:$0x1E400] =	vst v63  }
0xa7: {  	_ =	swait.ge [sflag:s16], $0x2800  }
0xa8: {  	s7 =	rddreg [dreg:$0x4];
	[sflag:s16] =	ssyncset.done $0x0  }
0xa9: {  	s8 =	rddreg [dreg:$0x3];
	[sflag:s16] =	ssyncadd.s32 $0xFFFFD800;
	s5 =	sadd.s32 $0x0, s7  }
0xaa: {  	[tilespmem:s22], [sflag:$0x4] =	stream.linear.gather [hbm4b:s5+s3], $0x50, $0x38;
	[tilespmem:$0x1E400] =	vst v63  }
0xab: {  	s22 =	sadd.s32 $0x0, s8  }
0xac: {  	[tilespmem:s10], [sflag:$0x4] =	stream.linear.gather [hbm4b:s22+s3], $0x50, $0x38;
	[tilespmem:$0x1E400] =	vst v63  }
0xad: {  	_ =	swait.ge [sflag:s11], $0x50  }
0xae: {  	[sflag:s11] =	ssyncset.done $0x0  }
0xaf: {  	[sflag:s11] =	ssyncadd.s32 $0xFFFFFFB0  }
0xb0: {  	_ =	swait.ge [sflag:s11], $0x50  }
0xb1: {  	[sflag:s11] =	ssyncset.done $0x0  }
0xb2: {  	[sflag:s11] =	ssyncadd.s32 $0xFFFFFFB0  }
0xb3: {  	[tilespmem:s31], [sflag:$0x5] =	stream.indirect.gather [hbm4b:s4+s12], $0x80, s3, s12, $0xb8;
	[tilespmem:$0x1E400] =	vst v63  }
0xb4: {  	_ =	swait.ge [sflag:s13], $0x50  }
0xb5: {  	[sflag:s13] =	ssyncset.done $0x0  }
0xb6: {  	[sflag:s13] =	ssyncadd.s32 $0xFFFFFFB0  }
0xb7: {  	_ =	swait.ge [sflag:s13], $0x50  }
0xb8: {  	[sflag:s13] =	ssyncset.done $0x0  }
0xb9: {  	[sflag:s13] =	ssyncadd.s32 $0xFFFFFFB0  }
0xba: {  	[tilespmem:s23], [sflag:$0x6] =	stream.indirect.gather [hbm4b:s4+s12], $0x80, s9, s12, $0xb8;
	[tilespmem:$0x1E400] =	vst v63  }
0xbb: {  	_ =	swait.ge [sflag:s15], $0x50  }
0xbc: {  	[sflag:s15] =	ssyncset.done $0x0  }
0xbd: {  	[sflag:s15] =	ssyncadd.s32 $0xFFFFFFB0  }
0xbe: {  	_ =	swait.ge [sflag:s15], $0x50  }
0xbf: {  	[sflag:s15] =	ssyncset.done $0x0  }
0xc0: {  	[sflag:s15] =	ssyncadd.s32 $0xFFFFFFB0  }
0xc1: {  	[tilespmem:s25], [sflag:$0x7] =	stream.indirect.gather [hbm4b:s4+s12], $0x80, s14, s12, $0xb8;
	[tilespmem:$0x1E400] =	vst v63  }
0xc2: {  	_ =	swait.ge [sflag:s17], $0x50  }
0xc3: {  	[sflag:s17] =	ssyncset.done $0x0  }
0xc4: {  	[sflag:s17] =	ssyncadd.s32 $0xFFFFFFB0  }
0xc5: {  	_ =	swait.ge [sflag:s17], $0x50  }
0xc6: {  	s30 =	sadd.s32 $0x140, s0;
	[sflag:s17] =	ssyncset.done $0x0  }
0xc7: {  	s0 =	smov.u32 s6;
	s18 =	simm.s32 $0x28;
	[sflag:s17] =	ssyncadd.s32 $0xFFFFFFB0  }
.LBB2_4:
0xc8: {  	s22 =	simm.s32 $0x180;
	s6 =	simm.s32 $0x7C00  }
0xc9: {  	[tilespmem:s6], [sflag:$0x8] =	stream.indirect.gather [hbm4b:s4+s12], $0x80, s22, s12, $0xb8;
	[tilespmem:$0x1E400] =	vst v63  }
0xca: {  	_ =	swait.ge [sflag:s20], $0x2800  }
0xcb: {  	[sflag:s20] =	ssyncset.done $0x0  }
0xcc: {  	s10 =	simm.s32 $0x200;
	[sflag:s20] =	ssyncadd.s32 $0xFFFFD800  }
0xcd: {  	[spmem:s1] =	stream.indirect.scatter.add.f32 [tilespmem:s31], [sflag:$0x9], $0x80, s10, s12, $0xb8;
	[tilespmem:$0x1E400] =	vst v63  }
0xce: {  	_ =	swait.ge [sflag:s21], $0x2800  }
0xcf: {  	[sflag:s21] =	ssyncset.done $0x0  }
0xd0: {  	s7 =	simm.s32 $0x280;
	s23 =	simm.s32 $0x2C00;
	[sflag:s21] =	ssyncadd.s32 $0xFFFFD800  }
0xd1: {  	[spmem:s1] =	stream.indirect.scatter.add.f32 [tilespmem:s23], [sflag:$0xA], $0x80, s7, s12, $0xb8;
	[tilespmem:$0x1E400] =	vst v63  }
0xd2: {  	_ =	swait.ge [sflag:s19], $0x2800  }
0xd3: {  	[sflag:s19] =	ssyncset.done $0x0  }
0xd4: {  	s9 =	simm.s32 $0x300;
	s25 =	simm.s32 $0x5400;
	[sflag:s19] =	ssyncadd.s32 $0xFFFFD800  }
0xd5: {  	[spmem:s1] =	stream.indirect.scatter.add.f32 [tilespmem:s25], [sflag:$0xB], $0x80, s9, s12, $0xb8;
	[tilespmem:$0x1E400] =	vst v63  }
0xd6: {  	_ =	swait.ge [sflag:s24], $0x2800  }
0xd7: {  	[sflag:s24] =	ssyncset.done $0x0  }
0xd8: {  	s8 =	simm.s32 $0x380;
	[sflag:s24] =	ssyncadd.s32 $0xFFFFD800  }
0xd9: {  	[spmem:s1] =	stream.indirect.scatter.add.f32 [tilespmem:s6], [sflag:$0xC], $0x80, s8, s12, $0xb8;
	[tilespmem:$0x1E400] =	vst v63  }
0xda: {  	_ =	swait.ge [sflag:s26], $0x2800  }
0xdb: {  	s14 =	sshrl.u32 s30, $0x3;
	[sflag:s26] =	ssyncset.done $0x0  }
0xdc: {  	s31 =	smov.u32 s29;
	s29 =	sadd.s32 s29, s14;
	[sflag:s26] =	ssyncadd.s32 $0xFFFFD800  }
0xdd: {  	[tilespmem:s3], [sflag:$0x1] =	stream.linear.gather [hbm4b:s29+s3], $0x50, $0x38;
	[tilespmem:$0x1E400] =	vst v63  }
0xde: {  	s6 =	sadd.s32 s0, s14  }
0xdf: {  	[tilespmem:s10], [sflag:$0x1] =	stream.linear.gather [hbm4b:s6+s3], $0x50, $0x38;
	[tilespmem:$0x1E400] =	vst v63  }
0xe0: {  	_ =	swait.ge [sflag:s28], $0x2800  }
0xe1: {  	s20 =	rddreg [dreg:$0x8]  }
0xe2: {  	s5 =	smov.u32 s18;
	[sflag:s28] =	ssyncset.done $0x0;
	s29 =	rddreg [dreg:$0x7]  }
0xe3: {  	[sflag:s28] =	ssyncadd.s32 $0xFFFFD800;
	s6 =	sadd.s32 s5, s20;
	s20 =	simm.s32 $0x80  }
0xe4: {  	[tilespmem:s20], [sflag:$0x2] =	stream.linear.gather [hbm4b:s6+s3], $0x50, $0x38;
	[tilespmem:$0x1E400] =	vst v63  }
0xe5: {  	s21 =	sadd.s32 s5, s29  }
0xe6: {  	[tilespmem:s7], [sflag:$0x2] =	stream.linear.gather [hbm4b:s21+s3], $0x50, $0x38;
	[tilespmem:$0x1E400] =	vst v63  }
0xe7: {  	_ =	swait.ge [sflag:s2], $0x2800  }
0xe8: {  	s21 =	simm.s32 $0x100;
	s7 =	rddreg [dreg:$0x6];
	[sflag:s2] =	ssyncset.done $0x0  }
0xe9: {  	s29 =	rddreg [dreg:$0x5];
	[sflag:s2] =	ssyncadd.s32 $0xFFFFD800;
	s6 =	sadd.s32 s5, s7  }
0xea: {  	[tilespmem:s21], [sflag:$0x3] =	stream.linear.gather [hbm4b:s6+s3], $0x50, $0x38;
	[tilespmem:$0x1E400] =	vst v63  }
0xeb: {  	s10 =	sadd.s32 s5, s29  }
0xec: {  	[tilespmem:s9], [sflag:$0x3] =	stream.linear.gather [hbm4b:s10+s3], $0x50, $0x38;
	[tilespmem:$0x1E400] =	vst v63  }
0xed: {  	_ =	swait.ge [sflag:s16], $0x2800  }
0xee: {  	s10 =	rddreg [dreg:$0x4];
	[sflag:s16] =	ssyncset.done $0x0  }
0xef: {  	s29 =	rddreg [dreg:$0x3];
	[sflag:s16] =	ssyncadd.s32 $0xFFFFD800;
	s6 =	sadd.s32 s5, s10  }
0xf0: {  	[tilespmem:s22], [sflag:$0x4] =	stream.linear.gather [hbm4b:s6+s3], $0x50, $0x38;
	[tilespmem:$0x1E400] =	vst v63  }
0xf1: {  	s5 =	sadd.s32 s5, s29  }
0xf2: {  	[tilespmem:s8], [sflag:$0x4] =	stream.linear.gather [hbm4b:s5+s3], $0x50, $0x38;
	[tilespmem:$0x1E400] =	vst v63  }
0xf3: {  	_ =	swait.ge [sflag:s11], $0x50  }
0xf4: {  	[sflag:s11] =	ssyncset.done $0x0  }
0xf5: {  	[sflag:s11] =	ssyncadd.s32 $0xFFFFFFB0  }
0xf6: {  	_ =	swait.ge [sflag:s11], $0x50  }
0xf7: {  	[sflag:s11] =	ssyncset.done $0x0  }
0xf8: {  	s29 =	smov.u32 s31;
	s31 =	simm.s32 $0x400;
	[sflag:s11] =	ssyncadd.s32 $0xFFFFFFB0  }
0xf9: {  	[tilespmem:s31], [sflag:$0x5] =	stream.indirect.gather [hbm4b:s4+s12], $0x80, s3, s12, $0xb8;
	[tilespmem:$0x1E400] =	vst v63  }
0xfa: {  	_ =	swait.ge [sflag:s13], $0x50  }
0xfb: {  	[sflag:s13] =	ssyncset.done $0x0  }
0xfc: {  	[sflag:s13] =	ssyncadd.s32 $0xFFFFFFB0  }
0xfd: {  	_ =	swait.ge [sflag:s13], $0x50  }
0xfe: {  	[sflag:s13] =	ssyncset.done $0x0  }
0xff: {  	[sflag:s13] =	ssyncadd.s32 $0xFFFFFFB0  }
0x100: {  	[tilespmem:s23], [sflag:$0x6] =	stream.indirect.gather [hbm4b:s4+s12], $0x80, s20, s12, $0xb8;
	[tilespmem:$0x1E400] =	vst v63  }
0x101: {  	_ =	swait.ge [sflag:s15], $0x50  }
0x102: {  	[sflag:s15] =	ssyncset.done $0x0  }
0x103: {  	[sflag:s15] =	ssyncadd.s32 $0xFFFFFFB0  }
0x104: {  	_ =	swait.ge [sflag:s15], $0x50  }
0x105: {  	[sflag:s15] =	ssyncset.done $0x0  }
0x106: {  	[sflag:s15] =	ssyncadd.s32 $0xFFFFFFB0  }
0x107: {  	[tilespmem:s25], [sflag:$0x7] =	stream.indirect.gather [hbm4b:s4+s12], $0x80, s21, s12, $0xb8;
	[tilespmem:$0x1E400] =	vst v63  }
0x108: {  	p0 =	sne.s32 s18, $0x488;
	s18 =	sadd.s32 $0x28, s18;
	_ =	swait.ge [sflag:s17], $0x50  }
.Ltmp1:
0x109: {  	s30 =	sadd.s32 $0x140, s30;
	[sflag:s17] =	ssyncset.done $0x0;
	(pc) =	sbr.rel @p0 .LBB2_4-.Ltmp1, $4  }
0x10a: {  	s14 =	simm.s32 $0x280;
	s7 =	simm.s32 $0x300;
	[sflag:s17] =	ssyncadd.s32 $0xFFFFFFB0  }
0x10b: {  	s9 =	simm.s32 $0x180;
	s10 =	simm.s32 $0x380;
	_ =	swait.ge [sflag:s17], $0x50  }
0x10c: {  	s5 =	simm.s32 $0x2C00;
	s8 =	simm.s32 $0x5400;
	[sflag:s17] =	ssyncset.done $0x0  }
0x10d: {  	s20 =	simm.s32 $0x5;
	s21 =	simm.s32 $0x6;
	[sflag:s17] =	ssyncadd.s32 $0xFFFFFFB0  }
0x10e: {  	s18 =	simm.s32 $0x7C00  }
0x10f: {  	[tilespmem:s18], [sflag:$0x8] =	stream.indirect.gather [hbm4b:s4+s12], $0x80, s9, s12, $0xb8;
	[tilespmem:$0x1E400] =	vst v63  }
0x110: {  	_ =	swait.ge [sflag:s20], $0x2800  }
0x111: {  	[sflag:s20] =	ssyncset.done $0x0  }
0x112: {  	s6 =	simm.s32 $0x200;
	[sflag:s20] =	ssyncadd.s32 $0xFFFFD800  }
0x113: {  	[spmem:s1] =	stream.indirect.scatter.add.f32 [tilespmem:s31], [sflag:$0x9], $0x80, s6, s12, $0xb8;
	[tilespmem:$0x1E400] =	vst v63  }
0x114: {  	_ =	swait.ge [sflag:s21], $0x2800  }
0x115: {  	[sflag:s21] =	ssyncset.done $0x0  }
0x116: {  	[sflag:s21] =	ssyncadd.s32 $0xFFFFD800  }
0x117: {  	[spmem:s1] =	stream.indirect.scatter.add.f32 [tilespmem:s5], [sflag:$0xA], $0x80, s14, s12, $0xb8;
	[tilespmem:$0x1E400] =	vst v63  }
0x118: {  	_ =	swait.ge [sflag:s19], $0x2800  }
0x119: {  	[sflag:s19] =	ssyncset.done $0x0  }
0x11a: {  	[sflag:s19] =	ssyncadd.s32 $0xFFFFD800  }
0x11b: {  	[spmem:s1] =	stream.indirect.scatter.add.f32 [tilespmem:s8], [sflag:$0xB], $0x80, s7, s12, $0xb8;
	[tilespmem:$0x1E400] =	vst v63  }
0x11c: {  	_ =	swait.ge [sflag:s24], $0x2800  }
0x11d: {  	[sflag:s24] =	ssyncset.done $0x0  }
0x11e: {  	[sflag:s24] =	ssyncadd.s32 $0xFFFFD800  }
0x11f: {  	[spmem:s1] =	stream.indirect.scatter.add.f32 [tilespmem:s18], [sflag:$0xC], $0x80, s10, s12, $0xb8;
	[tilespmem:$0x1E400] =	vst v63  }
0x120: {  	_ =	swait.ge [sflag:s26], $0x2800  }
0x121: {  	[sflag:s26] =	ssyncset.done $0x0  }
0x122: {  	[sflag:s26] =	ssyncadd.s32 $0xFFFFD800  }
0x123: {  	_ =	swait.ge [sflag:s28], $0x2800  }
0x124: {  	[sflag:s28] =	ssyncset.done $0x0  }
0x125: {  	[sflag:s28] =	ssyncadd.s32 $0xFFFFD800  }
0x126: {  	_ =	swait.ge [sflag:s2], $0x2800  }
0x127: {  	[sflag:s2] =	ssyncset.done $0x0  }
0x128: {  	[sflag:s2] =	ssyncadd.s32 $0xFFFFD800  }
0x129: {  	_ =	swait.ge [sflag:s16], $0x2800  }
0x12a: {  	[sflag:s16] =	ssyncset.done $0x0  }
0x12b: {  	s7 =	rddreg [dreg:$0x11];
	[sflag:s16] =	ssyncadd.s32 $0xFFFFD800  }
0x12c: {  	[tilespmem:s3], [sflag:$0x1] =	stream.linear.gather [hbm4b:s7+s3], $0x50, $0x38;
	[tilespmem:$0x1E400] =	vst v63  }
0x12d: {  	s8 =	rddreg [dreg:$0x12]  }
0x12e: {  	[tilespmem:s6], [sflag:$0x1] =	stream.linear.gather [hbm4b:s8+s3], $0x50, $0x38;
	[tilespmem:$0x1E400] =	vst v63  }
0x12f: {  	_ =	swait.ge [sflag:s11], $0x50  }
0x130: {  	[sflag:s11] =	ssyncset.done $0x0  }
0x131: {  	[sflag:s11] =	ssyncadd.s32 $0xFFFFFFB0  }
0x132: {  	_ =	swait.ge [sflag:s11], $0x50  }
0x133: {  	[sflag:s11] =	ssyncset.done $0x0  }
0x134: {  	[sflag:s11] =	ssyncadd.s32 $0xFFFFFFB0  }
0x135: {  	[tilespmem:s31], [sflag:$0x5] =	stream.indirect.gather [hbm4b:s4+s12], $0x80, s3, s12, $0xb8;
	[tilespmem:$0x1E400] =	vst v63  }
0x136: {  	_ =	swait.ge [sflag:s20], $0x2800  }
0x137: {  	[sflag:s20] =	ssyncset.done $0x0  }
0x138: {  	[sflag:s20] =	ssyncadd.s32 $0xFFFFD800  }
0x139: {  	[spmem:s1] =	stream.indirect.scatter.add.f32 [tilespmem:s31], [sflag:$0x9], $0x80, s6, s12, $0xb8;
	[tilespmem:$0x1E400] =	vst v63  }
0x13a: {  	_ =	swait.ge [sflag:s26], $0x2800  }
0x13b: {  	[sflag:s26] =	ssyncset.done $0x0  }
0x13c: {  	[sflag:s26] =	ssyncadd.s32 $0xFFFFD800  }
0x13d: {  	s9 =	stileid.u32;
	[bflag:$0x0] =	sbarrier.arrive $0xFFFF  }
0x13e: {  	s22 =	simm.s32 $0xD;
	s5 =	sshll.u32 s9, $0x6;
	s30 =	rddreg [dreg:$0x14]  }
0x13f: {  	s5 =	sor.u32 $0x1C0D, s5;
	s14 =	rddreg [dreg:$0x13];
	s10 =	sshrl.u32 s30, $0x3  }
0x140: {  	[hbm:s14], [sflag:s5] =	dma.local [spmem:s10], $0x2800  }
0x141: {  	_ =	swait.ge [sflag:s22], $0x2800  }
0x142: {  	s23 =	rddreg [dreg:$0x1e]  }
0x143: {  	s25 =	rddreg [dreg:$0x15];
	s2 =	sadd.s32 $0x1, s23  }
0x144: {  	p0 =	sne.s32 s2, s25  }
.Ltmp2:
0x145: {  	_ = 	snop;
	(pc) =	sbr.rel @p0 .LBB2_1-.Ltmp2, $3  }
0x146: {  	_ =	sdelay $0x1  }
0x147: {  	[sflag:s22] =	ssyncset.done $0x0  }
0x148: {  	s6 =	smov.u32 s0;
	[sflag:s22] =	ssyncadd.s32 $0xFFFFD800  }
0x149: {  	_ =	sfence.sel $0x180000  }
0x14a: {  	[bflag:$0x0] =	sbarrier.arrive $0xFFFF  }
0x14b: {  	_ =	strace $0x9000004A  }
0x14c: {  	s0 =	stileid.u32;
	[bflag:$0x2] =	sbarrier.arrive $0xFFFF  }
0x14d: {  	p0 =	sne.s32 s0, $0x0;
	s0 =	rddreg [dreg:$0x2]  }
0x14e: {  	s0 =	sadd.s32 @!p0 $0x100000, s0  }
0x14f: {  	[sflag:s0] =	ssyncadd.tile.s32 @!p0 $0x1;
	_ =	shalt  }
.Lfunc_end2:
_tile_overlayer_lowered:
.L_overlay_start_2:
0x150: {  	(tag) =	ssettag $0x2  }
0x151: {  	s0 =	rddreg [dreg:$0x0];
	s2 =	stileid.u32  }
0x152: {  	s1 =	rddreg [dreg:$0x1];
	p0 =	sne.s32 s2, $0x0  }
0x153: {  	s3 =	rddreg [dreg:$0x2];
	[bflag:$0x3] =	sbarrier.arrive $0xFFFF;
	s2 =	simm.s32 @!p0 $0x1C0D  }
0x154: {  	[timem:s3], [sflag:s2] =	dma.local @!p0 [hbm:s0], s1  }
0x155: {  	s0 =	simm.s32 @!p0 $0xD  }
0x156: {  	_ =	swait.ge @!p0 [sflag:s0], s1  }
0x157: {  	s1 =	ssub.s32 @!p0 $0x0, s1;
	[sflag:s0] =	ssyncset.done @!p0 $0x0  }
0x158: {  	[sflag:s0] =	ssyncadd.s32 @!p0 s1  }
0x159: {  	[bflag:$0x3] =	sbarrier.arrive $0xFFFF  }
0x15a: {  	_ =	shalt  }

// kernel: kernel.14.cloned.1.call-start
scs
__scs_entry_jumppad:
0x0: {  	(pc) =	sbr.rel $0x88, $3  }
0x1: {  	(tag) =	ssettag $0x0;
	lr =	simm.s32 $0x1  }
0x2: {  	[smem:$0x3F9B] =	sst lr;
	_ =	strace $0xD0000000  }
0x3: {  	_ = 	snop  }
0x4: {  	_ = 	snop  }
0x5: {  	_ = 	snop  }
0x6: {  	_ = 	snop  }
0x7: {  	_ = 	snop  }
__scs_overlays_trampoline_lowered:
0x8: {  	[smem:$0x3FAA] =	sst s0  }
0x9: {  	[smem:$0x3FAB] =	sst s1  }
0xa: {  	[smem:$0x3FAC] =	sst s2  }
0xb: {  	[smem:$0x3FAD] =	sst s3  }
0xc: {  	[smem:$0x3FAE] =	sst s4  }
0xd: {  	[smem:$0x3FAF] =	sst s5  }
0xe: {  	[smem:$0x3FB0] =	sst s6  }
0xf: {  	[smem:$0x3FB1] =	sst s7  }
0x10: {  	[smem:$0x3FB2] =	sst s8  }
0x11: {  	[smem:$0x3FB3] =	sst s9;
	s0 =	simm.s32 @!p0 $0x0  }
0x12: {  	s1 =	sld [smem:$0x3F99];
	s0 =	simm.s32 @p0 $0x1  }
0x13: {  	[smem:$0x3FB4] =	sst s0;
	s0 =	simm.s32 @!p1 $0x0  }
0x14: {  	s2 =	sld [smem:$0x3F98];
	s0 =	simm.s32 @p1 $0x1  }
0x15: {  	[smem:$0x3FB5] =	sst s0;
	s0 =	simm.s32 @!p2 $0x0  }
0x16: {  	s3 =	sld [smem:$0x3FDB];
	s0 =	simm.s32 @p2 $0x1  }
0x17: {  	s4 =	simm.s32 $0x1BF5;
	[smem:$0x3FB7] =	sst s0  }
0x18: {  	s0 =	sld [smem:$0x3F9A];
	_ =	swait.ge [sflag:s4], $0x0  }
0x19: {  	s7 =	sld [smem:$0x3F9B]  }
0x1a: {  	s8 =	sadd.s32 $0xFFFFE003, lr  }
0x1b: {  	s9 =	sadd.s32 $0xFFFFFEF7, lr;
	s5 =	simm.s32 $0xFFFFFFFF;
	p2 =	slt.u32 s8, $0xFFFFF086  }
0x1c: {  	p1 =	slt.u32 s9, $0xF7A;
	s5 =	simm.s32 @!p2 $0x0  }
0x1d: {  	s5 =	simm.s32 @p1 $0x1;
	p0 =	seq.s32 s7, s2  }
0x1e: {  	s7 =	smul.u32 @!p0 $0xF7A, s2;
	p2 =	seq.s32 @!p0 s5, $0x0  }
0x1f: {  	s9 =	smul.u32 $0xF7A, s1;
	s8 =	simm.s32 @!p0 $0x1BF5;
	p2 =	por !p2, p0  }
0x20: {  	[sflag:s8] =	ssyncset.s32 @!p0 $0xFFFFF086;
	s6 =	sadd.s32 @!p0 s3, s7;
	s7 =	simm.s32 @!p0 $0x108  }
0x21: {  	s3 =	sadd.s32 s3, s9;
	s6 =	sadd.s32 @!p0 $0x88, s6;
	s7 =	simm.s32 @p2 $0x1082  }
0x22: {  	[simem:s7], [sflag:s8] =	dma.local @!p0 [hbm:s6], $0xF7A  }
0x23: {  	s9 =	sor.u32 $0xD0000000, s2;
	s6 =	simm.s32 $0x108;
	_ =	swait.ge @!p0 [sflag:s8], $0x0  }
0x24: {  	s3 =	sadd.s32 $0x88, s3;
	s6 =	simm.s32 @!p1 $0x1082;
	[sflag:s4] =	ssyncset.s32 $0xFFFFF086  }
0x25: {  	[simem:s6], [sflag:s4] =	dma.local [hbm:s3], $0xF7A  }
0x26: {  	[smem:$0x3F9B] =	sst s1;
	(tag) =	ssettag s2;
	_ =	strace s9  }
0x27: {  	s1 =	sld [smem:$0x3FAB]  }
0x28: {  	s2 =	sld [smem:$0x3FAC]  }
0x29: {  	s4 =	sld [smem:$0x3FAE]  }
0x2a: {  	p0 =	seq.s32 s5, $0x0;
	s5 =	sld [smem:$0x3FAF]  }
0x2b: {  	s6 =	sld [smem:$0x3FB0]  }
0x2c: {  	s7 =	sld [smem:$0x3FB1]  }
0x2d: {  	s3 =	simm.s32 $0x108;
	s8 =	sld [smem:$0x3FB2]  }
0x2e: {  	s3 =	simm.s32 @!p0 $0x1082;
	s9 =	sld [smem:$0x3FB3]  }
0x2f: {  	lr =	sadd.s32 s0, s3;
	s0 =	sld [smem:$0x3FAA]  }
0x30: {  	s3 =	sld [smem:$0x3FAD]  }
0x31: {  	[smem:$0x3FB6] =	sst s10  }
0x32: {  	s10 =	sld [smem:$0x3FB4];
	_ =	sdelay $0x3  }
0x33: {  	p0 =	seq.s32 s10, $0x1;
	s10 =	sld [smem:$0x3FB6];
	_ =	sdelay $0x3  }
0x34: {  	[smem:$0x3FB6] =	sst s10  }
0x35: {  	s10 =	sld [smem:$0x3FB5];
	_ =	sdelay $0x3  }
0x36: {  	p1 =	seq.s32 s10, $0x1;
	s10 =	sld [smem:$0x3FB6];
	_ =	sdelay $0x3  }
0x37: {  	[smem:$0x3FB6] =	sst s10  }
0x38: {  	s10 =	sld [smem:$0x3FB7]  }
0x39: {  	_ = 	snop;
	(pc) =	sbr.ind lr, $3  }
0x3a: {  	_ = 	snop  }
0x3b: {  	_ = 	snop  }
0x3c: {  	p2 =	seq.s32 s10, $0x1;
	s10 =	sld [smem:$0x3FB6]  }
0x3d: {  	_ =	shalt  }
0x3e: {  	_ =	shalt  }
0x3f: {  	_ =	shalt  }
0x40: {  	_ =	shalt  }
0x41: {  	_ =	shalt  }
0x42: {  	_ =	shalt  }
0x43: {  	_ =	shalt  }
0x44: {  	_ =	shalt  }
0x45: {  	_ =	shalt  }
0x46: {  	_ =	shalt  }
0x47: {  	_ =	shalt  }
0x48: {  	_ =	shalt  }
0x49: {  	_ =	shalt  }
0x4a: {  	_ =	shalt  }
0x4b: {  	_ =	shalt  }
0x4c: {  	_ =	shalt  }
0x4d: {  	_ =	shalt  }
0x4e: {  	_ =	shalt  }
0x4f: {  	_ =	shalt  }
0x50: {  	_ =	shalt  }
0x51: {  	_ =	shalt  }
0x52: {  	_ =	shalt  }
0x53: {  	_ =	shalt  }
0x54: {  	_ =	shalt  }
0x55: {  	_ =	shalt  }
0x56: {  	_ =	shalt  }
0x57: {  	_ =	shalt  }
0x58: {  	_ =	shalt  }
0x59: {  	_ =	shalt  }
0x5a: {  	_ =	shalt  }
0x5b: {  	_ =	shalt  }
0x5c: {  	_ =	shalt  }
0x5d: {  	_ =	shalt  }
0x5e: {  	_ =	shalt  }
0x5f: {  	_ =	shalt  }
0x60: {  	_ =	shalt  }
0x61: {  	_ =	shalt  }
0x62: {  	_ =	shalt  }
0x63: {  	_ =	shalt  }
0x64: {  	_ =	shalt  }
0x65: {  	_ =	shalt  }
0x66: {  	_ =	shalt  }
0x67: {  	_ =	shalt  }
0x68: {  	_ =	shalt  }
0x69: {  	_ =	shalt  }
0x6a: {  	_ =	shalt  }
0x6b: {  	_ =	shalt  }
0x6c: {  	_ =	shalt  }
0x6d: {  	_ =	shalt  }
0x6e: {  	_ =	shalt  }
0x6f: {  	_ =	shalt  }
0x70: {  	_ =	shalt  }
0x71: {  	_ =	shalt  }
0x72: {  	_ =	shalt  }
0x73: {  	_ =	shalt  }
0x74: {  	_ =	shalt  }
0x75: {  	_ =	shalt  }
0x76: {  	_ =	shalt  }
0x77: {  	_ =	shalt  }
0x78: {  	_ =	shalt  }
0x79: {  	_ =	shalt  }
0x7a: {  	_ =	shalt  }
0x7b: {  	_ =	shalt  }
0x7c: {  	_ =	shalt  }
0x7d: {  	_ =	shalt  }
0x7e: {  	_ =	shalt  }
0x7f: {  	_ =	shalt  }
0x80: {  	_ =	shalt  }
0x81: {  	_ =	shalt  }
0x82: {  	_ =	shalt  }
0x83: {  	_ =	shalt  }
0x84: {  	_ =	shalt  }
0x85: {  	_ =	shalt  }
0x86: {  	_ =	shalt  }
0x87: {  	_ =	shalt  }
.Lfunc_end0:
.L_simem_size_0:
called_computation.2_lowered:
.L_overlay_start_0:
0x88: {  	s2 =	sld [smem:$0x3FD9]  }
0x89: {  	s3 =	sld [smem:$0x3FFE];
	_ =	sdelay $0x1  }
0x8a: {  	s1 =	srdreg.scid  }
0x8b: {  	s0 =	sand.u32 $0x1, s1  }
0x8c: {  	s16 =	sshll.u32 s0, $0xA;
	s2 =	sadd.s32 s3, s2  }
0x8d: {  	s2 =	sadd.s32 s2, s16  }
0x8e: {  	[smem:$0x3FC2] =	sst s2  }
0x8f: {  	_ = 	snop  }
0x90: {  	(tm) =	ssettm $0x1  }
0x91: {  	s17 =	sld [smem:$0x3FFB];
	_ =	sdelay $0x3  }
0x92: {  	_ =	strace s17  }
0x93: {  	s2 =	sld [smem:$0x3FFC];
	_ =	sdelay $0x3  }
0x94: {  	_ =	strace s2  }
0x95: {  	s2 =	sld [smem:$0x3FFD];
	_ =	sdelay $0x3  }
0x96: {  	_ =	strace s2  }
0x97: {  	_ =	strace $0x8FFFFFFF  }
0x98: {  	s18 =	sld [smem:$0x3FDB];
	_ =	sdelay $0x1  }
0x99: {  	s19 =	simm.s32 $_scs_section_size  }
0x9a: {  	s4 =	simm.s32 $_size__tile_overlayer_lowered;
	s5 =	simm.s32 $_tile_overlayer_lowered  }
0x9b: {  	s22 =	simm.s32 $0x1BFF;
	s21 =	sshll.u32 s5, $0x1;
	s2 =	sadd.s32 s19, s18  }
0x9c: {  	s6 =	simm.s32 $0x0;
	s20 =	sshll.u32 s4, $0x1;
	s4 =	sadd.s32 s21, s2  }
0x9d: {  	[timem:s6], [sflag:s22] =	dma.local [hbm:s4], s20  }
0x9e: {  	_ =	swait.ge [sflag:s22], s20  }
0x9f: {  	s3 =	ssub.s32 $0x0, s20;
	[sflag:s22] =	ssyncset.done $0x0  }
0xa0: {  	[sflag:s22] =	ssyncadd.s32 s3;
	_ =	sdelay $0x1  }
0xa1: {  	s23 =	simm.s32 $0x1B8B  }
0xa2: {  	_ =	swait.ge [sflag:s23], $0x1  }
0xa3: {  	[sflag:s23] =	ssyncset.done $0x0  }
0xa4: {  	s25 =	simm.s32 $0x1B8E;
	s24 =	sld [smem:$0x3FFE];
	[sflag:s23] =	ssyncadd.s32 $0xFFFFFFFF  }
0xa5: {  	s26 =	simm.s32 $execute0_lowered;
	[smem:$0x3FD2] =	sst s25  }
0xa6: {  	s4 =	sshll.u32 s26, $0x1;
	_ =	strace $0x8000004C;
	[dreg:$0x1] =	wrdreg $0xFFFFFFFF  }
0xa7: {  	s28 =	simm.s32 $_size_execute0_lowered;
	s2 =	sadd.s32 s2, s4;
	[dreg:$0x0] =	wrdreg $0x0  }
0xa8: {  	s4 =	sshll.u32 s28, $0x1;
	[dreg:$0x2] =	wrdreg s2  }
0xa9: {  	[dreg:$0x3] =	wrdreg s4  }
0xaa: {  	[dreg:$0x4] =	wrdreg $0xC0  }
0xab: {  	_ =	task [dreg:s6], $0x5FFFF  }
0xac: {  	[dreg:$0x1] =	wrdreg $0xFFFFFFFF  }
0xad: {  	[dreg:$0x0] =	wrdreg $0x60  }
0xae: {  	[dreg:$0x2] =	wrdreg s24  }
0xaf: {  	[dreg:$0x3] =	wrdreg $0xA4000  }
0xb0: {  	[dreg:$0x4] =	wrdreg $0x9  }
0xb1: {  	_ =	task.clear_ibuf [dreg:s6], $0x5FFFF;
	_ =	strace $0x9000004C  }
0xb2: {  	s29 =	simm.s32 $0x9;
	_ =	strace $0x8000004E  }
0xb3: {  	_ =	swait.ge [sflag:s29], $0x1  }
0xb4: {  	[sflag:s29] =	ssyncadd.s32 $0xFFFFFFFF  }
0xb5: {  	_ =	strace $0x9000004E  }
0xb6: {  	_ =	sfence  }
0xb7: {  	s30 =	sld [smem:$0x0];
	_ =	sdelay $0x2  }
0xb8: {  	s31 =	sshll.u32 s1, $0xD;
	s1 =	sshrl.u32 s1, $0x2  }
0xb9: {  	s3 =	sand.u32 $0x4000, s31;
	s1 =	sadd.s32 s1, s30  }
0xba: {  	s0 =	sor.u32 s3, s0;
	s1 =	sshll.u32 s1, $0x11  }
0xbb: {  	s0 =	sor.u32 s1, s0  }
0xbc: {  	s0 =	sadd.s32 $0x8F2B, s0  }
0xbd: {  	[sflag:s0] =	ssyncadd.remote.s32 $0x1  }
0xbe: {  	_ =	sfence.sel $0xFFFF  }
0xbf: {  	[dreg:$0x0] =	wrdreg $0xFFFFFFFF;
	(pc) =	sbr.abs _section_cstart, $3  }
0xc0: {  	[dreg:$0x1] =	wrdreg $0xFFFFFFFF  }
0xc1: {  	_ =	task.clear_ibuf [dreg:s6], $0x2FFFF;
	_ =	strace $0x9FFFFFFF  }
0xc2: {  	(tm) =	ssettm $0x7FFFFFFF  }
0xc3: {  	_ =	shalt  }
tec
execute0_lowered:
.L_overlay_start_1:
0x0: {  	(tag) =	ssettag $0x1  }
0x1: {  	s0 =	rddreg [dreg:$0x0];
	s10 =	stileid.u32  }
0x2: {  	s1 =	rddreg [dreg:$0x1];
	s6 =	smul.u32 $0x14000, s10  }
0x3: {  	s2 =	srdreg.scid;
	s3 =	simm.s32 $0x0;
	s23 =	smul.u32 $0x4E20, s10  }
0x4: {  	s2 =	sand.u32 $0x1, s2;
	s7 =	sshll.u32 s10, $0x1;
	s10 =	smul.u32 $0x50000, s10  }
0x5: {  	[smem:$0x7FF] =	sst s3;
	s4 =	sadd.s32 $0x27400, s0;
	s5 =	smul.u32 $0x140000, s2  }
0x6: {  	s7 =	sor.u32 s2, s7;
	s8 =	ssub.s32 $0x2, s2;
	s2 =	smul.u32 $0x2710, s2  }
0x7: {  	s29 =	sadd.s32 $0x13800, s0;
	_ =	strace $0x8000004D;
	s7 =	smul.u32 $0x2710, s7  }
0x8: {  	s17 =	sshrl.u32 s8, $0x1;
	s26 =	sshrl.u32 s10, $0x2;
	s5 =	sadd.s32 s6, s5  }
0x9: {  	s6 =	sadd.s32 $0x1D600, s0;
	s2 =	sadd.s32 s2, s23;
	s30 =	sadd.s32 s26, s1  }
0xa: {  	s5 =	sshrl.u32 s5, $0x3;
	s23 =	sadd.s32 $0xC800, s30;
	[dreg:$0x14] =	wrdreg s30  }
0xb: {  	s7 =	sshrl.u32 s7, $0x3;
	s26 =	sadd.s32 $0x11800, s30;
	[dreg:$0x1a] =	wrdreg s23  }
0xc: {  	s0 =	sadd.s32 s5, s0;
	s18 =	sadd.s32 s29, s7;
	[dreg:$0x1d] =	wrdreg s26  }
0xd: {  	s5 =	ssub.s32 s8, s17;
	s9 =	sadd.s32 s6, s7;
	[dreg:$0x9] =	wrdreg s18  }
0xe: {  	s19 =	sadd.s32 $0xA, s7;
	s17 =	sadd.s32 $0x2800, s30;
	[dreg:$0xa] =	wrdreg s9  }
0xf: {  	s31 =	simm.s32 $0x400;
	s20 =	sadd.s32 s29, s19;
	[dreg:$0x16] =	wrdreg s17  }
0x10: {  	s21 =	sadd.s32 $0x14, s7;
	s8 =	sadd.s32 s6, s19;
	[dreg:$0xb] =	wrdreg s20  }
0x11: {  	s28 =	simm.s32 $0xA;
	s22 =	sadd.s32 s29, s21;
	[dreg:$0xc] =	wrdreg s8  }
0x12: {  	s24 =	sadd.s32 $0x1E, s7;
	s9 =	sadd.s32 s6, s21;
	[dreg:$0xd] =	wrdreg s22  }
0x13: {  	s7 =	sadd.s32 $0x4D8, s7;
	s11 =	sadd.s32 s29, s24;
	[dreg:$0xe] =	wrdreg s9  }
0x14: {  	s14 =	sadd.s32 $0x190, s2;
	s25 =	sadd.s32 s29, s7;
	[dreg:$0xf] =	wrdreg s11  }
0x15: {  	s16 =	sshrl.u32 s14, $0x3;
	s7 =	sadd.s32 s6, s7;
	[dreg:$0x11] =	wrdreg s25  }
0x16: {  	s26 =	simm.s32 $0x9;
	s0 =	sadd.s32 $0x4F400, s0;
	[dreg:$0x12] =	wrdreg s7  }
0x17: {  	s5 =	smax.u32 s5, $0x1;
	s18 =	sadd.s32 s16, s6;
	[dreg:$0x13] =	wrdreg s0  }
0x18: {  	s19 =	sadd.s32 $0x5000, s30;
	s21 =	sadd.s32 $0x7800, s30;
	[dreg:$0x15] =	wrdreg s5  }
0x19: {  	s17 =	simm.s32 $0x4;
	s9 =	sadd.s32 s6, s24;
	[dreg:$0x17] =	wrdreg s19  }
0x1a: {  	s8 =	sadd.s32 $0x230, s2;
	s11 =	sadd.s32 $0x1E0, s2;
	[dreg:$0x7] =	wrdreg s18  }
0x1b: {  	s20 =	sadd.s32 s16, s29;
	[dreg:$0x18] =	wrdreg s21;
	s22 =	sadd.s32 $0xA000, s30  }
0x1c: {  	s24 =	sadd.s32 $0x140, s2;
	s25 =	sadd.s32 $0xF000, s30;
	[dreg:$0x10] =	wrdreg s9  }
0x1d: {  	s21 =	simm.s32 $0x6;
	s2 =	simm.s32 $0x0;
	[dreg:$0x19] =	wrdreg s22  }
0x1e: {  	s19 =	simm.s32 $0x7;
	s16 =	simm.s32 $0xC;
	[dreg:$0x8] =	wrdreg s20  }
0x1f: {  	s9 =	sshrl.u32 s8, $0x3;
	s12 =	sshrl.u32 s11, $0x3;
	[dreg:$0x1b] =	wrdreg s24  }
0x20: {  	[dreg:$0x1c] =	wrdreg s25;
	s11 =	simm.s32 $0x1;
	s10 =	sadd.s32 s9, s6  }
0x21: {  	s20 =	simm.s32 $0x5;
	s0 =	sadd.s32 s9, s29;
	[dreg:$0x3] =	wrdreg s10  }
0x22: {  	s24 =	simm.s32 $0x8;
	s13 =	sadd.s32 s12, s6;
	[dreg:$0x4] =	wrdreg s0  }
0x23: {  	s15 =	sadd.s32 s12, s29;
	s12 =	simm.s32 $0x50;
	[dreg:$0x5] =	wrdreg s13  }
0x24: {  	v0 =	vimm.f32 $0.0e+00;
	[dreg:$0x6] =	wrdreg s15;
	s13 =	simm.s32 $0x2;
	s15 =	simm.s32 $0x3  }
.LBB2_1:
0x25: {  	[dreg:$0x1e] =	wrdreg s2;
	s5 =	simm.s32 $0x0;
	s18 =	simm.s32 $0x200  }
.LBB2_2:
0x26: {  	p0 =	sne.s32 s18, $0x9E00;
	[tilespmem:s5+$0x470] =	vst v0  }
0x27: {  	[tilespmem:s5+$0x400] =	vst v0  }
0x28: {  	[tilespmem:s5+$0x410] =	vst v0  }
.Ltmp0:
0x29: {  	[tilespmem:s5+$0x420] =	vst v0;
	(pc) =	sbr.rel @p0 .LBB2_2-.Ltmp0, $4  }
0x2a: {  	[tilespmem:s5+$0x430] =	vst v0  }
0x2b: {  	[tilespmem:s5+$0x440] =	vst v0  }
0x2c: {  	[tilespmem:s5+$0x450] =	vst v0  }
0x2d: {  	[tilespmem:s5+$0x460] =	vst v0;
	s5 =	sshra.s32 s18, $0x2;
	s18 =	sadd.s32 $0x200, s18  }
0x2e: {  	[tilespmem:s5+$0x470] =	vst v0  }
0x2f: {  	[tilespmem:s5+$0x400] =	vst v0  }
0x30: {  	[tilespmem:s5+$0x410] =	vst v0  }
0x31: {  	[tilespmem:s5+$0x420] =	vst v0  }
0x32: {  	[tilespmem:s5+$0x430] =	vst v0  }
0x33: {  	[tilespmem:s5+$0x440] =	vst v0  }
0x34: {  	[tilespmem:s5+$0x450] =	vst v0  }
0x35: {  	[tilespmem:s5+$0x460] =	vst v0;
	s18 =	simm.s32 $0xD  }
0x36: {  	[spmem:s30] =	stream.linear.scatter [tilespmem:s31], [sflag:$0xD], $0x2800, $0x38;
	[tilespmem:$0x1E400] =	vst v63  }
0x37: {  	_ =	swait.ge [sflag:s18], $0x2800  }
0x38: {  	[sflag:s18] =	ssyncset.done $0x0  }
0x39: {  	s0 =	rddreg [dreg:$0x16];
	[sflag:s18] =	ssyncadd.s32 $0xFFFFD800  }
0x3a: {  	[spmem:s0] =	stream.linear.scatter [tilespmem:s31], [sflag:$0xD], $0x2800, $0x38;
	[tilespmem:$0x1E400] =	vst v63  }
0x3b: {  	_ =	swait.ge [sflag:s18], $0x2800  }
0x3c: {  	[sflag:s18] =	ssyncset.done $0x0  }
0x3d: {  	s22 =	rddreg [dreg:$0x17];
	[sflag:s18] =	ssyncadd.s32 $0xFFFFD800  }
0x3e: {  	[spmem:s22] =	stream.linear.scatter [tilespmem:s31], [sflag:$0xD], $0x2800, $0x38;
	[tilespmem:$0x1E400] =	vst v63  }
0x3f: {  	_ =	swait.ge [sflag:s18], $0x2800  }
0x40: {  	[sflag:s18] =	ssyncset.done $0x0  }
0x41: {  	s23 =	rddreg [dreg:$0x18];
	[sflag:s18] =	ssyncadd.s32 $0xFFFFD800  }
0x42: {  	[spmem:s23] =	stream.linear.scatter [tilespmem:s31], [sflag:$0xD], $0x2800, $0x38;
	[tilespmem:$0x1E400] =	vst v63  }
0x43: {  	_ =	swait.ge [sflag:s18], $0x2800  }
0x44: {  	[sflag:s18] =	ssyncset.done $0x0  }
0x45: {  	s25 =	rddreg [dreg:$0x19];
	[sflag:s18] =	ssyncadd.s32 $0xFFFFD800  }
0x46: {  	[spmem:s25] =	stream.linear.scatter [tilespmem:s31], [sflag:$0xD], $0x2800, $0x38;
	[tilespmem:$0x1E400] =	vst v63  }
0x47: {  	_ =	swait.ge [sflag:s18], $0x2800  }
0x48: {  	[sflag:s18] =	ssyncset.done $0x0  }
0x49: {  	s2 =	rddreg [dreg:$0x1a];
	[sflag:s18] =	ssyncadd.s32 $0xFFFFD800  }
0x4a: {  	[spmem:s2] =	stream.linear.scatter [tilespmem:s31], [sflag:$0xD], $0x2800, $0x38;
	[tilespmem:$0x1E400] =	vst v63  }
0x4b: {  	_ =	swait.ge [sflag:s18], $0x2800  }
0x4c: {  	[sflag:s18] =	ssyncset.done $0x0  }
0x4d: {  	s7 =	rddreg [dreg:$0x1c];
	[sflag:s18] =	ssyncadd.s32 $0xFFFFD800  }
0x4e: {  	[spmem:s7] =	stream.linear.scatter [tilespmem:s31], [sflag:$0xD], $0x2800, $0x38;
	[tilespmem:$0x1E400] =	vst v63  }
0x4f: {  	_ =	swait.ge [sflag:s18], $0x2800  }
0x50: {  	[sflag:s18] =	ssyncset.done $0x0  }
0x51: {  	s8 =	rddreg [dreg:$0x1d];
	[sflag:s18] =	ssyncadd.s32 $0xFFFFD800  }
0x52: {  	[spmem:s8] =	stream.linear.scatter [tilespmem:s31], [sflag:$0xD], $0x2800, $0x38;
	[tilespmem:$0x1E400] =	vst v63  }
0x53: {  	_ =	swait.ge [sflag:s18], $0x2800  }
0x54: {  	[sflag:s18] =	ssyncset.done $0x0  }
0x55: {  	[sflag:s18] =	ssyncadd.s32 $0xFFFFD800  }
0x56: {  	[bflag:$0x0] =	sbarrier.arrive $0xFFFF  }
0x57: {  	s5 =	simm.s32 $0x0;
	s9 =	rddreg [dreg:$0x9]  }
0x58: {  	[tilespmem:s5], [sflag:$0x1] =	stream.linear.gather [hbm4b:s9+s5], $0x50, $0x38;
	[tilespmem:$0x1E400] =	vst v63  }
0x59: {  	s30 =	simm.s32 $0x200;
	s10 =	rddreg [dreg:$0xa]  }
0x5a: {  	[tilespmem:s30], [sflag:$0x1] =	stream.linear.gather [hbm4b:s10+s5], $0x50, $0x38;
	[tilespmem:$0x1E400] =	vst v63  }
0x5b: {  	s14 =	rddreg [dreg:$0xb];
	s9 =	simm.s32 $0x80  }
0x5c: {  	[tilespmem:s9], [sflag:$0x2] =	stream.linear.gather [hbm4b:s14+s5], $0x50, $0x38;
	[tilespmem:$0x1E400] =	vst v63  }
0x5d: {  	s8 =	simm.s32 $0x280;
	s18 =	rddreg [dreg:$0xc]  }
0x5e: {  	[tilespmem:s8], [sflag:$0x2] =	stream.linear.gather [hbm4b:s18+s5], $0x50, $0x38;
	[tilespmem:$0x1E400] =	vst v63  }
0x5f: {  	s22 =	rddreg [dreg:$0xd];
	s14 =	simm.s32 $0x100  }
0x60: {  	[tilespmem:s14], [sflag:$0x3] =	stream.linear.gather [hbm4b:s22+s5], $0x50, $0x38;
	[tilespmem:$0x1E400] =	vst v63  }
0x61: {  	s7 =	simm.s32 $0x300;
	s23 =	rddreg [dreg:$0xe]  }
0x62: {  	[tilespmem:s7], [sflag:$0x3] =	stream.linear.gather [hbm4b:s23+s5], $0x50, $0x38;
	[tilespmem:$0x1E400] =	vst v63  }
0x63: {  	s25 =	rddreg [dreg:$0xf];
	s22 =	simm.s32 $0x180  }
0x64: {  	[tilespmem:s22], [sflag:$0x4] =	stream.linear.gather [hbm4b:s25+s5], $0x50, $0x38;
	[tilespmem:$0x1E400] =	vst v63  }
0x65: {  	s2 =	rddreg [dreg:$0x10];
	s10 =	simm.s32 $0x380  }
0x66: {  	[tilespmem:s10], [sflag:$0x4] =	stream.linear.gather [hbm4b:s2+s5], $0x50, $0x38;
	[tilespmem:$0x1E400] =	vst v63  }
0x67: {  	_ =	swait.ge [sflag:s11], $0x50  }
0x68: {  	[sflag:s11] =	ssyncset.done $0x0  }
0x69: {  	[sflag:s11] =	ssyncadd.s32 $0xFFFFFFB0  }
0x6a: {  	_ =	swait.ge [sflag:s11], $0x50  }
0x6b: {  	[sflag:s11] =	ssyncset.done $0x0  }
0x6c: {  	[sflag:s11] =	ssyncadd.s32 $0xFFFFFFB0  }
0x6d: {  	[tilespmem:s31], [sflag:$0x5] =	stream.indirect.gather [hbm4b:s4+s12], $0x80, s5, s12, $0xb8;
	[tilespmem:$0x1E400] =	vst v63  }
0x6e: {  	_ =	swait.ge [sflag:s13], $0x50  }
0x6f: {  	[sflag:s13] =	ssyncset.done $0x0  }
0x70: {  	[sflag:s13] =	ssyncadd.s32 $0xFFFFFFB0  }
0x71: {  	_ =	swait.ge [sflag:s13], $0x50  }
0x72: {  	[sflag:s13] =	ssyncset.done $0x0  }
0x73: {  	s23 =	simm.s32 $0x2C00;
	[sflag:s13] =	ssyncadd.s32 $0xFFFFFFB0  }
0x74: {  	[tilespmem:s23], [sflag:$0x6] =	stream.indirect.gather [hbm4b:s4+s12], $0x80, s9, s12, $0xb8;
	[tilespmem:$0x1E400] =	vst v63  }
0x75: {  	_ =	swait.ge [sflag:s15], $0x50  }
0x76: {  	[sflag:s15] =	ssyncset.done $0x0  }
0x77: {  	[sflag:s15] =	ssyncadd.s32 $0xFFFFFFB0  }
0x78: {  	_ =	swait.ge [sflag:s15], $0x50  }
0x79: {  	[sflag:s15] =	ssyncset.done $0x0  }
0x7a: {  	s25 =	simm.s32 $0x5400;
	[sflag:s15] =	ssyncadd.s32 $0xFFFFFFB0  }
0x7b: {  	[tilespmem:s25], [sflag:$0x7] =	stream.indirect.gather [hbm4b:s4+s12], $0x80, s14, s12, $0xb8;
	[tilespmem:$0x1E400] =	vst v63  }
0x7c: {  	_ =	swait.ge [sflag:s17], $0x50  }
0x7d: {  	[sflag:s17] =	ssyncset.done $0x0  }
0x7e: {  	[sflag:s17] =	ssyncadd.s32 $0xFFFFFFB0  }
0x7f: {  	_ =	swait.ge [sflag:s17], $0x50  }
0x80: {  	[sflag:s17] =	ssyncset.done $0x0  }
0x81: {  	s18 =	simm.s32 $0x7C00;
	[sflag:s17] =	ssyncadd.s32 $0xFFFFFFB0  }
0x82: {  	[tilespmem:s18], [sflag:$0x8] =	stream.indirect.gather [hbm4b:s4+s12], $0x80, s22, s12, $0xb8;
	[tilespmem:$0x1E400] =	vst v63  }
0x83: {  	_ =	swait.ge [sflag:s20], $0x2800  }
0x84: {  	[sflag:s20] =	ssyncset.done $0x0  }
0x85: {  	[sflag:s20] =	ssyncadd.s32 $0xFFFFD800  }
0x86: {  	[spmem:s1] =	stream.indirect.scatter.add.f32 [tilespmem:s31], [sflag:$0x9], $0x80, s30, s12, $0xb8;
	[tilespmem:$0x1E400] =	vst v63  }
0x87: {  	_ =	swait.ge [sflag:s21], $0x2800  }
0x88: {  	[sflag:s21] =	ssyncset.done $0x0  }
0x89: {  	[sflag:s21] =	ssyncadd.s32 $0xFFFFD800  }
0x8a: {  	[spmem:s1] =	stream.indirect.scatter.add.f32 [tilespmem:s23], [sflag:$0xA], $0x80, s8, s12, $0xb8;
	[tilespmem:$0x1E400] =	vst v63  }
0x8b: {  	_ =	swait.ge [sflag:s19], $0x2800  }
0x8c: {  	[sflag:s19] =	ssyncset.done $0x0  }
0x8d: {  	[sflag:s19] =	ssyncadd.s32 $0xFFFFD800  }
0x8e: {  	[spmem:s1] =	stream.indirect.scatter.add.f32 [tilespmem:s25], [sflag:$0xB], $0x80, s7, s12, $0xb8;
	[tilespmem:$0x1E400] =	vst v63  }
0x8f: {  	_ =	swait.ge [sflag:s24], $0x2800  }
0x90: {  	[sflag:s24] =	ssyncset.done $0x0  }
0x91: {  	[sflag:s24] =	ssyncadd.s32 $0xFFFFD800  }
0x92: {  	[spmem:s1] =	stream.indirect.scatter.add.f32 [tilespmem:s18], [sflag:$0xC], $0x80, s10, s12, $0xb8;
	[tilespmem:$0x1E400] =	vst v63  }
0x93: {  	_ =	swait.ge [sflag:s26], $0x2800  }
0x94: {  	s0 =	rddreg [dreg:$0x1b]  }
0x95: {  	[sflag:s26] =	ssyncset.done $0x0;
	s2 =	sshrl.u32 s0, $0x3  }
0x96: {  	[sflag:s26] =	ssyncadd.s32 $0xFFFFD800;
	s18 =	sadd.s32 s29, s2  }
0x97: {  	[tilespmem:s3], [sflag:$0x1] =	stream.linear.gather [hbm4b:s18+s3], $0x50, $0x38;
	[tilespmem:$0x1E400] =	vst v63  }
0x98: {  	s5 =	sadd.s32 s6, s2  }
0x99: {  	[tilespmem:s30], [sflag:$0x1] =	stream.linear.gather [hbm4b:s5+s3], $0x50, $0x38;
	[tilespmem:$0x1E400] =	vst v63  }
0x9a: {  	_ =	swait.ge [sflag:s28], $0x2800  }
0x9b: {  	s18 =	rddreg [dreg:$0x8];
	[sflag:s28] =	ssyncset.done $0x0  }
0x9c: {  	s2 =	rddreg [dreg:$0x7];
	[sflag:s28] =	ssyncadd.s32 $0xFFFFD800;
	s5 =	sadd.s32 $0x0, s18  }
0x9d: {  	[tilespmem:s9], [sflag:$0x2] =	stream.linear.gather [hbm4b:s5+s3], $0x50, $0x38;
	[tilespmem:$0x1E400] =	vst v63  }
0x9e: {  	s2 =	sadd.s32 $0x0, s2  }
0x9f: {  	[tilespmem:s8], [sflag:$0x2] =	stream.linear.gather [hbm4b:s2+s3], $0x50, $0x38;
	[tilespmem:$0x1E400] =	vst v63  }
0xa0: {  	s2 =	simm.s32 $0xB  }
0xa1: {  	_ =	swait.ge [sflag:s2], $0x2800  }
0xa2: {  	s18 =	rddreg [dreg:$0x6];
	[sflag:s2] =	ssyncset.done $0x0  }
0xa3: {  	s8 =	rddreg [dreg:$0x5];
	[sflag:s2] =	ssyncadd.s32 $0xFFFFD800;
	s5 =	sadd.s32 $0x0, s18  }
0xa4: {  	[tilespmem:s14], [sflag:$0x3] =	stream.linear.gather [hbm4b:s5+s3], $0x50, $0x38;
	[tilespmem:$0x1E400] =	vst v63  }
0xa5: {  	s18 =	sadd.s32 $0x0, s8  }
0xa6: {  	[tilespmem:s7], [sflag:$0x3] =	stream.linear.gather [hbm4b:s18+s3], $0x50, $0x38;
	[tilespmem:$0x1E400] =	vst v63  }
0xa7: {  	_ =	swait.ge [sflag:s16], $0x2800  }
0xa8: {  	s7 =	rddreg [dreg:$0x4];
	[sflag:s16] =	ssyncset.done $0x0  }
0xa9: {  	s8 =	rddreg [dreg:$0x3];
	[sflag:s16] =	ssyncadd.s32 $0xFFFFD800;
	s5 =	sadd.s32 $0x0, s7  }
0xaa: {  	[tilespmem:s22], [sflag:$0x4] =	stream.linear.gather [hbm4b:s5+s3], $0x50, $0x38;
	[tilespmem:$0x1E400] =	vst v63  }
0xab: {  	s22 =	sadd.s32 $0x0, s8  }
0xac: {  	[tilespmem:s10], [sflag:$0x4] =	stream.linear.gather [hbm4b:s22+s3], $0x50, $0x38;
	[tilespmem:$0x1E400] =	vst v63  }
0xad: {  	_ =	swait.ge [sflag:s11], $0x50  }
0xae: {  	[sflag:s11] =	ssyncset.done $0x0  }
0xaf: {  	[sflag:s11] =	ssyncadd.s32 $0xFFFFFFB0  }
0xb0: {  	_ =	swait.ge [sflag:s11], $0x50  }
0xb1: {  	[sflag:s11] =	ssyncset.done $0x0  }
0xb2: {  	[sflag:s11] =	ssyncadd.s32 $0xFFFFFFB0  }
0xb3: {  	[tilespmem:s31], [sflag:$0x5] =	stream.indirect.gather [hbm4b:s4+s12], $0x80, s3, s12, $0xb8;
	[tilespmem:$0x1E400] =	vst v63  }
0xb4: {  	_ =	swait.ge [sflag:s13], $0x50  }
0xb5: {  	[sflag:s13] =	ssyncset.done $0x0  }
0xb6: {  	[sflag:s13] =	ssyncadd.s32 $0xFFFFFFB0  }
0xb7: {  	_ =	swait.ge [sflag:s13], $0x50  }
0xb8: {  	[sflag:s13] =	ssyncset.done $0x0  }
0xb9: {  	[sflag:s13] =	ssyncadd.s32 $0xFFFFFFB0  }
0xba: {  	[tilespmem:s23], [sflag:$0x6] =	stream.indirect.gather [hbm4b:s4+s12], $0x80, s9, s12, $0xb8;
	[tilespmem:$0x1E400] =	vst v63  }
0xbb: {  	_ =	swait.ge [sflag:s15], $0x50  }
0xbc: {  	[sflag:s15] =	ssyncset.done $0x0  }
0xbd: {  	[sflag:s15] =	ssyncadd.s32 $0xFFFFFFB0  }
0xbe: {  	_ =	swait.ge [sflag:s15], $0x50  }
0xbf: {  	[sflag:s15] =	ssyncset.done $0x0  }
0xc0: {  	[sflag:s15] =	ssyncadd.s32 $0xFFFFFFB0  }
0xc1: {  	[tilespmem:s25], [sflag:$0x7] =	stream.indirect.gather [hbm4b:s4+s12], $0x80, s14, s12, $0xb8;
	[tilespmem:$0x1E400] =	vst v63  }
0xc2: {  	_ =	swait.ge [sflag:s17], $0x50  }
0xc3: {  	[sflag:s17] =	ssyncset.done $0x0  }
0xc4: {  	[sflag:s17] =	ssyncadd.s32 $0xFFFFFFB0  }
0xc5: {  	_ =	swait.ge [sflag:s17], $0x50  }
0xc6: {  	s30 =	sadd.s32 $0x140, s0;
	[sflag:s17] =	ssyncset.done $0x0  }
0xc7: {  	s0 =	smov.u32 s6;
	s18 =	simm.s32 $0x28;
	[sflag:s17] =	ssyncadd.s32 $0xFFFFFFB0  }
.LBB2_4:
0xc8: {  	s22 =	simm.s32 $0x180;
	s6 =	simm.s32 $0x7C00  }
0xc9: {  	[tilespmem:s6], [sflag:$0x8] =	stream.indirect.gather [hbm4b:s4+s12], $0x80, s22, s12, $0xb8;
	[tilespmem:$0x1E400] =	vst v63  }
0xca: {  	_ =	swait.ge [sflag:s20], $0x2800  }
0xcb: {  	[sflag:s20] =	ssyncset.done $0x0  }
0xcc: {  	s10 =	simm.s32 $0x200;
	[sflag:s20] =	ssyncadd.s32 $0xFFFFD800  }
0xcd: {  	[spmem:s1] =	stream.indirect.scatter.add.f32 [tilespmem:s31], [sflag:$0x9], $0x80, s10, s12, $0xb8;
	[tilespmem:$0x1E400] =	vst v63  }
0xce: {  	_ =	swait.ge [sflag:s21], $0x2800  }
0xcf: {  	[sflag:s21] =	ssyncset.done $0x0  }
0xd0: {  	s7 =	simm.s32 $0x280;
	s23 =	simm.s32 $0x2C00;
	[sflag:s21] =	ssyncadd.s32 $0xFFFFD800  }
0xd1: {  	[spmem:s1] =	stream.indirect.scatter.add.f32 [tilespmem:s23], [sflag:$0xA], $0x80, s7, s12, $0xb8;
	[tilespmem:$0x1E400] =	vst v63  }
0xd2: {  	_ =	swait.ge [sflag:s19], $0x2800  }
0xd3: {  	[sflag:s19] =	ssyncset.done $0x0  }
0xd4: {  	s9 =	simm.s32 $0x300;
	s25 =	simm.s32 $0x5400;
	[sflag:s19] =	ssyncadd.s32 $0xFFFFD800  }
0xd5: {  	[spmem:s1] =	stream.indirect.scatter.add.f32 [tilespmem:s25], [sflag:$0xB], $0x80, s9, s12, $0xb8;
	[tilespmem:$0x1E400] =	vst v63  }
0xd6: {  	_ =	swait.ge [sflag:s24], $0x2800  }
0xd7: {  	[sflag:s24] =	ssyncset.done $0x0  }
0xd8: {  	s8 =	simm.s32 $0x380;
	[sflag:s24] =	ssyncadd.s32 $0xFFFFD800  }
0xd9: {  	[spmem:s1] =	stream.indirect.scatter.add.f32 [tilespmem:s6], [sflag:$0xC], $0x80, s8, s12, $0xb8;
	[tilespmem:$0x1E400] =	vst v63  }
0xda: {  	_ =	swait.ge [sflag:s26], $0x2800  }
0xdb: {  	s14 =	sshrl.u32 s30, $0x3;
	[sflag:s26] =	ssyncset.done $0x0  }
0xdc: {  	s31 =	smov.u32 s29;
	s29 =	sadd.s32 s29, s14;
	[sflag:s26] =	ssyncadd.s32 $0xFFFFD800  }
0xdd: {  	[tilespmem:s3], [sflag:$0x1] =	stream.linear.gather [hbm4b:s29+s3], $0x50, $0x38;
	[tilespmem:$0x1E400] =	vst v63  }
0xde: {  	s6 =	sadd.s32 s0, s14  }
0xdf: {  	[tilespmem:s10], [sflag:$0x1] =	stream.linear.gather [hbm4b:s6+s3], $0x50, $0x38;
	[tilespmem:$0x1E400] =	vst v63  }
0xe0: {  	_ =	swait.ge [sflag:s28], $0x2800  }
0xe1: {  	s20 =	rddreg [dreg:$0x8]  }
0xe2: {  	s5 =	smov.u32 s18;
	[sflag:s28] =	ssyncset.done $0x0;
	s29 =	rddreg [dreg:$0x7]  }
0xe3: {  	[sflag:s28] =	ssyncadd.s32 $0xFFFFD800;
	s6 =	sadd.s32 s5, s20;
	s20 =	simm.s32 $0x80  }
0xe4: {  	[tilespmem:s20], [sflag:$0x2] =	stream.linear.gather [hbm4b:s6+s3], $0x50, $0x38;
	[tilespmem:$0x1E400] =	vst v63  }
0xe5: {  	s21 =	sadd.s32 s5, s29  }
0xe6: {  	[tilespmem:s7], [sflag:$0x2] =	stream.linear.gather [hbm4b:s21+s3], $0x50, $0x38;
	[tilespmem:$0x1E400] =	vst v63  }
0xe7: {  	_ =	swait.ge [sflag:s2], $0x2800  }
0xe8: {  	s21 =	simm.s32 $0x100;
	s7 =	rddreg [dreg:$0x6];
	[sflag:s2] =	ssyncset.done $0x0  }
0xe9: {  	s29 =	rddreg [dreg:$0x5];
	[sflag:s2] =	ssyncadd.s32 $0xFFFFD800;
	s6 =	sadd.s32 s5, s7  }
0xea: {  	[tilespmem:s21], [sflag:$0x3] =	stream.linear.gather [hbm4b:s6+s3], $0x50, $0x38;
	[tilespmem:$0x1E400] =	vst v63  }
0xeb: {  	s10 =	sadd.s32 s5, s29  }
0xec: {  	[tilespmem:s9], [sflag:$0x3] =	stream.linear.gather [hbm4b:s10+s3], $0x50, $0x38;
	[tilespmem:$0x1E400] =	vst v63  }
0xed: {  	_ =	swait.ge [sflag:s16], $0x2800  }
0xee: {  	s10 =	rddreg [dreg:$0x4];
	[sflag:s16] =	ssyncset.done $0x0  }
0xef: {  	s29 =	rddreg [dreg:$0x3];
	[sflag:s16] =	ssyncadd.s32 $0xFFFFD800;
	s6 =	sadd.s32 s5, s10  }
0xf0: {  	[tilespmem:s22], [sflag:$0x4] =	stream.linear.gather [hbm4b:s6+s3], $0x50, $0x38;
	[tilespmem:$0x1E400] =	vst v63  }
0xf1: {  	s5 =	sadd.s32 s5, s29  }
0xf2: {  	[tilespmem:s8], [sflag:$0x4] =	stream.linear.gather [hbm4b:s5+s3], $0x50, $0x38;
	[tilespmem:$0x1E400] =	vst v63  }
0xf3: {  	_ =	swait.ge [sflag:s11], $0x50  }
0xf4: {  	[sflag:s11] =	ssyncset.done $0x0  }
0xf5: {  	[sflag:s11] =	ssyncadd.s32 $0xFFFFFFB0  }
0xf6: {  	_ =	swait.ge [sflag:s11], $0x50  }
0xf7: {  	[sflag:s11] =	ssyncset.done $0x0  }
0xf8: {  	s29 =	smov.u32 s31;
	s31 =	simm.s32 $0x400;
	[sflag:s11] =	ssyncadd.s32 $0xFFFFFFB0  }
0xf9: {  	[tilespmem:s31], [sflag:$0x5] =	stream.indirect.gather [hbm4b:s4+s12], $0x80, s3, s12, $0xb8;
	[tilespmem:$0x1E400] =	vst v63  }
0xfa: {  	_ =	swait.ge [sflag:s13], $0x50  }
0xfb: {  	[sflag:s13] =	ssyncset.done $0x0  }
0xfc: {  	[sflag:s13] =	ssyncadd.s32 $0xFFFFFFB0  }
0xfd: {  	_ =	swait.ge [sflag:s13], $0x50  }
0xfe: {  	[sflag:s13] =	ssyncset.done $0x0  }
0xff: {  	[sflag:s13] =	ssyncadd.s32 $0xFFFFFFB0  }
0x100: {  	[tilespmem:s23], [sflag:$0x6] =	stream.indirect.gather [hbm4b:s4+s12], $0x80, s20, s12, $0xb8;
	[tilespmem:$0x1E400] =	vst v63  }
0x101: {  	_ =	swait.ge [sflag:s15], $0x50  }
0x102: {  	[sflag:s15] =	ssyncset.done $0x0  }
0x103: {  	[sflag:s15] =	ssyncadd.s32 $0xFFFFFFB0  }
0x104: {  	_ =	swait.ge [sflag:s15], $0x50  }
0x105: {  	[sflag:s15] =	ssyncset.done $0x0  }
0x106: {  	[sflag:s15] =	ssyncadd.s32 $0xFFFFFFB0  }
0x107: {  	[tilespmem:s25], [sflag:$0x7] =	stream.indirect.gather [hbm4b:s4+s12], $0x80, s21, s12, $0xb8;
	[tilespmem:$0x1E400] =	vst v63  }
0x108: {  	p0 =	sne.s32 s18, $0x488;
	s18 =	sadd.s32 $0x28, s18;
	_ =	swait.ge [sflag:s17], $0x50  }
.Ltmp1:
0x109: {  	s30 =	sadd.s32 $0x140, s30;
	[sflag:s17] =	ssyncset.done $0x0;
	(pc) =	sbr.rel @p0 .LBB2_4-.Ltmp1, $4  }
0x10a: {  	s14 =	simm.s32 $0x280;
	s7 =	simm.s32 $0x300;
	[sflag:s17] =	ssyncadd.s32 $0xFFFFFFB0  }
0x10b: {  	s9 =	simm.s32 $0x180;
	s10 =	simm.s32 $0x380;
	_ =	swait.ge [sflag:s17], $0x50  }
0x10c: {  	s5 =	simm.s32 $0x2C00;
	s8 =	simm.s32 $0x5400;
	[sflag:s17] =	ssyncset.done $0x0  }
0x10d: {  	s20 =	simm.s32 $0x5;
	s21 =	simm.s32 $0x6;
	[sflag:s17] =	ssyncadd.s32 $0xFFFFFFB0  }
0x10e: {  	s18 =	simm.s32 $0x7C00  }
0x10f: {  	[tilespmem:s18], [sflag:$0x8] =	stream.indirect.gather [hbm4b:s4+s12], $0x80, s9, s12, $0xb8;
	[tilespmem:$0x1E400] =	vst v63  }
0x110: {  	_ =	swait.ge [sflag:s20], $0x2800  }
0x111: {  	[sflag:s20] =	ssyncset.done $0x0  }
0x112: {  	s6 =	simm.s32 $0x200;
	[sflag:s20] =	ssyncadd.s32 $0xFFFFD800  }
0x113: {  	[spmem:s1] =	stream.indirect.scatter.add.f32 [tilespmem:s31], [sflag:$0x9], $0x80, s6, s12, $0xb8;
	[tilespmem:$0x1E400] =	vst v63  }
0x114: {  	_ =	swait.ge [sflag:s21], $0x2800  }
0x115: {  	[sflag:s21] =	ssyncset.done $0x0  }
0x116: {  	[sflag:s21] =	ssyncadd.s32 $0xFFFFD800  }
0x117: {  	[spmem:s1] =	stream.indirect.scatter.add.f32 [tilespmem:s5], [sflag:$0xA], $0x80, s14, s12, $0xb8;
	[tilespmem:$0x1E400] =	vst v63  }
0x118: {  	_ =	swait.ge [sflag:s19], $0x2800  }
0x119: {  	[sflag:s19] =	ssyncset.done $0x0  }
0x11a: {  	[sflag:s19] =	ssyncadd.s32 $0xFFFFD800  }
0x11b: {  	[spmem:s1] =	stream.indirect.scatter.add.f32 [tilespmem:s8], [sflag:$0xB], $0x80, s7, s12, $0xb8;
	[tilespmem:$0x1E400] =	vst v63  }
0x11c: {  	_ =	swait.ge [sflag:s24], $0x2800  }
0x11d: {  	[sflag:s24] =	ssyncset.done $0x0  }
0x11e: {  	[sflag:s24] =	ssyncadd.s32 $0xFFFFD800  }
0x11f: {  	[spmem:s1] =	stream.indirect.scatter.add.f32 [tilespmem:s18], [sflag:$0xC], $0x80, s10, s12, $0xb8;
	[tilespmem:$0x1E400] =	vst v63  }
0x120: {  	_ =	swait.ge [sflag:s26], $0x2800  }
0x121: {  	[sflag:s26] =	ssyncset.done $0x0  }
0x122: {  	[sflag:s26] =	ssyncadd.s32 $0xFFFFD800  }
0x123: {  	_ =	swait.ge [sflag:s28], $0x2800  }
0x124: {  	[sflag:s28] =	ssyncset.done $0x0  }
0x125: {  	[sflag:s28] =	ssyncadd.s32 $0xFFFFD800  }
0x126: {  	_ =	swait.ge [sflag:s2], $0x2800  }
0x127: {  	[sflag:s2] =	ssyncset.done $0x0  }
0x128: {  	[sflag:s2] =	ssyncadd.s32 $0xFFFFD800  }
0x129: {  	_ =	swait.ge [sflag:s16], $0x2800  }
0x12a: {  	[sflag:s16] =	ssyncset.done $0x0  }
0x12b: {  	s7 =	rddreg [dreg:$0x11];
	[sflag:s16] =	ssyncadd.s32 $0xFFFFD800  }
0x12c: {  	[tilespmem:s3], [sflag:$0x1] =	stream.linear.gather [hbm4b:s7+s3], $0x50, $0x38;
	[tilespmem:$0x1E400] =	vst v63  }
0x12d: {  	s8 =	rddreg [dreg:$0x12]  }
0x12e: {  	[tilespmem:s6], [sflag:$0x1] =	stream.linear.gather [hbm4b:s8+s3], $0x50, $0x38;
	[tilespmem:$0x1E400] =	vst v63  }
0x12f: {  	_ =	swait.ge [sflag:s11], $0x50  }
0x130: {  	[sflag:s11] =	ssyncset.done $0x0  }
0x131: {  	[sflag:s11] =	ssyncadd.s32 $0xFFFFFFB0  }
0x132: {  	_ =	swait.ge [sflag:s11], $0x50  }
0x133: {  	[sflag:s11] =	ssyncset.done $0x0  }
0x134: {  	[sflag:s11] =	ssyncadd.s32 $0xFFFFFFB0  }
0x135: {  	[tilespmem:s31], [sflag:$0x5] =	stream.indirect.gather [hbm4b:s4+s12], $0x80, s3, s12, $0xb8;
	[tilespmem:$0x1E400] =	vst v63  }
0x136: {  	_ =	swait.ge [sflag:s20], $0x2800  }
0x137: {  	[sflag:s20] =	ssyncset.done $0x0  }
0x138: {  	[sflag:s20] =	ssyncadd.s32 $0xFFFFD800  }
0x139: {  	[spmem:s1] =	stream.indirect.scatter.add.f32 [tilespmem:s31], [sflag:$0x9], $0x80, s6, s12, $0xb8;
	[tilespmem:$0x1E400] =	vst v63  }
0x13a: {  	_ =	swait.ge [sflag:s26], $0x2800  }
0x13b: {  	[sflag:s26] =	ssyncset.done $0x0  }
0x13c: {  	[sflag:s26] =	ssyncadd.s32 $0xFFFFD800  }
0x13d: {  	s9 =	stileid.u32;
	[bflag:$0x0] =	sbarrier.arrive $0xFFFF  }
0x13e: {  	s22 =	simm.s32 $0xD;
	s5 =	sshll.u32 s9, $0x6;
	s30 =	rddreg [dreg:$0x14]  }
0x13f: {  	s5 =	sor.u32 $0x1C0D, s5;
	s14 =	rddreg [dreg:$0x13];
	s10 =	sshrl.u32 s30, $0x3  }
0x140: {  	[hbm:s14], [sflag:s5] =	dma.local [spmem:s10], $0x2800  }
0x141: {  	_ =	swait.ge [sflag:s22], $0x2800  }
0x142: {  	s23 =	rddreg [dreg:$0x1e]  }
0x143: {  	s25 =	rddreg [dreg:$0x15];
	s2 =	sadd.s32 $0x1, s23  }
0x144: {  	p0 =	sne.s32 s2, s25  }
.Ltmp2:
0x145: {  	_ = 	snop;
	(pc) =	sbr.rel @p0 .LBB2_1-.Ltmp2, $3  }
0x146: {  	_ =	sdelay $0x1  }
0x147: {  	[sflag:s22] =	ssyncset.done $0x0  }
0x148: {  	s6 =	smov.u32 s0;
	[sflag:s22] =	ssyncadd.s32 $0xFFFFD800  }
0x149: {  	_ =	sfence.sel $0x180000  }
0x14a: {  	[bflag:$0x0] =	sbarrier.arrive $0xFFFF  }
0x14b: {  	_ =	strace $0x9000004D  }
0x14c: {  	s0 =	stileid.u32;
	[bflag:$0x2] =	sbarrier.arrive $0xFFFF  }
0x14d: {  	p0 =	sne.s32 s0, $0x0;
	s0 =	rddreg [dreg:$0x2]  }
0x14e: {  	s0 =	sadd.s32 @!p0 $0x100000, s0  }
0x14f: {  	[sflag:s0] =	ssyncadd.tile.s32 @!p0 $0x1;
	_ =	shalt  }
.Lfunc_end2:
_tile_overlayer_lowered:
.L_overlay_start_2:
0x150: {  	(tag) =	ssettag $0x2  }
0x151: {  	s0 =	rddreg [dreg:$0x0];
	s2 =	stileid.u32  }
0x152: {  	s1 =	rddreg [dreg:$0x1];
	p0 =	sne.s32 s2, $0x0  }
0x153: {  	s3 =	rddreg [dreg:$0x2];
	[bflag:$0x3] =	sbarrier.arrive $0xFFFF;
	s2 =	simm.s32 @!p0 $0x1C0D  }
0x154: {  	[timem:s3], [sflag:s2] =	dma.local @!p0 [hbm:s0], s1  }
0x155: {  	s0 =	simm.s32 @!p0 $0xD  }
0x156: {  	_ =	swait.ge @!p0 [sflag:s0], s1  }
0x157: {  	s1 =	ssub.s32 @!p0 $0x0, s1;
	[sflag:s0] =	ssyncset.done @!p0 $0x0  }
0x158: {  	[sflag:s0] =	ssyncadd.s32 @!p0 s1  }
0x159: {  	[bflag:$0x3] =	sbarrier.arrive $0xFFFF  }
0x15a: {  	_ =	shalt  }

// kernel: kernel.8.cloned.1.call-start
scs
__scs_entry_jumppad:
0x0: {  	(pc) =	sbr.rel $0x88, $3  }
0x1: {  	(tag) =	ssettag $0x0;
	lr =	simm.s32 $0x1  }
0x2: {  	[smem:$0x3F9B] =	sst lr;
	_ =	strace $0xD0000000  }
0x3: {  	_ = 	snop  }
0x4: {  	_ = 	snop  }
0x5: {  	_ = 	snop  }
0x6: {  	_ = 	snop  }
0x7: {  	_ = 	snop  }
__scs_overlays_trampoline_lowered:
0x8: {  	[smem:$0x3FAA] =	sst s0  }
0x9: {  	[smem:$0x3FAB] =	sst s1  }
0xa: {  	[smem:$0x3FAC] =	sst s2  }
0xb: {  	[smem:$0x3FAD] =	sst s3  }
0xc: {  	[smem:$0x3FAE] =	sst s4  }
0xd: {  	[smem:$0x3FAF] =	sst s5  }
0xe: {  	[smem:$0x3FB0] =	sst s6  }
0xf: {  	[smem:$0x3FB1] =	sst s7  }
0x10: {  	[smem:$0x3FB2] =	sst s8  }
0x11: {  	[smem:$0x3FB3] =	sst s9;
	s0 =	simm.s32 @!p0 $0x0  }
0x12: {  	s1 =	sld [smem:$0x3F99];
	s0 =	simm.s32 @p0 $0x1  }
0x13: {  	[smem:$0x3FB4] =	sst s0;
	s0 =	simm.s32 @!p1 $0x0  }
0x14: {  	s2 =	sld [smem:$0x3F98];
	s0 =	simm.s32 @p1 $0x1  }
0x15: {  	[smem:$0x3FB5] =	sst s0;
	s0 =	simm.s32 @!p2 $0x0  }
0x16: {  	s3 =	sld [smem:$0x3FDB];
	s0 =	simm.s32 @p2 $0x1  }
0x17: {  	s4 =	simm.s32 $0x1BF5;
	[smem:$0x3FB7] =	sst s0  }
0x18: {  	s0 =	sld [smem:$0x3F9A];
	_ =	swait.ge [sflag:s4], $0x0  }
0x19: {  	s7 =	sld [smem:$0x3F9B]  }
0x1a: {  	s8 =	sadd.s32 $0xFFFFE003, lr  }
0x1b: {  	s9 =	sadd.s32 $0xFFFFFEF7, lr;
	s5 =	simm.s32 $0xFFFFFFFF;
	p2 =	slt.u32 s8, $0xFFFFF086  }
0x1c: {  	p1 =	slt.u32 s9, $0xF7A;
	s5 =	simm.s32 @!p2 $0x0  }
0x1d: {  	s5 =	simm.s32 @p1 $0x1;
	p0 =	seq.s32 s7, s2  }
0x1e: {  	s7 =	smul.u32 @!p0 $0xF7A, s2;
	p2 =	seq.s32 @!p0 s5, $0x0  }
0x1f: {  	s9 =	smul.u32 $0xF7A, s1;
	s8 =	simm.s32 @!p0 $0x1BF5;
	p2 =	por !p2, p0  }
0x20: {  	[sflag:s8] =	ssyncset.s32 @!p0 $0xFFFFF086;
	s6 =	sadd.s32 @!p0 s3, s7;
	s7 =	simm.s32 @!p0 $0x108  }
0x21: {  	s3 =	sadd.s32 s3, s9;
	s6 =	sadd.s32 @!p0 $0x88, s6;
	s7 =	simm.s32 @p2 $0x1082  }
0x22: {  	[simem:s7], [sflag:s8] =	dma.local @!p0 [hbm:s6], $0xF7A  }
0x23: {  	s9 =	sor.u32 $0xD0000000, s2;
	s6 =	simm.s32 $0x108;
	_ =	swait.ge @!p0 [sflag:s8], $0x0  }
0x24: {  	s3 =	sadd.s32 $0x88, s3;
	s6 =	simm.s32 @!p1 $0x1082;
	[sflag:s4] =	ssyncset.s32 $0xFFFFF086  }
0x25: {  	[simem:s6], [sflag:s4] =	dma.local [hbm:s3], $0xF7A  }
0x26: {  	[smem:$0x3F9B] =	sst s1;
	(tag) =	ssettag s2;
	_ =	strace s9  }
0x27: {  	s1 =	sld [smem:$0x3FAB]  }
0x28: {  	s2 =	sld [smem:$0x3FAC]  }
0x29: {  	s4 =	sld [smem:$0x3FAE]  }
0x2a: {  	p0 =	seq.s32 s5, $0x0;
	s5 =	sld [smem:$0x3FAF]  }
0x2b: {  	s6 =	sld [smem:$0x3FB0]  }
0x2c: {  	s7 =	sld [smem:$0x3FB1]  }
0x2d: {  	s3 =	simm.s32 $0x108;
	s8 =	sld [smem:$0x3FB2]  }
0x2e: {  	s3 =	simm.s32 @!p0 $0x1082;
	s9 =	sld [smem:$0x3FB3]  }
0x2f: {  	lr =	sadd.s32 s0, s3;
	s0 =	sld [smem:$0x3FAA]  }
0x30: {  	s3 =	sld [smem:$0x3FAD]  }
0x31: {  	[smem:$0x3FB6] =	sst s10  }
0x32: {  	s10 =	sld [smem:$0x3FB4];
	_ =	sdelay $0x3  }
0x33: {  	p0 =	seq.s32 s10, $0x1;
	s10 =	sld [smem:$0x3FB6];
	_ =	sdelay $0x3  }
0x34: {  	[smem:$0x3FB6] =	sst s10  }
0x35: {  	s10 =	sld [smem:$0x3FB5];
	_ =	sdelay $0x3  }
0x36: {  	p1 =	seq.s32 s10, $0x1;
	s10 =	sld [smem:$0x3FB6];
	_ =	sdelay $0x3  }
0x37: {  	[smem:$0x3FB6] =	sst s10  }
0x38: {  	s10 =	sld [smem:$0x3FB7]  }
0x39: {  	_ = 	snop;
	(pc) =	sbr.ind lr, $3  }
0x3a: {  	_ = 	snop  }
0x3b: {  	_ = 	snop  }
0x3c: {  	p2 =	seq.s32 s10, $0x1;
	s10 =	sld [smem:$0x3FB6]  }
0x3d: {  	_ =	shalt  }
0x3e: {  	_ =	shalt  }
0x3f: {  	_ =	shalt  }
0x40: {  	_ =	shalt  }
0x41: {  	_ =	shalt  }
0x42: {  	_ =	shalt  }
0x43: {  	_ =	shalt  }
0x44: {  	_ =	shalt  }
0x45: {  	_ =	shalt  }
0x46: {  	_ =	shalt  }
0x47: {  	_ =	shalt  }
0x48: {  	_ =	shalt  }
0x49: {  	_ =	shalt  }
0x4a: {  	_ =	shalt  }
0x4b: {  	_ =	shalt  }
0x4c: {  	_ =	shalt  }
0x4d: {  	_ =	shalt  }
0x4e: {  	_ =	shalt  }
0x4f: {  	_ =	shalt  }
0x50: {  	_ =	shalt  }
0x51: {  	_ =	shalt  }
0x52: {  	_ =	shalt  }
0x53: {  	_ =	shalt  }
0x54: {  	_ =	shalt  }
0x55: {  	_ =	shalt  }
0x56: {  	_ =	shalt  }
0x57: {  	_ =	shalt  }
0x58: {  	_ =	shalt  }
0x59: {  	_ =	shalt  }
0x5a: {  	_ =	shalt  }
0x5b: {  	_ =	shalt  }
0x5c: {  	_ =	shalt  }
0x5d: {  	_ =	shalt  }
0x5e: {  	_ =	shalt  }
0x5f: {  	_ =	shalt  }
0x60: {  	_ =	shalt  }
0x61: {  	_ =	shalt  }
0x62: {  	_ =	shalt  }
0x63: {  	_ =	shalt  }
0x64: {  	_ =	shalt  }
0x65: {  	_ =	shalt  }
0x66: {  	_ =	shalt  }
0x67: {  	_ =	shalt  }
0x68: {  	_ =	shalt  }
0x69: {  	_ =	shalt  }
0x6a: {  	_ =	shalt  }
0x6b: {  	_ =	shalt  }
0x6c: {  	_ =	shalt  }
0x6d: {  	_ =	shalt  }
0x6e: {  	_ =	shalt  }
0x6f: {  	_ =	shalt  }
0x70: {  	_ =	shalt  }
0x71: {  	_ =	shalt  }
0x72: {  	_ =	shalt  }
0x73: {  	_ =	shalt  }
0x74: {  	_ =	shalt  }
0x75: {  	_ =	shalt  }
0x76: {  	_ =	shalt  }
0x77: {  	_ =	shalt  }
0x78: {  	_ =	shalt  }
0x79: {  	_ =	shalt  }
0x7a: {  	_ =	shalt  }
0x7b: {  	_ =	shalt  }
0x7c: {  	_ =	shalt  }
0x7d: {  	_ =	shalt  }
0x7e: {  	_ =	shalt  }
0x7f: {  	_ =	shalt  }
0x80: {  	_ =	shalt  }
0x81: {  	_ =	shalt  }
0x82: {  	_ =	shalt  }
0x83: {  	_ =	shalt  }
0x84: {  	_ =	shalt  }
0x85: {  	_ =	shalt  }
0x86: {  	_ =	shalt  }
0x87: {  	_ =	shalt  }
.Lfunc_end0:
.L_simem_size_0:
called_computation_lowered:
.L_overlay_start_0:
0x88: {  	s2 =	sld [smem:$0x3FD9]  }
0x89: {  	s3 =	sld [smem:$0x3FFE];
	_ =	sdelay $0x1  }
0x8a: {  	s1 =	srdreg.scid  }
0x8b: {  	s0 =	sand.u32 $0x1, s1  }
0x8c: {  	s17 =	sshll.u32 s0, $0xA;
	s2 =	sadd.s32 s3, s2  }
0x8d: {  	s2 =	sadd.s32 s2, s17  }
0x8e: {  	[smem:$0x3FC2] =	sst s2  }
0x8f: {  	_ = 	snop  }
0x90: {  	s2 =	sld [smem:$0x3FD0];
	(tm) =	ssettm $0x1  }
0x91: {  	s18 =	sld [smem:$0x3FFB];
	_ =	sdelay $0x3  }
0x92: {  	_ =	strace s18  }
0x93: {  	s3 =	sld [smem:$0x3FFC];
	_ =	sdelay $0x3  }
0x94: {  	_ =	strace s3  }
0x95: {  	s3 =	sld [smem:$0x3FFD];
	_ =	sdelay $0x3  }
0x96: {  	_ =	strace s3  }
0x97: {  	_ =	strace $0x8FFFFFFF  }
0x98: {  	s19 =	sld [smem:$0x3FDB];
	_ =	sdelay $0x1  }
0x99: {  	s4 =	simm.s32 $_scs_section_size  }
0x9a: {  	s5 =	simm.s32 $_size__tile_overlayer_lowered;
	s6 =	simm.s32 $_tile_overlayer_lowered  }
0x9b: {  	s22 =	simm.s32 $0x1BFF;
	s21 =	sshll.u32 s6, $0x1;
	s3 =	sadd.s32 s4, s19  }
0x9c: {  	s7 =	simm.s32 $0x0;
	s20 =	sshll.u32 s5, $0x1;
	s5 =	sadd.s32 s21, s3  }
0x9d: {  	[timem:s7], [sflag:s22] =	dma.local [hbm:s5], s20  }
0x9e: {  	_ =	swait.ge [sflag:s22], s20  }
0x9f: {  	s4 =	ssub.s32 $0x0, s20;
	[sflag:s22] =	ssyncset.done $0x0  }
0xa0: {  	[sflag:s22] =	ssyncadd.s32 s4;
	_ =	sdelay $0x1  }
0xa1: {  	s23 =	simm.s32 $0x1B8B  }
0xa2: {  	_ =	swait.ge [sflag:s23], $0x1  }
0xa3: {  	[sflag:s23] =	ssyncset.done $0x0  }
0xa4: {  	s25 =	simm.s32 $0x1B8E;
	s24 =	sld [smem:$0x3FFE];
	[sflag:s23] =	ssyncadd.s32 $0xFFFFFFFF  }
0xa5: {  	s26 =	simm.s32 $execute0_lowered;
	[smem:$0x3FD2] =	sst s25  }
0xa6: {  	s5 =	sshll.u32 s26, $0x1;
	_ =	strace $0x80000046;
	[dreg:$0x1] =	wrdreg $0xFFFFFFFF  }
0xa7: {  	s28 =	simm.s32 $_size_execute0_lowered;
	s3 =	sadd.s32 s3, s5;
	[dreg:$0x0] =	wrdreg $0x0  }
0xa8: {  	s5 =	sshll.u32 s28, $0x1;
	[dreg:$0x2] =	wrdreg s3  }
0xa9: {  	[dreg:$0x3] =	wrdreg s5  }
0xaa: {  	[dreg:$0x4] =	wrdreg $0xC0  }
0xab: {  	_ =	task [dreg:s7], $0x5FFFF  }
0xac: {  	[dreg:$0x1] =	wrdreg $0xFFFFFFFF  }
0xad: {  	[dreg:$0x0] =	wrdreg $0x60  }
0xae: {  	[dreg:$0x2] =	wrdreg s2  }
0xaf: {  	[dreg:$0x3] =	wrdreg s24  }
0xb0: {  	[dreg:$0x4] =	wrdreg $0x83000  }
0xb1: {  	[dreg:$0x5] =	wrdreg $0x85800  }
0xb2: {  	[dreg:$0x6] =	wrdreg $0x9  }
0xb3: {  	_ =	task.clear_ibuf [dreg:s7], $0x7FFFF;
	_ =	strace $0x90000046  }
0xb4: {  	s29 =	simm.s32 $0x9;
	_ =	strace $0x80000048  }
0xb5: {  	_ =	swait.ge [sflag:s29], $0x1  }
0xb6: {  	[sflag:s29] =	ssyncadd.s32 $0xFFFFFFFF  }
0xb7: {  	_ =	strace $0x90000048  }
0xb8: {  	_ =	sfence  }
0xb9: {  	s30 =	sld [smem:$0x0];
	_ =	sdelay $0x2  }
0xba: {  	s31 =	sshll.u32 s1, $0xD;
	s1 =	sshrl.u32 s1, $0x2  }
0xbb: {  	s3 =	sand.u32 $0x4000, s31;
	s1 =	sadd.s32 s1, s30  }
0xbc: {  	s0 =	sor.u32 s3, s0;
	s1 =	sshll.u32 s1, $0x11  }
0xbd: {  	s0 =	sor.u32 s1, s0  }
0xbe: {  	s0 =	sadd.s32 $0x8F2B, s0  }
0xbf: {  	[sflag:s0] =	ssyncadd.remote.s32 $0x1  }
0xc0: {  	_ =	sfence.sel $0xFFFF  }
0xc1: {  	[dreg:$0x0] =	wrdreg $0xFFFFFFFF;
	(pc) =	sbr.abs _section_cstart, $3  }
0xc2: {  	[dreg:$0x1] =	wrdreg $0xFFFFFFFF  }
0xc3: {  	_ =	task.clear_ibuf [dreg:s7], $0x2FFFF;
	_ =	strace $0x9FFFFFFF  }
0xc4: {  	(tm) =	ssettm $0x7FFFFFFF  }
0xc5: {  	_ =	shalt  }
tec
execute0_lowered:
.L_overlay_start_1:
0x0: {  	(tag) =	ssettag $0x1  }
0x1: {  	s0 =	rddreg [dreg:$0x0]  }
0x2: {  	s5 =	rddreg [dreg:$0x1]  }
0x3: {  	s1 =	rddreg [dreg:$0x2]  }
0x4: {  	s2 =	rddreg [dreg:$0x3];
	s4 =	simm.s32 $0x0  }
0x5: {  	s6 =	srdreg.scid;
	s3 =	stileid.u32;
	s14 =	simm.s32 $0x4000  }
0x6: {  	s15 =	simm.s32 $0x50;
	s16 =	simm.s32 $0x8000;
	s20 =	simm.s32 $0x4100  }
0x7: {  	s21 =	simm.s32 $0x180;
	s22 =	simm.s32 $0x4180;
	s23 =	simm.s32 $0x1  }
0x8: {  	s24 =	simm.s32 $0x2;
	s28 =	simm.s32 $0x3E00;
	s29 =	simm.s32 $0x7E00  }
0x9: {  	s30 =	simm.s32 $0x20;
	s31 =	simm.s32 $0x10;
	[smem:$0x7FF] =	sst s4  }
0xa: {  	s6 =	sand.u32 $0x1, s6;
	s7 =	smul.u32 $0x500, s3;
	s8 =	sshll.u32 s3, $0xC  }
0xb: {  	s26 =	smul.u32 $0x280, s3;
	_ =	strace $0x80000047;
	s10 =	sshll.u32 s6, $0x7  }
0xc: {  	s9 =	sshll.u32 s6, $0xB;
	s6 =	ssub.s32 $0x2, s6;
	s7 =	sor.u32 s10, s7  }
0xd: {  	s8 =	sor.u32 s9, s8;
	s25 =	sshrl.u32 s6, $0x1;
	s7 =	sshrl.u32 s7, $0x3  }
0xe: {  	s11 =	sadd.s32 s8, s5;
	s13 =	ssub.s32 s6, s25;
	s6 =	sadd.s32 s26, s2  }
0xf: {  	s25 =	simm.s32 $0x3;
	s12 =	sadd.s32 s7, s5;
	s5 =	sadd.s32 s26, s1  }
0x10: {  	s7 =	sadd.s32 s0, s8;
	s8 =	sadd.s32 $0x2400, s11;
	s11 =	smax.u32 s13, $0x1  }
0x11: {  	s13 =	simm.s32 $0x5;
	s26 =	simm.s32 $0x4;
	s0 =	simm.s32 $0x0  }
0x12: {  	v0 =	vimm.f32 $0.0e+00;
	v1 =	vimm.f32 $1.000000000e+00;
	s9 =	sadd.s32 $0x12400, s12;
	s10 =	sadd.s32 $0x12E00, s12;
	s12 =	simm.s32 $0x8080  }
.LBB2_1:
0x13: {  	[tilespmem:$0x8080] =	vst v0  }
0x14: {  	[tilespmem:$0x8090] =	vst v0  }
0x15: {  	[tilespmem:$0x80A0] =	vst v0  }
0x16: {  	[tilespmem:$0x80B0] =	vst v0  }
0x17: {  	[tilespmem:$0x80C0] =	vst v0  }
0x18: {  	[tilespmem:$0x80D0] =	vst v0  }
0x19: {  	[tilespmem:$0x80E0] =	vst v0  }
0x1a: {  	[tilespmem:$0x80F0] =	vst v0  }
0x1b: {  	[tilespmem:$0x8100] =	vst v0  }
0x1c: {  	[tilespmem:$0x8110] =	vst v0  }
0x1d: {  	[tilespmem:$0x8120] =	vst v0  }
0x1e: {  	[tilespmem:$0x8130] =	vst v0  }
0x1f: {  	[tilespmem:$0x8140] =	vst v0  }
0x20: {  	[tilespmem:$0x8150] =	vst v0  }
0x21: {  	[tilespmem:$0x8160] =	vst v0  }
0x22: {  	[tilespmem:$0x8170] =	vst v0  }
0x23: {  	[tilespmem:$0x8180] =	vst v0  }
0x24: {  	[tilespmem:$0x8190] =	vst v0  }
0x25: {  	[tilespmem:$0x81A0] =	vst v0  }
0x26: {  	[tilespmem:$0x81B0] =	vst v0  }
0x27: {  	[tilespmem:$0x81C0] =	vst v0  }
0x28: {  	[tilespmem:$0x81D0] =	vst v0  }
0x29: {  	[tilespmem:$0x81E0] =	vst v0  }
0x2a: {  	[tilespmem:$0x81F0] =	vst v0  }
0x2b: {  	[tilespmem:$0x8200] =	vst v0  }
0x2c: {  	[tilespmem:$0x8210] =	vst v0  }
0x2d: {  	[tilespmem:$0x8220] =	vst v0  }
0x2e: {  	[tilespmem:$0x8230] =	vst v0  }
0x2f: {  	[tilespmem:$0x8240] =	vst v0  }
0x30: {  	[tilespmem:$0x8250] =	vst v0  }
0x31: {  	[tilespmem:$0x8260] =	vst v0  }
0x32: {  	[tilespmem:$0x8270] =	vst v0  }
0x33: {  	[tilespmem:$0x8280] =	vst v0  }
0x34: {  	[tilespmem:$0x8290] =	vst v0  }
0x35: {  	[tilespmem:$0x82A0] =	vst v0  }
0x36: {  	[tilespmem:$0x82B0] =	vst v0  }
0x37: {  	[tilespmem:$0x82C0] =	vst v0  }
0x38: {  	[tilespmem:$0x82D0] =	vst v0  }
0x39: {  	[tilespmem:$0x82E0] =	vst v0  }
0x3a: {  	[tilespmem:$0x82F0] =	vst v0  }
0x3b: {  	[tilespmem:$0x8000] =	vst v1  }
0x3c: {  	[tilespmem:$0x8010] =	vst v1  }
0x3d: {  	[tilespmem:$0x8020] =	vst v1  }
0x3e: {  	[tilespmem:$0x8030] =	vst v1  }
0x3f: {  	[tilespmem:$0x8040] =	vst v1  }
0x40: {  	[spmem:s5] =	stream.linear.scatter [tilespmem:s12], [sflag:$0x5], $0x280, $0x38;
	[tilespmem:$0x8800] =	vst v63  }
0x41: {  	_ =	swait.ge [sflag:s13], $0x280  }
0x42: {  	[sflag:s13] =	ssyncset.done $0x0  }
0x43: {  	[sflag:s13] =	ssyncadd.s32 $0xFFFFFD80  }
0x44: {  	[spmem:s6] =	stream.linear.scatter [tilespmem:s12], [sflag:$0x5], $0x280, $0x38;
	[tilespmem:$0x8800] =	vst v63  }
0x45: {  	_ =	swait.ge [sflag:s13], $0x280  }
0x46: {  	[sflag:s13] =	ssyncset.done $0x0  }
0x47: {  	[sflag:s13] =	ssyncadd.s32 $0xFFFFFD80  }
0x48: {  	[tilespmem:s4], [sflag:$0x5] =	stream.linear.gather [hbm4b:s7+s4], $0x3E80, $0x38;
	[tilespmem:$0x8800] =	vst v63  }
0x49: {  	_ =	swait.ge [sflag:s13], $0x3E80  }
0x4a: {  	[sflag:s13] =	ssyncset.done $0x0  }
0x4b: {  	[sflag:s13] =	ssyncadd.s32 $0xFFFFC180  }
0x4c: {  	[tilespmem:s14], [sflag:$0x5] =	stream.linear.gather [hbm4b:s8+s4], $0x3E80, $0x38;
	[tilespmem:$0x8800] =	vst v63  }
0x4d: {  	_ =	swait.ge [sflag:s13], $0x3E80  }
0x4e: {  	[sflag:s13] =	ssyncset.done $0x0  }
0x4f: {  	[sflag:s13] =	ssyncadd.s32 $0xFFFFC180  }
0x50: {  	[bflag:$0x0] =	sbarrier.arrive $0xFFFF  }
0x51: {  	[spmem:s1] =	stream.indirect.scatter.add.f32 [tilespmem:s16], [sflag:$0x1], $0x1, s4, s15, $0xb8;
	[tilespmem:$0x8800] =	vst v63  }
0x52: {  	_ = 	snop  }
0x53: {  	[spmem:s2] =	stream.indirect.scatter.add.f32 [tilespmem:s16], [sflag:$0x1], $0x1, s14, s15, $0xb8;
	[tilespmem:$0x8800] =	vst v63  }
0x54: {  	s17 =	simm.s32 $0x80  }
0x55: {  	[spmem:s1] =	stream.indirect.scatter.add.f32 [tilespmem:s16], [sflag:$0x2], $0x1, s17, s15, $0xb8;
	[tilespmem:$0x8800] =	vst v63  }
0x56: {  	s19 =	simm.s32 $0x4080  }
0x57: {  	[spmem:s2] =	stream.indirect.scatter.add.f32 [tilespmem:s16], [sflag:$0x2], $0x1, s19, s15, $0xb8;
	[tilespmem:$0x8800] =	vst v63  }
0x58: {  	s18 =	simm.s32 $0x100  }
0x59: {  	[spmem:s1] =	stream.indirect.scatter.add.f32 [tilespmem:s16], [sflag:$0x3], $0x1, s18, s15, $0xb8;
	[tilespmem:$0x8800] =	vst v63  }
0x5a: {  	_ = 	snop  }
0x5b: {  	[spmem:s2] =	stream.indirect.scatter.add.f32 [tilespmem:s16], [sflag:$0x3], $0x1, s20, s15, $0xb8;
	[tilespmem:$0x8800] =	vst v63  }
0x5c: {  	_ = 	snop  }
0x5d: {  	[spmem:s1] =	stream.indirect.scatter.add.f32 [tilespmem:s16], [sflag:$0x4], $0x1, s21, s15, $0xb8;
	[tilespmem:$0x8800] =	vst v63  }
0x5e: {  	_ = 	snop  }
0x5f: {  	[spmem:s2] =	stream.indirect.scatter.add.f32 [tilespmem:s16], [sflag:$0x4], $0x1, s22, s15, $0xb8;
	[tilespmem:$0x8800] =	vst v63  }
0x60: {  	_ =	swait.ge [sflag:s23], $0x50  }
0x61: {  	[sflag:s23] =	ssyncset.done $0x0  }
0x62: {  	[sflag:s23] =	ssyncadd.s32 $0xFFFFFFB0  }
0x63: {  	_ =	swait.ge [sflag:s23], $0x50  }
0x64: {  	[sflag:s23] =	ssyncset.done $0x0  }
0x65: {  	s19 =	simm.s32 $0x200;
	[sflag:s23] =	ssyncadd.s32 $0xFFFFFFB0  }
0x66: {  	[spmem:s1] =	stream.indirect.scatter.add.f32 [tilespmem:s16], [sflag:$0x1], $0x1, s19, s15, $0xb8;
	[tilespmem:$0x8800] =	vst v63  }
0x67: {  	s18 =	simm.s32 $0x4200  }
0x68: {  	[spmem:s2] =	stream.indirect.scatter.add.f32 [tilespmem:s16], [sflag:$0x1], $0x1, s18, s15, $0xb8;
	[tilespmem:$0x8800] =	vst v63  }
0x69: {  	_ =	swait.ge [sflag:s24], $0x50  }
0x6a: {  	[sflag:s24] =	ssyncset.done $0x0  }
0x6b: {  	[sflag:s24] =	ssyncadd.s32 $0xFFFFFFB0  }
0x6c: {  	_ =	swait.ge [sflag:s24], $0x50  }
0x6d: {  	[sflag:s24] =	ssyncset.done $0x0  }
0x6e: {  	s19 =	simm.s32 $0x280;
	[sflag:s24] =	ssyncadd.s32 $0xFFFFFFB0  }
0x6f: {  	[spmem:s1] =	stream.indirect.scatter.add.f32 [tilespmem:s16], [sflag:$0x2], $0x1, s19, s15, $0xb8;
	[tilespmem:$0x8800] =	vst v63  }
0x70: {  	s18 =	simm.s32 $0x4280  }
0x71: {  	[spmem:s2] =	stream.indirect.scatter.add.f32 [tilespmem:s16], [sflag:$0x2], $0x1, s18, s15, $0xb8;
	[tilespmem:$0x8800] =	vst v63  }
0x72: {  	_ =	swait.ge [sflag:s25], $0x50  }
0x73: {  	[sflag:s25] =	ssyncset.done $0x0  }
0x74: {  	[sflag:s25] =	ssyncadd.s32 $0xFFFFFFB0  }
0x75: {  	_ =	swait.ge [sflag:s25], $0x50  }
0x76: {  	[sflag:s25] =	ssyncset.done $0x0  }
0x77: {  	s19 =	simm.s32 $0x300;
	[sflag:s25] =	ssyncadd.s32 $0xFFFFFFB0  }
0x78: {  	[spmem:s1] =	stream.indirect.scatter.add.f32 [tilespmem:s16], [sflag:$0x3], $0x1, s19, s15, $0xb8;
	[tilespmem:$0x8800] =	vst v63  }
0x79: {  	s18 =	simm.s32 $0x4300  }
0x7a: {  	[spmem:s2] =	stream.indirect.scatter.add.f32 [tilespmem:s16], [sflag:$0x3], $0x1, s18, s15, $0xb8;
	[tilespmem:$0x8800] =	vst v63  }
0x7b: {  	_ =	swait.ge [sflag:s26], $0x50  }
0x7c: {  	[sflag:s26] =	ssyncset.done $0x0  }
0x7d: {  	[sflag:s26] =	ssyncadd.s32 $0xFFFFFFB0  }
0x7e: {  	_ =	swait.ge [sflag:s26], $0x50  }
0x7f: {  	s17 =	simm.s32 $0x800;
	[sflag:s26] =	ssyncset.done $0x0  }
0x80: {  	s19 =	simm.s32 $0x380;
	s18 =	simm.s32 $0x4380;
	[sflag:s26] =	ssyncadd.s32 $0xFFFFFFB0  }
0x81: {  	[spmem:s1] =	stream.indirect.scatter.add.f32 [tilespmem:s16], [sflag:$0x4], $0x1, s19, s15, $0xb8;
	[tilespmem:$0x8800] =	vst v63  }
.LBB2_2:
0x82: {  	[spmem:s2] =	stream.indirect.scatter.add.f32 [tilespmem:s16], [sflag:$0x4], $0x1, s18, s15, $0xb8;
	[tilespmem:$0x8800] =	vst v63  }
0x83: {  	s18 =	smov.u32 s17  }
0x84: {  	p0 =	sne.s32 s17, $0xE800;
	s17 =	sadd.s32 $0x800, s17;
	_ =	swait.ge [sflag:s23], $0x50  }
0x85: {  	[sflag:s23] =	ssyncset.done $0x0  }
0x86: {  	[sflag:s23] =	ssyncadd.s32 $0xFFFFFFB0  }
0x87: {  	_ =	swait.ge [sflag:s23], $0x50  }
0x88: {  	s18 =	sshra.s32 s18, $0x2;
	[sflag:s23] =	ssyncset.done $0x0  }
0x89: {  	s19 =	sadd.s32 $0x200, s18;
	[sflag:s23] =	ssyncadd.s32 $0xFFFFFFB0  }
0x8a: {  	[spmem:s1] =	stream.indirect.scatter.add.f32 [tilespmem:s16], [sflag:$0x1], $0x1, s19, s15, $0xb8;
	[tilespmem:$0x8800] =	vst v63  }
0x8b: {  	s19 =	sadd.s32 $0x4200, s18  }
0x8c: {  	[spmem:s2] =	stream.indirect.scatter.add.f32 [tilespmem:s16], [sflag:$0x1], $0x1, s19, s15, $0xb8;
	[tilespmem:$0x8800] =	vst v63  }
0x8d: {  	_ =	swait.ge [sflag:s24], $0x50  }
0x8e: {  	[sflag:s24] =	ssyncset.done $0x0  }
0x8f: {  	[sflag:s24] =	ssyncadd.s32 $0xFFFFFFB0  }
0x90: {  	_ =	swait.ge [sflag:s24], $0x50  }
0x91: {  	[sflag:s24] =	ssyncset.done $0x0  }
0x92: {  	s19 =	sadd.s32 $0x280, s18;
	[sflag:s24] =	ssyncadd.s32 $0xFFFFFFB0  }
0x93: {  	[spmem:s1] =	stream.indirect.scatter.add.f32 [tilespmem:s16], [sflag:$0x2], $0x1, s19, s15, $0xb8;
	[tilespmem:$0x8800] =	vst v63  }
0x94: {  	s19 =	sadd.s32 $0x4280, s18  }
0x95: {  	[spmem:s2] =	stream.indirect.scatter.add.f32 [tilespmem:s16], [sflag:$0x2], $0x1, s19, s15, $0xb8;
	[tilespmem:$0x8800] =	vst v63  }
0x96: {  	_ =	swait.ge [sflag:s25], $0x50  }
0x97: {  	[sflag:s25] =	ssyncset.done $0x0  }
0x98: {  	[sflag:s25] =	ssyncadd.s32 $0xFFFFFFB0  }
0x99: {  	_ =	swait.ge [sflag:s25], $0x50  }
0x9a: {  	[sflag:s25] =	ssyncset.done $0x0  }
0x9b: {  	s19 =	sadd.s32 $0x300, s18;
	[sflag:s25] =	ssyncadd.s32 $0xFFFFFFB0  }
0x9c: {  	[spmem:s1] =	stream.indirect.scatter.add.f32 [tilespmem:s16], [sflag:$0x3], $0x1, s19, s15, $0xb8;
	[tilespmem:$0x8800] =	vst v63  }
0x9d: {  	s19 =	sadd.s32 $0x4300, s18  }
0x9e: {  	[spmem:s2] =	stream.indirect.scatter.add.f32 [tilespmem:s16], [sflag:$0x3], $0x1, s19, s15, $0xb8;
	[tilespmem:$0x8800] =	vst v63  }
0x9f: {  	_ =	swait.ge [sflag:s26], $0x50  }
0xa0: {  	[sflag:s26] =	ssyncset.done $0x0  }
0xa1: {  	[sflag:s26] =	ssyncadd.s32 $0xFFFFFFB0  }
.Ltmp0:
0xa2: {  	_ =	swait.ge [sflag:s26], $0x50;
	(pc) =	sbr.rel @p0 .LBB2_2-.Ltmp0, $4  }
0xa3: {  	[sflag:s26] =	ssyncset.done $0x0  }
0xa4: {  	s19 =	sadd.s32 $0x380, s18;
	[sflag:s26] =	ssyncadd.s32 $0xFFFFFFB0  }
0xa5: {  	[spmem:s1] =	stream.indirect.scatter.add.f32 [tilespmem:s16], [sflag:$0x4], $0x1, s19, s15, $0xb8;
	[tilespmem:$0x8800] =	vst v63  }
0xa6: {  	s18 =	sadd.s32 $0x4380, s18  }
0xa7: {  	[spmem:s2] =	stream.indirect.scatter.add.f32 [tilespmem:s16], [sflag:$0x4], $0x1, s18, s15, $0xb8;
	[tilespmem:$0x8800] =	vst v63  }
0xa8: {  	_ =	swait.ge [sflag:s23], $0x50  }
0xa9: {  	[sflag:s23] =	ssyncset.done $0x0  }
0xaa: {  	[sflag:s23] =	ssyncadd.s32 $0xFFFFFFB0  }
0xab: {  	_ =	swait.ge [sflag:s23], $0x50  }
0xac: {  	[sflag:s23] =	ssyncset.done $0x0  }
0xad: {  	[sflag:s23] =	ssyncadd.s32 $0xFFFFFFB0  }
0xae: {  	_ =	swait.ge [sflag:s24], $0x50  }
0xaf: {  	[sflag:s24] =	ssyncset.done $0x0  }
0xb0: {  	[sflag:s24] =	ssyncadd.s32 $0xFFFFFFB0  }
0xb1: {  	_ =	swait.ge [sflag:s24], $0x50  }
0xb2: {  	[sflag:s24] =	ssyncset.done $0x0  }
0xb3: {  	[sflag:s24] =	ssyncadd.s32 $0xFFFFFFB0  }
0xb4: {  	_ =	swait.ge [sflag:s25], $0x50  }
0xb5: {  	[sflag:s25] =	ssyncset.done $0x0  }
0xb6: {  	[sflag:s25] =	ssyncadd.s32 $0xFFFFFFB0  }
0xb7: {  	_ =	swait.ge [sflag:s25], $0x50  }
0xb8: {  	[sflag:s25] =	ssyncset.done $0x0  }
0xb9: {  	[sflag:s25] =	ssyncadd.s32 $0xFFFFFFB0  }
0xba: {  	_ =	swait.ge [sflag:s26], $0x50  }
0xbb: {  	[sflag:s26] =	ssyncset.done $0x0  }
0xbc: {  	[sflag:s26] =	ssyncadd.s32 $0xFFFFFFB0  }
0xbd: {  	_ =	swait.ge [sflag:s26], $0x50  }
0xbe: {  	[sflag:s26] =	ssyncset.done $0x0  }
0xbf: {  	[sflag:s26] =	ssyncadd.s32 $0xFFFFFFB0  }
0xc0: {  	[spmem:s1] =	stream.indirect.scatter.add.f32 [tilespmem:s16], [sflag:$0x1], $0x1, s28, s15, $0xb8;
	[tilespmem:$0x8800] =	vst v63  }
0xc1: {  	_ = 	snop  }
0xc2: {  	[spmem:s2] =	stream.indirect.scatter.add.f32 [tilespmem:s16], [sflag:$0x1], $0x1, s29, s15, $0xb8;
	[tilespmem:$0x8800] =	vst v63  }
0xc3: {  	_ =	swait.ge [sflag:s23], $0x50  }
0xc4: {  	[sflag:s23] =	ssyncset.done $0x0  }
0xc5: {  	[sflag:s23] =	ssyncadd.s32 $0xFFFFFFB0  }
0xc6: {  	_ =	swait.ge [sflag:s23], $0x50  }
0xc7: {  	[sflag:s23] =	ssyncset.done $0x0  }
0xc8: {  	s17 =	sshll.u32 s3, $0x6;
	[sflag:s23] =	ssyncadd.s32 $0xFFFFFFB0  }
0xc9: {  	s19 =	sshrl.u32 s5, $0x3;
	s17 =	sor.u32 $0x1C05, s17;
	[bflag:$0x0] =	sbarrier.arrive $0xFFFF  }
0xca: {  	[hbm:s9@s30], [sflag:s17] =	dma.strided [spmem:s19@s31], $0x50, s23, $0x10   }
0xcb: {  	s0 =	sadd.s32 $0x1, s0;
	_ =	swait.ge [sflag:s13], $0x50  }
0xcc: {  	p0 =	sne.s32 s0, s11;
	[sflag:s13] =	ssyncset.done $0x0  }
.Ltmp1:
0xcd: {  	s19 =	sshrl.u32 s6, $0x3;
	[sflag:s13] =	ssyncadd.s32 $0xFFFFFFB0;
	(pc) =	sbr.rel @p0 .LBB2_1-.Ltmp1, $4  }
0xce: {  	[hbm:s10@s30], [sflag:s17] =	dma.strided [spmem:s19@s31], $0x50, s23, $0x10   }
0xcf: {  	_ =	swait.ge [sflag:s13], $0x50  }
0xd0: {  	[sflag:s13] =	ssyncset.done $0x0  }
0xd1: {  	[sflag:s13] =	ssyncadd.s32 $0xFFFFFFB0  }
0xd2: {  	_ =	sfence.sel $0x180000  }
0xd3: {  	[bflag:$0x0] =	sbarrier.arrive $0xFFFF  }
0xd4: {  	_ =	strace $0x90000047  }
0xd5: {  	[bflag:$0x2] =	sbarrier.arrive $0xFFFF  }
0xd6: {  	p0 =	sne.s32 s3, $0x0;
	s0 =	rddreg [dreg:$0x4]  }
0xd7: {  	s0 =	sadd.s32 @!p0 $0x100000, s0  }
0xd8: {  	[sflag:s0] =	ssyncadd.tile.s32 @!p0 $0x1;
	_ =	shalt  }
.Lfunc_end2:
_tile_overlayer_lowered:
.L_overlay_start_2:
0xd9: {  	(tag) =	ssettag $0x2  }
0xda: {  	s0 =	rddreg [dreg:$0x0];
	s2 =	stileid.u32  }
0xdb: {  	s1 =	rddreg [dreg:$0x1];
	p0 =	sne.s32 s2, $0x0  }
0xdc: {  	s3 =	rddreg [dreg:$0x2];
	[bflag:$0x3] =	sbarrier.arrive $0xFFFF;
	s2 =	simm.s32 @!p0 $0x1C05  }
0xdd: {  	[timem:s3], [sflag:s2] =	dma.local @!p0 [hbm:s0], s1  }
0xde: {  	s0 =	simm.s32 @!p0 $0x5  }
0xdf: {  	_ =	swait.ge @!p0 [sflag:s0], s1  }
0xe0: {  	s1 =	ssub.s32 @!p0 $0x0, s1;
	[sflag:s0] =	ssyncset.done @!p0 $0x0  }
0xe1: {  	[sflag:s0] =	ssyncadd.s32 @!p0 s1  }
0xe2: {  	[bflag:$0x3] =	sbarrier.arrive $0xFFFF  }
0xe3: {  	_ =	shalt  }

</sc_bundles>
